<compile_context>
chip_gen: v7x
topology: tpu7x:2x2x1
jax: 0.10.2.dev20260603
libtpu: 0.0.44.dev20260713+nightly
codegen_flags: <defaults>
</compile_context>

<pallas_src>
import functools

import jax
import jax.numpy as jnp
from jax import lax
from jax.experimental import pallas as pl
from jax.experimental.pallas import tpu as pltpu
from jax.experimental.pallas import tpu_sc as plsc

_N_EDGES = 320000
_D = 128
_L = 16
_U = 4
_R = 5


def _build(n_edges, d, chunk, n_nodes, n_rel,
           num_cores=2, num_subcores=16, unroll=4):
    nw = num_cores * num_subcores
    epw = n_edges // nw
    assert epw * nw == n_edges
    nchunk = epw // chunk
    assert nchunk * chunk == epw
    d2 = d // 2
    assert chunk % _L == 0 and chunk % 8 == 0 and chunk <= 128
    assert nchunk % _R == 0
    mesh = plsc.VectorSubcoreMesh(
        core_axis_name="c", subcore_axis_name="s",
        num_cores=num_cores, num_subcores=num_subcores)

    def body(x_hbm, src_hbm, dst_hbm, typ_hbm, w_hbm, out_hbm,
             si, di, ti, sbufs, rbufs, obufs, outv, *sems):
        sid = lax.axis_index("s")
        wid = sid * num_cores + lax.axis_index("c")
        base = wid * epw

        pltpu.sync_copy(src_hbm.at[pl.ds(base, epw)], si)
        pltpu.sync_copy(dst_hbm.at[pl.ds(base, epw)], di)
        pltpu.sync_copy(typ_hbm.at[pl.ds(base, epw)], ti)

        def start(k, b):
            o = k * chunk
            pltpu.async_copy(x_hbm.at[si.at[pl.ds(o, chunk)]], sbufs[b], sems[b])
            pltpu.async_copy(x_hbm.at[di.at[pl.ds(o, chunk)]], obufs[b], sems[b])
            pltpu.async_copy(w_hbm.at[ti.at[pl.ds(o, chunk)]], rbufs[b], sems[b])

        def drain(k, b):
            o = k * chunk
            pltpu.make_async_copy(
                x_hbm.at[si.at[pl.ds(o, chunk)]], sbufs[b], sems[b]).wait()
            pltpu.make_async_copy(
                x_hbm.at[di.at[pl.ds(o, chunk)]], obufs[b], sems[b]).wait()
            pltpu.make_async_copy(
                w_hbm.at[ti.at[pl.ds(o, chunk)]], rbufs[b], sems[b]).wait()

        def compute(k, b):
            o = k * chunk
            sbuf, rbuf, obuf = sbufs[b], rbufs[b], obufs[b]

            def eblk_body(eb, inner_carry):
                rows = eb * _L + lax.iota(jnp.int32, _L)

                lane = lax.iota(jnp.int32, _L)

                def c_body(j, acc):
                    parts = []
                    for u in range(_U):
                        cp = j * _U + u
                        cols = (lane + cp) & (d2 - 1)
                        spair = plsc.load_gather(sbuf, [rows, cols])
                        rpair = plsc.load_gather(rbuf, [rows, cols])
                        opair = plsc.load_gather(obuf, [rows, cols])
                        prod = (plsc.bitcast(spair, jnp.bfloat16)
                                * plsc.bitcast(rpair, jnp.bfloat16)
                                * plsc.bitcast(opair, jnp.bfloat16))
                        p0, p1 = plsc.unpack(
                            prod, format=plsc.PackFormat.INTERLEAVED)
                        parts.append(p0 + p1)
                    while len(parts) > 1:
                        parts = [a + b for a, b in
                                 zip(parts[0::2], parts[1::2])]
                    return acc + parts[0]

                acc = lax.fori_loop(0, d2 // _U, c_body,
                                    jnp.zeros((_L,), jnp.float32),
                                    unroll=2)
                outv[pl.ds(o + eb * _L, _L)] = acc
                return inner_carry

            lax.fori_loop(0, chunk // _L, eblk_body, 0)

        for j in range(_R - 1):
            start(j, j)

        def ring_body(kk, carry):
            for j in range(_R):
                k = _R * kk + j

                @pl.when(k + _R - 1 < nchunk)
                def _start_ahead():
                    start(k + _R - 1, (j + _R - 1) % _R)

                drain(k, j)
                compute(k, j)
            return carry

        lax.fori_loop(0, nchunk // _R, ring_body, 0)

        pltpu.sync_copy(outv, out_hbm.at[pl.ds(base, epw)])

    return pl.kernel(
        body,
        out_type=jax.ShapeDtypeStruct((n_edges,), jnp.float32),
        mesh=mesh,
        scratch_types=[
            pltpu.VMEM((epw,), jnp.int32),
            pltpu.VMEM((epw,), jnp.int32),
            pltpu.VMEM((epw,), jnp.int32),
            (pltpu.VMEM((chunk, d2), jnp.int32),) * _R,
            (pltpu.VMEM((chunk, d2), jnp.int32),) * _R,
            (pltpu.VMEM((chunk, d2), jnp.int32),) * _R,
            pltpu.VMEM((epw,), jnp.float32),
        ] + [pltpu.SemaphoreType.DMA] * _R,
        compiler_params=pltpu.CompilerParams(needs_layout_passes=False, use_tc_tiling_on_sc=False),
    )


_distmult = _build(_N_EDGES, _D, chunk=80, n_nodes=10000, n_rel=1000)


@jax.jit
def kernel(x, edge_index, edge_type, weights):
    src = edge_index[0].astype(jnp.int32)
    dst = edge_index[1].astype(jnp.int32)
    typ = edge_type.astype(jnp.int32)
    n, d = x.shape
    m, _ = weights.shape
    xp = lax.bitcast_convert_type(
        x.astype(jnp.bfloat16).reshape(n, d // 2, 2), jnp.int32)
    wp = lax.bitcast_convert_type(
        weights.astype(jnp.bfloat16).reshape(m, d // 2, 2), jnp.int32)
    return _distmult(xp, src, dst, typ, wp)

# --- scband reference (transcript-rebuilt; emitter-appended) ---
"""Pipeline reference for scband-dist-mult-78211354460365 (READ-ONLY COPY).

The authoritative reference and input builder live on the scoring server;
editing this copy changes nothing except your own understanding.
"""

import jax, jax.numpy as jnp
import numpy as np

N_NODES = 10000
N_EDGES = 320000
N_RELATIONS = 1000
N_CHANNELS = 128
NORMALIZE = False


def setup_inputs(seed: int = 0) -> dict:
    key = jax.random.key(seed)
    k1, k2, k3, k4 = jax.random.split(key, 4)
    x = jax.random.normal(k1, (N_NODES, N_CHANNELS), dtype=jnp.float32)
    edge_index = jax.random.randint(k2, (2, N_EDGES), 0, N_NODES, dtype=jnp.int64)
    edge_type = jax.random.randint(k3, (N_EDGES,), 0, N_RELATIONS, dtype=jnp.int64)
    # DistMult relation weights, xavier_normal init as in the original module
    weights = jax.nn.initializers.xavier_normal()(k4, (N_RELATIONS, N_CHANNELS)).astype(jnp.float32)
    return {"x": x, "edge_index": edge_index, "edge_type": edge_type, "weights": weights}


def reference(x, edge_index, edge_type, weights):
    # gather subject embeddings, relation vectors, object embeddings
    s = x[edge_index[0, :]]
    r = weights[edge_type, :]
    o = x[edge_index[1, :]]
    if NORMALIZE:
        s = s / jnp.linalg.norm(s, axis=1, keepdims=True)
        o = o / jnp.linalg.norm(o, axis=1, keepdims=True)
    return jnp.sum(s * r * o, axis=1)

if __name__ == "__main__":
    import jax
    _d = setup_inputs()
    print(jax.jit(kernel)(*tuple(_d.values())))

</pallas_src>

<mosaic_0001>
#map = affine_map<(d0, d1) -> (0, 0)>
#map1 = affine_map<(d0, d1) -> (0)>
module attributes {stable_mosaic.version = 14 : i64} {
  func.func @body(%arg0: i32, %arg1: i32, %arg2: memref<10000x64xi32, #tpu.memory_space<hbm>>, %arg3: memref<320000xi32, #tpu.memory_space<hbm>>, %arg4: memref<320000xi32, #tpu.memory_space<hbm>>, %arg5: memref<320000xi32, #tpu.memory_space<hbm>>, %arg6: memref<1000x64xi32, #tpu.memory_space<hbm>>, %arg7: memref<320000xf32, #tpu.memory_space<hbm>>, %arg8: memref<10000xi32, #tpu.memory_space<vmem>>, %arg9: memref<10000xi32, #tpu.memory_space<vmem>>, %arg10: memref<10000xi32, #tpu.memory_space<vmem>>, %arg11: memref<80x64xi32, #tpu.memory_space<vmem>>, %arg12: memref<80x64xi32, #tpu.memory_space<vmem>>, %arg13: memref<80x64xi32, #tpu.memory_space<vmem>>, %arg14: memref<80x64xi32, #tpu.memory_space<vmem>>, %arg15: memref<80x64xi32, #tpu.memory_space<vmem>>, %arg16: memref<80x64xi32, #tpu.memory_space<vmem>>, %arg17: memref<80x64xi32, #tpu.memory_space<vmem>>, %arg18: memref<80x64xi32, #tpu.memory_space<vmem>>, %arg19: memref<80x64xi32, #tpu.memory_space<vmem>>, %arg20: memref<80x64xi32, #tpu.memory_space<vmem>>, %arg21: memref<80x64xi32, #tpu.memory_space<vmem>>, %arg22: memref<80x64xi32, #tpu.memory_space<vmem>>, %arg23: memref<80x64xi32, #tpu.memory_space<vmem>>, %arg24: memref<80x64xi32, #tpu.memory_space<vmem>>, %arg25: memref<80x64xi32, #tpu.memory_space<vmem>>, %arg26: memref<10000xf32, #tpu.memory_space<vmem>>, %arg27: memref<!tpu.dma_semaphore, #tpu.memory_space<semaphore_mem>>, %arg28: memref<!tpu.dma_semaphore, #tpu.memory_space<semaphore_mem>>, %arg29: memref<!tpu.dma_semaphore, #tpu.memory_space<semaphore_mem>>, %arg30: memref<!tpu.dma_semaphore, #tpu.memory_space<semaphore_mem>>, %arg31: memref<!tpu.dma_semaphore, #tpu.memory_space<semaphore_mem>>) attributes {dimension_semantics = [#tpu.dimension_semantics<core_parallel>, #tpu.dimension_semantics<subcore_parallel>], iteration_bounds = array<i64: 2, 16>, scalar_prefetch = 0 : i64, scratch_operands = 24 : i64, tpu.core_type = #tpu.core_type<sc_vector_subcore>, window_params = [{transform_indices = #map}, {transform_indices = #map1}, {transform_indices = #map1}, {transform_indices = #map1}, {transform_indices = #map}, {transform_indices = #map1}]} {
    %mul3A = arith.constant 2 : i32
    %mul3A_0 = arith.muli %arg1, %mul3A : i32
    %add3A = arith.addi %mul3A_0, %arg0 : i32
    %mul3A_1 = arith.constant 10000 : i32
    %mul3A_2 = arith.muli %add3A, %mul3A_1 : i32
    "tpu.region"() ({
      %run_scoped3A = tpu.sem_alloc : memref<!tpu.dma_semaphore, #tpu.memory_space<semaphore_mem>>
      %dma_start3A_67 = tpu.memref_slice %arg3[%mul3A_2] : memref<320000xi32, #tpu.memory_space<hbm>> -> memref<10000xi32, #tpu.memory_space<hbm>>
      %dma_start3A_68 = tpu.memref_slice %arg3[%mul3A_2] : memref<320000xi32, #tpu.memory_space<hbm>> -> memref<10000xi32, #tpu.memory_space<hbm>>
      tpu.enqueue_dma source(%dma_start3A_68 : memref<10000xi32, #tpu.memory_space<hbm>>) target(%arg8 : memref<10000xi32, #tpu.memory_space<vmem>>) target_semaphore(%run_scoped3A : memref<!tpu.dma_semaphore, #tpu.memory_space<semaphore_mem>>)
      %dma_wait3A = tpu.memref_slice %arg3[%mul3A_2] : memref<320000xi32, #tpu.memory_space<hbm>> -> memref<10000xi32, #tpu.memory_space<hbm>>
      %dma_wait3A_69 = tpu.memref_slice %arg3[%mul3A_2] : memref<320000xi32, #tpu.memory_space<hbm>> -> memref<10000xi32, #tpu.memory_space<hbm>>
      tpu.wait_dma2 semaphore(%run_scoped3A : memref<!tpu.dma_semaphore, #tpu.memory_space<semaphore_mem>>) src(%dma_wait3A_69 : memref<10000xi32, #tpu.memory_space<hbm>>) dst(%arg8 : memref<10000xi32, #tpu.memory_space<vmem>>)
      tpu.yield
    }) : () -> ()
    "tpu.region"() ({
      %run_scoped3A = tpu.sem_alloc : memref<!tpu.dma_semaphore, #tpu.memory_space<semaphore_mem>>
      %dma_start3A_67 = tpu.memref_slice %arg4[%mul3A_2] : memref<320000xi32, #tpu.memory_space<hbm>> -> memref<10000xi32, #tpu.memory_space<hbm>>
      %dma_start3A_68 = tpu.memref_slice %arg4[%mul3A_2] : memref<320000xi32, #tpu.memory_space<hbm>> -> memref<10000xi32, #tpu.memory_space<hbm>>
      tpu.enqueue_dma source(%dma_start3A_68 : memref<10000xi32, #tpu.memory_space<hbm>>) target(%arg9 : memref<10000xi32, #tpu.memory_space<vmem>>) target_semaphore(%run_scoped3A : memref<!tpu.dma_semaphore, #tpu.memory_space<semaphore_mem>>)
      %dma_wait3A = tpu.memref_slice %arg4[%mul3A_2] : memref<320000xi32, #tpu.memory_space<hbm>> -> memref<10000xi32, #tpu.memory_space<hbm>>
      %dma_wait3A_69 = tpu.memref_slice %arg4[%mul3A_2] : memref<320000xi32, #tpu.memory_space<hbm>> -> memref<10000xi32, #tpu.memory_space<hbm>>
      tpu.wait_dma2 semaphore(%run_scoped3A : memref<!tpu.dma_semaphore, #tpu.memory_space<semaphore_mem>>) src(%dma_wait3A_69 : memref<10000xi32, #tpu.memory_space<hbm>>) dst(%arg9 : memref<10000xi32, #tpu.memory_space<vmem>>)
      tpu.yield
    }) : () -> ()
    "tpu.region"() ({
      %run_scoped3A = tpu.sem_alloc : memref<!tpu.dma_semaphore, #tpu.memory_space<semaphore_mem>>
      %dma_start3A_67 = tpu.memref_slice %arg5[%mul3A_2] : memref<320000xi32, #tpu.memory_space<hbm>> -> memref<10000xi32, #tpu.memory_space<hbm>>
      %dma_start3A_68 = tpu.memref_slice %arg5[%mul3A_2] : memref<320000xi32, #tpu.memory_space<hbm>> -> memref<10000xi32, #tpu.memory_space<hbm>>
      tpu.enqueue_dma source(%dma_start3A_68 : memref<10000xi32, #tpu.memory_space<hbm>>) target(%arg10 : memref<10000xi32, #tpu.memory_space<vmem>>) target_semaphore(%run_scoped3A : memref<!tpu.dma_semaphore, #tpu.memory_space<semaphore_mem>>)
      %dma_wait3A = tpu.memref_slice %arg5[%mul3A_2] : memref<320000xi32, #tpu.memory_space<hbm>> -> memref<10000xi32, #tpu.memory_space<hbm>>
      %dma_wait3A_69 = tpu.memref_slice %arg5[%mul3A_2] : memref<320000xi32, #tpu.memory_space<hbm>> -> memref<10000xi32, #tpu.memory_space<hbm>>
      tpu.wait_dma2 semaphore(%run_scoped3A : memref<!tpu.dma_semaphore, #tpu.memory_space<semaphore_mem>>) src(%dma_wait3A_69 : memref<10000xi32, #tpu.memory_space<hbm>>) dst(%arg10 : memref<10000xi32, #tpu.memory_space<vmem>>)
      tpu.yield
    }) : () -> ()
    %dma_start3A = arith.constant 0 : i32
    %dma_start3A_3 = tpu.memref_slice %arg8[%dma_start3A] : memref<10000xi32, #tpu.memory_space<vmem>> -> memref<80xi32, #tpu.memory_space<vmem>>
    %dma_start3A_4 = arith.constant 0 : i32
    %dma_start3A_5 = arith.constant 0 : i32
    %dma_start3A_6 = tpu.memref_slice %arg2[%dma_start3A_4, %dma_start3A_5] : memref<10000x64xi32, #tpu.memory_space<hbm>> -> memref<10000x64xi32, #tpu.memory_space<hbm>>
    tpu.enqueue_indirect_dma source(%dma_start3A_6 : memref<10000x64xi32, #tpu.memory_space<hbm>>) target(%arg11 : memref<80x64xi32, #tpu.memory_space<vmem>>) offsets(%dma_start3A_3 : memref<80xi32, #tpu.memory_space<vmem>>) semaphore(%arg27 : memref<!tpu.dma_semaphore, #tpu.memory_space<semaphore_mem>>)
    %dma_start3A_7 = arith.constant 0 : i32
    %dma_start3A_8 = tpu.memref_slice %arg9[%dma_start3A_7] : memref<10000xi32, #tpu.memory_space<vmem>> -> memref<80xi32, #tpu.memory_space<vmem>>
    %dma_start3A_9 = arith.constant 0 : i32
    %dma_start3A_10 = arith.constant 0 : i32
    %dma_start3A_11 = tpu.memref_slice %arg2[%dma_start3A_9, %dma_start3A_10] : memref<10000x64xi32, #tpu.memory_space<hbm>> -> memref<10000x64xi32, #tpu.memory_space<hbm>>
    tpu.enqueue_indirect_dma source(%dma_start3A_11 : memref<10000x64xi32, #tpu.memory_space<hbm>>) target(%arg21 : memref<80x64xi32, #tpu.memory_space<vmem>>) offsets(%dma_start3A_8 : memref<80xi32, #tpu.memory_space<vmem>>) semaphore(%arg27 : memref<!tpu.dma_semaphore, #tpu.memory_space<semaphore_mem>>)
    %dma_start3A_12 = arith.constant 0 : i32
    %dma_start3A_13 = tpu.memref_slice %arg10[%dma_start3A_12] : memref<10000xi32, #tpu.memory_space<vmem>> -> memref<80xi32, #tpu.memory_space<vmem>>
    %dma_start3A_14 = arith.constant 0 : i32
    %dma_start3A_15 = arith.constant 0 : i32
    %dma_start3A_16 = tpu.memref_slice %arg6[%dma_start3A_14, %dma_start3A_15] : memref<1000x64xi32, #tpu.memory_space<hbm>> -> memref<1000x64xi32, #tpu.memory_space<hbm>>
    tpu.enqueue_indirect_dma source(%dma_start3A_16 : memref<1000x64xi32, #tpu.memory_space<hbm>>) target(%arg16 : memref<80x64xi32, #tpu.memory_space<vmem>>) offsets(%dma_start3A_13 : memref<80xi32, #tpu.memory_space<vmem>>) semaphore(%arg27 : memref<!tpu.dma_semaphore, #tpu.memory_space<semaphore_mem>>)
    %dma_start3A_17 = arith.constant 80 : i32
    %dma_start3A_18 = tpu.memref_slice %arg8[%dma_start3A_17] : memref<10000xi32, #tpu.memory_space<vmem>> -> memref<80xi32, #tpu.memory_space<vmem>>
    %dma_start3A_19 = arith.constant 0 : i32
    %dma_start3A_20 = arith.constant 0 : i32
    %dma_start3A_21 = tpu.memref_slice %arg2[%dma_start3A_19, %dma_start3A_20] : memref<10000x64xi32, #tpu.memory_space<hbm>> -> memref<10000x64xi32, #tpu.memory_space<hbm>>
    tpu.enqueue_indirect_dma source(%dma_start3A_21 : memref<10000x64xi32, #tpu.memory_space<hbm>>) target(%arg12 : memref<80x64xi32, #tpu.memory_space<vmem>>) offsets(%dma_start3A_18 : memref<80xi32, #tpu.memory_space<vmem>>) semaphore(%arg28 : memref<!tpu.dma_semaphore, #tpu.memory_space<semaphore_mem>>)
    %dma_start3A_22 = arith.constant 80 : i32
    %dma_start3A_23 = tpu.memref_slice %arg9[%dma_start3A_22] : memref<10000xi32, #tpu.memory_space<vmem>> -> memref<80xi32, #tpu.memory_space<vmem>>
    %dma_start3A_24 = arith.constant 0 : i32
    %dma_start3A_25 = arith.constant 0 : i32
    %dma_start3A_26 = tpu.memref_slice %arg2[%dma_start3A_24, %dma_start3A_25] : memref<10000x64xi32, #tpu.memory_space<hbm>> -> memref<10000x64xi32, #tpu.memory_space<hbm>>
    tpu.enqueue_indirect_dma source(%dma_start3A_26 : memref<10000x64xi32, #tpu.memory_space<hbm>>) target(%arg22 : memref<80x64xi32, #tpu.memory_space<vmem>>) offsets(%dma_start3A_23 : memref<80xi32, #tpu.memory_space<vmem>>) semaphore(%arg28 : memref<!tpu.dma_semaphore, #tpu.memory_space<semaphore_mem>>)
    %dma_start3A_27 = arith.constant 80 : i32
    %dma_start3A_28 = tpu.memref_slice %arg10[%dma_start3A_27] : memref<10000xi32, #tpu.memory_space<vmem>> -> memref<80xi32, #tpu.memory_space<vmem>>
    %dma_start3A_29 = arith.constant 0 : i32
    %dma_start3A_30 = arith.constant 0 : i32
    %dma_start3A_31 = tpu.memref_slice %arg6[%dma_start3A_29, %dma_start3A_30] : memref<1000x64xi32, #tpu.memory_space<hbm>> -> memref<1000x64xi32, #tpu.memory_space<hbm>>
    tpu.enqueue_indirect_dma source(%dma_start3A_31 : memref<1000x64xi32, #tpu.memory_space<hbm>>) target(%arg17 : memref<80x64xi32, #tpu.memory_space<vmem>>) offsets(%dma_start3A_28 : memref<80xi32, #tpu.memory_space<vmem>>) semaphore(%arg28 : memref<!tpu.dma_semaphore, #tpu.memory_space<semaphore_mem>>)
    %dma_start3A_32 = arith.constant 160 : i32
    %dma_start3A_33 = tpu.memref_slice %arg8[%dma_start3A_32] : memref<10000xi32, #tpu.memory_space<vmem>> -> memref<80xi32, #tpu.memory_space<vmem>>
    %dma_start3A_34 = arith.constant 0 : i32
    %dma_start3A_35 = arith.constant 0 : i32
    %dma_start3A_36 = tpu.memref_slice %arg2[%dma_start3A_34, %dma_start3A_35] : memref<10000x64xi32, #tpu.memory_space<hbm>> -> memref<10000x64xi32, #tpu.memory_space<hbm>>
    tpu.enqueue_indirect_dma source(%dma_start3A_36 : memref<10000x64xi32, #tpu.memory_space<hbm>>) target(%arg13 : memref<80x64xi32, #tpu.memory_space<vmem>>) offsets(%dma_start3A_33 : memref<80xi32, #tpu.memory_space<vmem>>) semaphore(%arg29 : memref<!tpu.dma_semaphore, #tpu.memory_space<semaphore_mem>>)
    %dma_start3A_37 = arith.constant 160 : i32
    %dma_start3A_38 = tpu.memref_slice %arg9[%dma_start3A_37] : memref<10000xi32, #tpu.memory_space<vmem>> -> memref<80xi32, #tpu.memory_space<vmem>>
    %dma_start3A_39 = arith.constant 0 : i32
    %dma_start3A_40 = arith.constant 0 : i32
    %dma_start3A_41 = tpu.memref_slice %arg2[%dma_start3A_39, %dma_start3A_40] : memref<10000x64xi32, #tpu.memory_space<hbm>> -> memref<10000x64xi32, #tpu.memory_space<hbm>>
    tpu.enqueue_indirect_dma source(%dma_start3A_41 : memref<10000x64xi32, #tpu.memory_space<hbm>>) target(%arg23 : memref<80x64xi32, #tpu.memory_space<vmem>>) offsets(%dma_start3A_38 : memref<80xi32, #tpu.memory_space<vmem>>) semaphore(%arg29 : memref<!tpu.dma_semaphore, #tpu.memory_space<semaphore_mem>>)
    %dma_start3A_42 = arith.constant 160 : i32
    %dma_start3A_43 = tpu.memref_slice %arg10[%dma_start3A_42] : memref<10000xi32, #tpu.memory_space<vmem>> -> memref<80xi32, #tpu.memory_space<vmem>>
    %dma_start3A_44 = arith.constant 0 : i32
    %dma_start3A_45 = arith.constant 0 : i32
    %dma_start3A_46 = tpu.memref_slice %arg6[%dma_start3A_44, %dma_start3A_45] : memref<1000x64xi32, #tpu.memory_space<hbm>> -> memref<1000x64xi32, #tpu.memory_space<hbm>>
    tpu.enqueue_indirect_dma source(%dma_start3A_46 : memref<1000x64xi32, #tpu.memory_space<hbm>>) target(%arg18 : memref<80x64xi32, #tpu.memory_space<vmem>>) offsets(%dma_start3A_43 : memref<80xi32, #tpu.memory_space<vmem>>) semaphore(%arg29 : memref<!tpu.dma_semaphore, #tpu.memory_space<semaphore_mem>>)
    %dma_start3A_47 = arith.constant 240 : i32
    %dma_start3A_48 = tpu.memref_slice %arg8[%dma_start3A_47] : memref<10000xi32, #tpu.memory_space<vmem>> -> memref<80xi32, #tpu.memory_space<vmem>>
    %dma_start3A_49 = arith.constant 0 : i32
    %dma_start3A_50 = arith.constant 0 : i32
    %dma_start3A_51 = tpu.memref_slice %arg2[%dma_start3A_49, %dma_start3A_50] : memref<10000x64xi32, #tpu.memory_space<hbm>> -> memref<10000x64xi32, #tpu.memory_space<hbm>>
    tpu.enqueue_indirect_dma source(%dma_start3A_51 : memref<10000x64xi32, #tpu.memory_space<hbm>>) target(%arg14 : memref<80x64xi32, #tpu.memory_space<vmem>>) offsets(%dma_start3A_48 : memref<80xi32, #tpu.memory_space<vmem>>) semaphore(%arg30 : memref<!tpu.dma_semaphore, #tpu.memory_space<semaphore_mem>>)
    %dma_start3A_52 = arith.constant 240 : i32
    %dma_start3A_53 = tpu.memref_slice %arg9[%dma_start3A_52] : memref<10000xi32, #tpu.memory_space<vmem>> -> memref<80xi32, #tpu.memory_space<vmem>>
    %dma_start3A_54 = arith.constant 0 : i32
    %dma_start3A_55 = arith.constant 0 : i32
    %dma_start3A_56 = tpu.memref_slice %arg2[%dma_start3A_54, %dma_start3A_55] : memref<10000x64xi32, #tpu.memory_space<hbm>> -> memref<10000x64xi32, #tpu.memory_space<hbm>>
    tpu.enqueue_indirect_dma source(%dma_start3A_56 : memref<10000x64xi32, #tpu.memory_space<hbm>>) target(%arg24 : memref<80x64xi32, #tpu.memory_space<vmem>>) offsets(%dma_start3A_53 : memref<80xi32, #tpu.memory_space<vmem>>) semaphore(%arg30 : memref<!tpu.dma_semaphore, #tpu.memory_space<semaphore_mem>>)
    %dma_start3A_57 = arith.constant 240 : i32
    %dma_start3A_58 = tpu.memref_slice %arg10[%dma_start3A_57] : memref<10000xi32, #tpu.memory_space<vmem>> -> memref<80xi32, #tpu.memory_space<vmem>>
    %dma_start3A_59 = arith.constant 0 : i32
    %dma_start3A_60 = arith.constant 0 : i32
    %dma_start3A_61 = tpu.memref_slice %arg6[%dma_start3A_59, %dma_start3A_60] : memref<1000x64xi32, #tpu.memory_space<hbm>> -> memref<1000x64xi32, #tpu.memory_space<hbm>>
    tpu.enqueue_indirect_dma source(%dma_start3A_61 : memref<1000x64xi32, #tpu.memory_space<hbm>>) target(%arg19 : memref<80x64xi32, #tpu.memory_space<vmem>>) offsets(%dma_start3A_58 : memref<80xi32, #tpu.memory_space<vmem>>) semaphore(%arg30 : memref<!tpu.dma_semaphore, #tpu.memory_space<semaphore_mem>>)
    %scan3A = arith.constant 0 : i32
    %scan3A_62 = arith.constant 0 : i32
    %scan3A_63 = arith.constant 25 : i32
    %scan3A_64 = arith.addi %scan3A_62, %scan3A_63 : i32
    %scan3A_65 = arith.constant 1 : i32
    scf.for %scan3A_67 = %scan3A_62 to %scan3A_64 step %scan3A_65  : i32 {
      %mul3A_68 = arith.constant 5 : i32
      %mul3A_69 = arith.muli %mul3A_68, %scan3A_67 : i32
      %add3A_70 = arith.constant 0 : i32
      %add3A_71 = arith.addi %mul3A_69, %add3A_70 : i32
      %add3A_72 = arith.constant 5 : i32
      %add3A_73 = arith.addi %add3A_71, %add3A_72 : i32
      %sub3A = arith.constant 1 : i32
      %sub3A_74 = arith.subi %add3A_73, %sub3A : i32
      %lt3A = arith.constant 125 : i32
      %lt3A_75 = arith.cmpi slt, %sub3A_74, %lt3A : i32
      %convert_element_type3A = arith.extui %lt3A_75 : i1 to i32
      %cond3A = arith.constant 0 : i32
      %cond3A_76 = arith.cmpi ne, %convert_element_type3A, %cond3A : i32
      scf.if %cond3A_76 {
        %add3A_238 = arith.constant 5 : i32
        %add3A_239 = arith.addi %add3A_71, %add3A_238 : i32
        %sub3A_240 = arith.constant 1 : i32
        %sub3A_241 = arith.subi %add3A_239, %sub3A_240 : i32
        %mul3A_242 = arith.constant 80 : i32
        %mul3A_243 = arith.muli %sub3A_241, %mul3A_242 : i32
        %dma_start3A_244 = tpu.memref_slice %arg8[%mul3A_243] : memref<10000xi32, #tpu.memory_space<vmem>> -> memref<80xi32, #tpu.memory_space<vmem>>
        %dma_start3A_245 = arith.constant 0 : i32
        %dma_start3A_246 = arith.constant 0 : i32
        %dma_start3A_247 = tpu.memref_slice %arg2[%dma_start3A_245, %dma_start3A_246] : memref<10000x64xi32, #tpu.memory_space<hbm>> -> memref<10000x64xi32, #tpu.memory_space<hbm>>
        tpu.enqueue_indirect_dma source(%dma_start3A_247 : memref<10000x64xi32, #tpu.memory_space<hbm>>) target(%arg15 : memref<80x64xi32, #tpu.memory_space<vmem>>) offsets(%dma_start3A_244 : memref<80xi32, #tpu.memory_space<vmem>>) semaphore(%arg31 : memref<!tpu.dma_semaphore, #tpu.memory_space<semaphore_mem>>)
        %dma_start3A_248 = tpu.memref_slice %arg9[%mul3A_243] : memref<10000xi32, #tpu.memory_space<vmem>> -> memref<80xi32, #tpu.memory_space<vmem>>
        %dma_start3A_249 = arith.constant 0 : i32
        %dma_start3A_250 = arith.constant 0 : i32
        %dma_start3A_251 = tpu.memref_slice %arg2[%dma_start3A_249, %dma_start3A_250] : memref<10000x64xi32, #tpu.memory_space<hbm>> -> memref<10000x64xi32, #tpu.memory_space<hbm>>
        tpu.enqueue_indirect_dma source(%dma_start3A_251 : memref<10000x64xi32, #tpu.memory_space<hbm>>) target(%arg25 : memref<80x64xi32, #tpu.memory_space<vmem>>) offsets(%dma_start3A_248 : memref<80xi32, #tpu.memory_space<vmem>>) semaphore(%arg31 : memref<!tpu.dma_semaphore, #tpu.memory_space<semaphore_mem>>)
        %dma_start3A_252 = tpu.memref_slice %arg10[%mul3A_243] : memref<10000xi32, #tpu.memory_space<vmem>> -> memref<80xi32, #tpu.memory_space<vmem>>
        %dma_start3A_253 = arith.constant 0 : i32
        %dma_start3A_254 = arith.constant 0 : i32
        %dma_start3A_255 = tpu.memref_slice %arg6[%dma_start3A_253, %dma_start3A_254] : memref<1000x64xi32, #tpu.memory_space<hbm>> -> memref<1000x64xi32, #tpu.memory_space<hbm>>
        tpu.enqueue_indirect_dma source(%dma_start3A_255 : memref<1000x64xi32, #tpu.memory_space<hbm>>) target(%arg20 : memref<80x64xi32, #tpu.memory_space<vmem>>) offsets(%dma_start3A_252 : memref<80xi32, #tpu.memory_space<vmem>>) semaphore(%arg31 : memref<!tpu.dma_semaphore, #tpu.memory_space<semaphore_mem>>)
      } else {
      }
      %mul3A_77 = arith.constant 80 : i32
      %mul3A_78 = arith.muli %add3A_71, %mul3A_77 : i32
      %dma_wait3A = tpu.memref_slice %arg8[%mul3A_78] : memref<10000xi32, #tpu.memory_space<vmem>> -> memref<80xi32, #tpu.memory_space<vmem>>
      %dma_wait3A_79 = arith.constant 0 : i32
      %dma_wait3A_80 = arith.constant 0 : i32
      %dma_wait3A_81 = tpu.memref_slice %arg2[%dma_wait3A_79, %dma_wait3A_80] : memref<10000x64xi32, #tpu.memory_space<hbm>> -> memref<10000x64xi32, #tpu.memory_space<hbm>>
      tpu.wait_indirect_dma semaphore(%arg27 : memref<!tpu.dma_semaphore, #tpu.memory_space<semaphore_mem>>) src(%dma_wait3A_81 : memref<10000x64xi32, #tpu.memory_space<hbm>>) dst(%arg11 : memref<80x64xi32, #tpu.memory_space<vmem>>)
      %dma_wait3A_82 = tpu.memref_slice %arg9[%mul3A_78] : memref<10000xi32, #tpu.memory_space<vmem>> -> memref<80xi32, #tpu.memory_space<vmem>>
      %dma_wait3A_83 = arith.constant 0 : i32
      %dma_wait3A_84 = arith.constant 0 : i32
      %dma_wait3A_85 = tpu.memref_slice %arg2[%dma_wait3A_83, %dma_wait3A_84] : memref<10000x64xi32, #tpu.memory_space<hbm>> -> memref<10000x64xi32, #tpu.memory_space<hbm>>
      tpu.wait_indirect_dma semaphore(%arg27 : memref<!tpu.dma_semaphore, #tpu.memory_space<semaphore_mem>>) src(%dma_wait3A_85 : memref<10000x64xi32, #tpu.memory_space<hbm>>) dst(%arg21 : memref<80x64xi32, #tpu.memory_space<vmem>>)
      %dma_wait3A_86 = tpu.memref_slice %arg10[%mul3A_78] : memref<10000xi32, #tpu.memory_space<vmem>> -> memref<80xi32, #tpu.memory_space<vmem>>
      %dma_wait3A_87 = arith.constant 0 : i32
      %dma_wait3A_88 = arith.constant 0 : i32
      %dma_wait3A_89 = tpu.memref_slice %arg6[%dma_wait3A_87, %dma_wait3A_88] : memref<1000x64xi32, #tpu.memory_space<hbm>> -> memref<1000x64xi32, #tpu.memory_space<hbm>>
      tpu.wait_indirect_dma semaphore(%arg27 : memref<!tpu.dma_semaphore, #tpu.memory_space<semaphore_mem>>) src(%dma_wait3A_89 : memref<1000x64xi32, #tpu.memory_space<hbm>>) dst(%arg16 : memref<80x64xi32, #tpu.memory_space<vmem>>)
      %mul3A_90 = arith.constant 80 : i32
      %mul3A_91 = arith.muli %add3A_71, %mul3A_90 : i32
      %scan3A_92 = arith.constant 0 : i32
      %scan3A_93 = arith.constant 0 : i32
      %scan3A_94 = arith.constant 5 : i32
      %scan3A_95 = arith.addi %scan3A_93, %scan3A_94 : i32
      %scan3A_96 = arith.constant 1 : i32
      scf.for %scan3A_238 = %scan3A_93 to %scan3A_95 step %scan3A_96  : i32 {
        %mul3A_239 = arith.constant 16 : i32
        %mul3A_240 = arith.muli %scan3A_238, %mul3A_239 : i32
        %iota3A = tpu.iota {dimensions = array<i32: 0>} : vector<16xi32>
        %add3A_241 = vector.broadcast %mul3A_240 : i32 to vector<16xi32>
        %add3A_242 = arith.addi %add3A_241, %iota3A : vector<16xi32>
        %iota3A_243 = tpu.iota {dimensions = array<i32: 0>} : vector<16xi32>
        %broadcast_in_dim3A = arith.constant 0.000000e+00 : f32
        %broadcast_in_dim3A_244 = vector.broadcast %broadcast_in_dim3A : f32 to vector<16xf32>
        %scan3A_245 = arith.constant 0 : i32
        %scan3A_246 = arith.constant 16 : i32
        %scan3A_247 = arith.addi %scan3A_245, %scan3A_246 : i32
        %scan3A_248 = arith.constant 2 : i32
        %scan3A_249 = scf.for %scan3A_255 = %scan3A_245 to %scan3A_247 step %scan3A_248 iter_args(%scan3A_256 = %broadcast_in_dim3A_244) -> (vector<16xf32>)  : i32 {
          %mul3A_257 = arith.constant 4 : i32
          %mul3A_258 = arith.muli %scan3A_255, %mul3A_257 : i32
          %add3A_259 = arith.constant 0 : i32
          %add3A_260 = arith.addi %mul3A_258, %add3A_259 : i32
          %add3A_261 = vector.broadcast %add3A_260 : i32 to vector<16xi32>
          %add3A_262 = arith.addi %iota3A_243, %add3A_261 : vector<16xi32>
          %and3A = arith.constant 63 : i32
          %and3A_263 = vector.broadcast %and3A : i32 to vector<16xi32>
          %and3A_264 = arith.andi %add3A_262, %and3A_263 : vector<16xi32>
          %gather3A = tpu.vector_load_idx %arg11[%add3A_242, %and3A_264] : memref<80x64xi32, #tpu.memory_space<vmem>>[vector<16xi32>, vector<16xi32>], vector<16xi32>,
          %gather3A_265 = tpu.vector_load_idx %arg16[%add3A_242, %and3A_264] : memref<80x64xi32, #tpu.memory_space<vmem>>[vector<16xi32>, vector<16xi32>], vector<16xi32>,
          %gather3A_266 = tpu.vector_load_idx %arg21[%add3A_242, %and3A_264] : memref<80x64xi32, #tpu.memory_space<vmem>>[vector<16xi32>, vector<16xi32>], vector<16xi32>,
          %bitcast3A = vector.bitcast %gather3A : vector<16xi32> to vector<32xbf16>
          %bitcast3A_267 = vector.bitcast %gather3A_265 : vector<16xi32> to vector<32xbf16>
          %mul3A_268 = arith.mulf %bitcast3A, %bitcast3A_267 : vector<32xbf16>
          %bitcast3A_269 = vector.bitcast %gather3A_266 : vector<16xi32> to vector<32xbf16>
          %mul3A_270 = arith.mulf %mul3A_268, %bitcast3A_269 : vector<32xbf16>
          %unpack3A = tpu.unpack_subelements %mul3A_270, 0 {pack_format = #tpu.pack_format<interleaved>} : vector<32xbf16> -> vector<16xf32>
          %unpack3A_271 = tpu.unpack_subelements %mul3A_270, 1 {pack_format = #tpu.pack_format<interleaved>} : vector<32xbf16> -> vector<16xf32>
          %add3A_272 = arith.addf %unpack3A, %unpack3A_271 : vector<16xf32>
          %mul3A_273 = arith.constant 4 : i32
          %mul3A_274 = arith.muli %scan3A_255, %mul3A_273 : i32
          %add3A_275 = arith.constant 1 : i32
          %add3A_276 = arith.addi %mul3A_274, %add3A_275 : i32
          %add3A_277 = vector.broadcast %add3A_276 : i32 to vector<16xi32>
          %add3A_278 = arith.addi %iota3A_243, %add3A_277 : vector<16xi32>
          %and3A_279 = arith.constant 63 : i32
          %and3A_280 = vector.broadcast %and3A_279 : i32 to vector<16xi32>
          %and3A_281 = arith.andi %add3A_278, %and3A_280 : vector<16xi32>
          %gather3A_282 = tpu.vector_load_idx %arg11[%add3A_242, %and3A_281] : memref<80x64xi32, #tpu.memory_space<vmem>>[vector<16xi32>, vector<16xi32>], vector<16xi32>,
          %gather3A_283 = tpu.vector_load_idx %arg16[%add3A_242, %and3A_281] : memref<80x64xi32, #tpu.memory_space<vmem>>[vector<16xi32>, vector<16xi32>], vector<16xi32>,
          %gather3A_284 = tpu.vector_load_idx %arg21[%add3A_242, %and3A_281] : memref<80x64xi32, #tpu.memory_space<vmem>>[vector<16xi32>, vector<16xi32>], vector<16xi32>,
          %bitcast3A_285 = vector.bitcast %gather3A_282 : vector<16xi32> to vector<32xbf16>
          %bitcast3A_286 = vector.bitcast %gather3A_283 : vector<16xi32> to vector<32xbf16>
          %mul3A_287 = arith.mulf %bitcast3A_285, %bitcast3A_286 : vector<32xbf16>
          %bitcast3A_288 = vector.bitcast %gather3A_284 : vector<16xi32> to vector<32xbf16>
          %mul3A_289 = arith.mulf %mul3A_287, %bitcast3A_288 : vector<32xbf16>
          %unpack3A_290 = tpu.unpack_subelements %mul3A_289, 0 {pack_format = #tpu.pack_format<interleaved>} : vector<32xbf16> -> vector<16xf32>
          %unpack3A_291 = tpu.unpack_subelements %mul3A_289, 1 {pack_format = #tpu.pack_format<interleaved>} : vector<32xbf16> -> vector<16xf32>
          %add3A_292 = arith.addf %unpack3A_290, %unpack3A_291 : vector<16xf32>
          %mul3A_293 = arith.constant 4 : i32
          %mul3A_294 = arith.muli %scan3A_255, %mul3A_293 : i32
          %add3A_295 = arith.constant 2 : i32
          %add3A_296 = arith.addi %mul3A_294, %add3A_295 : i32
          %add3A_297 = vector.broadcast %add3A_296 : i32 to vector<16xi32>
          %add3A_298 = arith.addi %iota3A_243, %add3A_297 : vector<16xi32>
          %and3A_299 = arith.constant 63 : i32
          %and3A_300 = vector.broadcast %and3A_299 : i32 to vector<16xi32>
          %and3A_301 = arith.andi %add3A_298, %and3A_300 : vector<16xi32>
          %gather3A_302 = tpu.vector_load_idx %arg11[%add3A_242, %and3A_301] : memref<80x64xi32, #tpu.memory_space<vmem>>[vector<16xi32>, vector<16xi32>], vector<16xi32>,
          %gather3A_303 = tpu.vector_load_idx %arg16[%add3A_242, %and3A_301] : memref<80x64xi32, #tpu.memory_space<vmem>>[vector<16xi32>, vector<16xi32>], vector<16xi32>,
          %gather3A_304 = tpu.vector_load_idx %arg21[%add3A_242, %and3A_301] : memref<80x64xi32, #tpu.memory_space<vmem>>[vector<16xi32>, vector<16xi32>], vector<16xi32>,
          %bitcast3A_305 = vector.bitcast %gather3A_302 : vector<16xi32> to vector<32xbf16>
          %bitcast3A_306 = vector.bitcast %gather3A_303 : vector<16xi32> to vector<32xbf16>
          %mul3A_307 = arith.mulf %bitcast3A_305, %bitcast3A_306 : vector<32xbf16>
          %bitcast3A_308 = vector.bitcast %gather3A_304 : vector<16xi32> to vector<32xbf16>
          %mul3A_309 = arith.mulf %mul3A_307, %bitcast3A_308 : vector<32xbf16>
          %unpack3A_310 = tpu.unpack_subelements %mul3A_309, 0 {pack_format = #tpu.pack_format<interleaved>} : vector<32xbf16> -> vector<16xf32>
          %unpack3A_311 = tpu.unpack_subelements %mul3A_309, 1 {pack_format = #tpu.pack_format<interleaved>} : vector<32xbf16> -> vector<16xf32>
          %add3A_312 = arith.addf %unpack3A_310, %unpack3A_311 : vector<16xf32>
          %mul3A_313 = arith.constant 4 : i32
          %mul3A_314 = arith.muli %scan3A_255, %mul3A_313 : i32
          %add3A_315 = arith.constant 3 : i32
          %add3A_316 = arith.addi %mul3A_314, %add3A_315 : i32
          %add3A_317 = vector.broadcast %add3A_316 : i32 to vector<16xi32>
          %add3A_318 = arith.addi %iota3A_243, %add3A_317 : vector<16xi32>
          %and3A_319 = arith.constant 63 : i32
          %and3A_320 = vector.broadcast %and3A_319 : i32 to vector<16xi32>
          %and3A_321 = arith.andi %add3A_318, %and3A_320 : vector<16xi32>
          %gather3A_322 = tpu.vector_load_idx %arg11[%add3A_242, %and3A_321] : memref<80x64xi32, #tpu.memory_space<vmem>>[vector<16xi32>, vector<16xi32>], vector<16xi32>,
          %gather3A_323 = tpu.vector_load_idx %arg16[%add3A_242, %and3A_321] : memref<80x64xi32, #tpu.memory_space<vmem>>[vector<16xi32>, vector<16xi32>], vector<16xi32>,
          %gather3A_324 = tpu.vector_load_idx %arg21[%add3A_242, %and3A_321] : memref<80x64xi32, #tpu.memory_space<vmem>>[vector<16xi32>, vector<16xi32>], vector<16xi32>,
          %bitcast3A_325 = vector.bitcast %gather3A_322 : vector<16xi32> to vector<32xbf16>
          %bitcast3A_326 = vector.bitcast %gather3A_323 : vector<16xi32> to vector<32xbf16>
          %mul3A_327 = arith.mulf %bitcast3A_325, %bitcast3A_326 : vector<32xbf16>
          %bitcast3A_328 = vector.bitcast %gather3A_324 : vector<16xi32> to vector<32xbf16>
          %mul3A_329 = arith.mulf %mul3A_327, %bitcast3A_328 : vector<32xbf16>
          %unpack3A_330 = tpu.unpack_subelements %mul3A_329, 0 {pack_format = #tpu.pack_format<interleaved>} : vector<32xbf16> -> vector<16xf32>
          %unpack3A_331 = tpu.unpack_subelements %mul3A_329, 1 {pack_format = #tpu.pack_format<interleaved>} : vector<32xbf16> -> vector<16xf32>
          %add3A_332 = arith.addf %unpack3A_330, %unpack3A_331 : vector<16xf32>
          %add3A_333 = arith.addf %add3A_272, %add3A_292 : vector<16xf32>
          %add3A_334 = arith.addf %add3A_312, %add3A_332 : vector<16xf32>
          %add3A_335 = arith.addf %add3A_333, %add3A_334 : vector<16xf32>
          %add3A_336 = arith.addf %scan3A_256, %add3A_335 : vector<16xf32>
          %scan3A_337 = arith.constant 1 : i32
          %scan3A_338 = arith.addi %scan3A_255, %scan3A_337 : i32
          %mul3A_339 = arith.constant 4 : i32
          %mul3A_340 = arith.muli %scan3A_338, %mul3A_339 : i32
          %add3A_341 = arith.constant 0 : i32
          %add3A_342 = arith.addi %mul3A_340, %add3A_341 : i32
          %add3A_343 = vector.broadcast %add3A_342 : i32 to vector<16xi32>
          %add3A_344 = arith.addi %iota3A_243, %add3A_343 : vector<16xi32>
          %and3A_345 = arith.constant 63 : i32
          %and3A_346 = vector.broadcast %and3A_345 : i32 to vector<16xi32>
          %and3A_347 = arith.andi %add3A_344, %and3A_346 : vector<16xi32>
          %gather3A_348 = tpu.vector_load_idx %arg11[%add3A_242, %and3A_347] : memref<80x64xi32, #tpu.memory_space<vmem>>[vector<16xi32>, vector<16xi32>], vector<16xi32>,
          %gather3A_349 = tpu.vector_load_idx %arg16[%add3A_242, %and3A_347] : memref<80x64xi32, #tpu.memory_space<vmem>>[vector<16xi32>, vector<16xi32>], vector<16xi32>,
          %gather3A_350 = tpu.vector_load_idx %arg21[%add3A_242, %and3A_347] : memref<80x64xi32, #tpu.memory_space<vmem>>[vector<16xi32>, vector<16xi32>], vector<16xi32>,
          %bitcast3A_351 = vector.bitcast %gather3A_348 : vector<16xi32> to vector<32xbf16>
          %bitcast3A_352 = vector.bitcast %gather3A_349 : vector<16xi32> to vector<32xbf16>
          %mul3A_353 = arith.mulf %bitcast3A_351, %bitcast3A_352 : vector<32xbf16>
          %bitcast3A_354 = vector.bitcast %gather3A_350 : vector<16xi32> to vector<32xbf16>
          %mul3A_355 = arith.mulf %mul3A_353, %bitcast3A_354 : vector<32xbf16>
          %unpack3A_356 = tpu.unpack_subelements %mul3A_355, 0 {pack_format = #tpu.pack_format<interleaved>} : vector<32xbf16> -> vector<16xf32>
          %unpack3A_357 = tpu.unpack_subelements %mul3A_355, 1 {pack_format = #tpu.pack_format<interleaved>} : vector<32xbf16> -> vector<16xf32>
          %add3A_358 = arith.addf %unpack3A_356, %unpack3A_357 : vector<16xf32>
          %mul3A_359 = arith.constant 4 : i32
          %mul3A_360 = arith.muli %scan3A_338, %mul3A_359 : i32
          %add3A_361 = arith.constant 1 : i32
          %add3A_362 = arith.addi %mul3A_360, %add3A_361 : i32
          %add3A_363 = vector.broadcast %add3A_362 : i32 to vector<16xi32>
          %add3A_364 = arith.addi %iota3A_243, %add3A_363 : vector<16xi32>
          %and3A_365 = arith.constant 63 : i32
          %and3A_366 = vector.broadcast %and3A_365 : i32 to vector<16xi32>
          %and3A_367 = arith.andi %add3A_364, %and3A_366 : vector<16xi32>
          %gather3A_368 = tpu.vector_load_idx %arg11[%add3A_242, %and3A_367] : memref<80x64xi32, #tpu.memory_space<vmem>>[vector<16xi32>, vector<16xi32>], vector<16xi32>,
          %gather3A_369 = tpu.vector_load_idx %arg16[%add3A_242, %and3A_367] : memref<80x64xi32, #tpu.memory_space<vmem>>[vector<16xi32>, vector<16xi32>], vector<16xi32>,
          %gather3A_370 = tpu.vector_load_idx %arg21[%add3A_242, %and3A_367] : memref<80x64xi32, #tpu.memory_space<vmem>>[vector<16xi32>, vector<16xi32>], vector<16xi32>,
          %bitcast3A_371 = vector.bitcast %gather3A_368 : vector<16xi32> to vector<32xbf16>
          %bitcast3A_372 = vector.bitcast %gather3A_369 : vector<16xi32> to vector<32xbf16>
          %mul3A_373 = arith.mulf %bitcast3A_371, %bitcast3A_372 : vector<32xbf16>
          %bitcast3A_374 = vector.bitcast %gather3A_370 : vector<16xi32> to vector<32xbf16>
          %mul3A_375 = arith.mulf %mul3A_373, %bitcast3A_374 : vector<32xbf16>
          %unpack3A_376 = tpu.unpack_subelements %mul3A_375, 0 {pack_format = #tpu.pack_format<interleaved>} : vector<32xbf16> -> vector<16xf32>
          %unpack3A_377 = tpu.unpack_subelements %mul3A_375, 1 {pack_format = #tpu.pack_format<interleaved>} : vector<32xbf16> -> vector<16xf32>
          %add3A_378 = arith.addf %unpack3A_376, %unpack3A_377 : vector<16xf32>
          %mul3A_379 = arith.constant 4 : i32
          %mul3A_380 = arith.muli %scan3A_338, %mul3A_379 : i32
          %add3A_381 = arith.constant 2 : i32
          %add3A_382 = arith.addi %mul3A_380, %add3A_381 : i32
          %add3A_383 = vector.broadcast %add3A_382 : i32 to vector<16xi32>
          %add3A_384 = arith.addi %iota3A_243, %add3A_383 : vector<16xi32>
          %and3A_385 = arith.constant 63 : i32
          %and3A_386 = vector.broadcast %and3A_385 : i32 to vector<16xi32>
          %and3A_387 = arith.andi %add3A_384, %and3A_386 : vector<16xi32>
          %gather3A_388 = tpu.vector_load_idx %arg11[%add3A_242, %and3A_387] : memref<80x64xi32, #tpu.memory_space<vmem>>[vector<16xi32>, vector<16xi32>], vector<16xi32>,
          %gather3A_389 = tpu.vector_load_idx %arg16[%add3A_242, %and3A_387] : memref<80x64xi32, #tpu.memory_space<vmem>>[vector<16xi32>, vector<16xi32>], vector<16xi32>,
          %gather3A_390 = tpu.vector_load_idx %arg21[%add3A_242, %and3A_387] : memref<80x64xi32, #tpu.memory_space<vmem>>[vector<16xi32>, vector<16xi32>], vector<16xi32>,
          %bitcast3A_391 = vector.bitcast %gather3A_388 : vector<16xi32> to vector<32xbf16>
          %bitcast3A_392 = vector.bitcast %gather3A_389 : vector<16xi32> to vector<32xbf16>
          %mul3A_393 = arith.mulf %bitcast3A_391, %bitcast3A_392 : vector<32xbf16>
          %bitcast3A_394 = vector.bitcast %gather3A_390 : vector<16xi32> to vector<32xbf16>
          %mul3A_395 = arith.mulf %mul3A_393, %bitcast3A_394 : vector<32xbf16>
          %unpack3A_396 = tpu.unpack_subelements %mul3A_395, 0 {pack_format = #tpu.pack_format<interleaved>} : vector<32xbf16> -> vector<16xf32>
          %unpack3A_397 = tpu.unpack_subelements %mul3A_395, 1 {pack_format = #tpu.pack_format<interleaved>} : vector<32xbf16> -> vector<16xf32>
          %add3A_398 = arith.addf %unpack3A_396, %unpack3A_397 : vector<16xf32>
          %mul3A_399 = arith.constant 4 : i32
          %mul3A_400 = arith.muli %scan3A_338, %mul3A_399 : i32
          %add3A_401 = arith.constant 3 : i32
          %add3A_402 = arith.addi %mul3A_400, %add3A_401 : i32
          %add3A_403 = vector.broadcast %add3A_402 : i32 to vector<16xi32>
          %add3A_404 = arith.addi %iota3A_243, %add3A_403 : vector<16xi32>
          %and3A_405 = arith.constant 63 : i32
          %and3A_406 = vector.broadcast %and3A_405 : i32 to vector<16xi32>
          %and3A_407 = arith.andi %add3A_404, %and3A_406 : vector<16xi32>
          %gather3A_408 = tpu.vector_load_idx %arg11[%add3A_242, %and3A_407] : memref<80x64xi32, #tpu.memory_space<vmem>>[vector<16xi32>, vector<16xi32>], vector<16xi32>,
          %gather3A_409 = tpu.vector_load_idx %arg16[%add3A_242, %and3A_407] : memref<80x64xi32, #tpu.memory_space<vmem>>[vector<16xi32>, vector<16xi32>], vector<16xi32>,
          %gather3A_410 = tpu.vector_load_idx %arg21[%add3A_242, %and3A_407] : memref<80x64xi32, #tpu.memory_space<vmem>>[vector<16xi32>, vector<16xi32>], vector<16xi32>,
          %bitcast3A_411 = vector.bitcast %gather3A_408 : vector<16xi32> to vector<32xbf16>
          %bitcast3A_412 = vector.bitcast %gather3A_409 : vector<16xi32> to vector<32xbf16>
          %mul3A_413 = arith.mulf %bitcast3A_411, %bitcast3A_412 : vector<32xbf16>
          %bitcast3A_414 = vector.bitcast %gather3A_410 : vector<16xi32> to vector<32xbf16>
          %mul3A_415 = arith.mulf %mul3A_413, %bitcast3A_414 : vector<32xbf16>
          %unpack3A_416 = tpu.unpack_subelements %mul3A_415, 0 {pack_format = #tpu.pack_format<interleaved>} : vector<32xbf16> -> vector<16xf32>
          %unpack3A_417 = tpu.unpack_subelements %mul3A_415, 1 {pack_format = #tpu.pack_format<interleaved>} : vector<32xbf16> -> vector<16xf32>
          %add3A_418 = arith.addf %unpack3A_416, %unpack3A_417 : vector<16xf32>
          %add3A_419 = arith.addf %add3A_358, %add3A_378 : vector<16xf32>
          %add3A_420 = arith.addf %add3A_398, %add3A_418 : vector<16xf32>
          %add3A_421 = arith.addf %add3A_419, %add3A_420 : vector<16xf32>
          %add3A_422 = arith.addf %add3A_336, %add3A_421 : vector<16xf32>
          scf.yield %add3A_422 : vector<16xf32>
        }
        %scan3A_250 = arith.constant 16 : i32
        %mul3A_251 = arith.constant 16 : i32
        %mul3A_252 = arith.muli %scan3A_238, %mul3A_251 : i32
        %add3A_253 = arith.addi %mul3A_91, %mul3A_252 : i32
        %swap3A = arith.index_cast %add3A_253 : i32 to index
        %swap3A_254 = tpu.vector_load %arg26[%swap3A] {strides = array<i32>} : memref<10000xf32, #tpu.memory_space<vmem>>, vector<16xf32>,
        tpu.vector_store %arg26[%swap3A], %scan3A_249 {strides = array<i32>} : memref<10000xf32, #tpu.memory_space<vmem>>, vector<16xf32>,
      }
      %scan3A_97 = arith.constant 5 : i32
      %mul3A_98 = arith.constant 5 : i32
      %mul3A_99 = arith.muli %mul3A_98, %scan3A_67 : i32
      %add3A_100 = arith.constant 1 : i32
      %add3A_101 = arith.addi %mul3A_99, %add3A_100 : i32
      %add3A_102 = arith.constant 5 : i32
      %add3A_103 = arith.addi %add3A_101, %add3A_102 : i32
      %sub3A_104 = arith.constant 1 : i32
      %sub3A_105 = arith.subi %add3A_103, %sub3A_104 : i32
      %lt3A_106 = arith.constant 125 : i32
      %lt3A_107 = arith.cmpi slt, %sub3A_105, %lt3A_106 : i32
      %convert_element_type3A_108 = arith.extui %lt3A_107 : i1 to i32
      %cond3A_109 = arith.constant 0 : i32
      %cond3A_110 = arith.cmpi ne, %convert_element_type3A_108, %cond3A_109 : i32
      scf.if %cond3A_110 {
        %add3A_238 = arith.constant 5 : i32
        %add3A_239 = arith.addi %add3A_101, %add3A_238 : i32
        %sub3A_240 = arith.constant 1 : i32
        %sub3A_241 = arith.subi %add3A_239, %sub3A_240 : i32
        %mul3A_242 = arith.constant 80 : i32
        %mul3A_243 = arith.muli %sub3A_241, %mul3A_242 : i32
        %dma_start3A_244 = tpu.memref_slice %arg8[%mul3A_243] : memref<10000xi32, #tpu.memory_space<vmem>> -> memref<80xi32, #tpu.memory_space<vmem>>
        %dma_start3A_245 = arith.constant 0 : i32
        %dma_start3A_246 = arith.constant 0 : i32
        %dma_start3A_247 = tpu.memref_slice %arg2[%dma_start3A_245, %dma_start3A_246] : memref<10000x64xi32, #tpu.memory_space<hbm>> -> memref<10000x64xi32, #tpu.memory_space<hbm>>
        tpu.enqueue_indirect_dma source(%dma_start3A_247 : memref<10000x64xi32, #tpu.memory_space<hbm>>) target(%arg11 : memref<80x64xi32, #tpu.memory_space<vmem>>) offsets(%dma_start3A_244 : memref<80xi32, #tpu.memory_space<vmem>>) semaphore(%arg27 : memref<!tpu.dma_semaphore, #tpu.memory_space<semaphore_mem>>)
        %dma_start3A_248 = tpu.memref_slice %arg9[%mul3A_243] : memref<10000xi32, #tpu.memory_space<vmem>> -> memref<80xi32, #tpu.memory_space<vmem>>
        %dma_start3A_249 = arith.constant 0 : i32
        %dma_start3A_250 = arith.constant 0 : i32
        %dma_start3A_251 = tpu.memref_slice %arg2[%dma_start3A_249, %dma_start3A_250] : memref<10000x64xi32, #tpu.memory_space<hbm>> -> memref<10000x64xi32, #tpu.memory_space<hbm>>
        tpu.enqueue_indirect_dma source(%dma_start3A_251 : memref<10000x64xi32, #tpu.memory_space<hbm>>) target(%arg21 : memref<80x64xi32, #tpu.memory_space<vmem>>) offsets(%dma_start3A_248 : memref<80xi32, #tpu.memory_space<vmem>>) semaphore(%arg27 : memref<!tpu.dma_semaphore, #tpu.memory_space<semaphore_mem>>)
        %dma_start3A_252 = tpu.memref_slice %arg10[%mul3A_243] : memref<10000xi32, #tpu.memory_space<vmem>> -> memref<80xi32, #tpu.memory_space<vmem>>
        %dma_start3A_253 = arith.constant 0 : i32
        %dma_start3A_254 = arith.constant 0 : i32
        %dma_start3A_255 = tpu.memref_slice %arg6[%dma_start3A_253, %dma_start3A_254] : memref<1000x64xi32, #tpu.memory_space<hbm>> -> memref<1000x64xi32, #tpu.memory_space<hbm>>
        tpu.enqueue_indirect_dma source(%dma_start3A_255 : memref<1000x64xi32, #tpu.memory_space<hbm>>) target(%arg16 : memref<80x64xi32, #tpu.memory_space<vmem>>) offsets(%dma_start3A_252 : memref<80xi32, #tpu.memory_space<vmem>>) semaphore(%arg27 : memref<!tpu.dma_semaphore, #tpu.memory_space<semaphore_mem>>)
      } else {
      }
      %mul3A_111 = arith.constant 80 : i32
      %mul3A_112 = arith.muli %add3A_101, %mul3A_111 : i32
      %dma_wait3A_113 = tpu.memref_slice %arg8[%mul3A_112] : memref<10000xi32, #tpu.memory_space<vmem>> -> memref<80xi32, #tpu.memory_space<vmem>>
      %dma_wait3A_114 = arith.constant 0 : i32
      %dma_wait3A_115 = arith.constant 0 : i32
      %dma_wait3A_116 = tpu.memref_slice %arg2[%dma_wait3A_114, %dma_wait3A_115] : memref<10000x64xi32, #tpu.memory_space<hbm>> -> memref<10000x64xi32, #tpu.memory_space<hbm>>
      tpu.wait_indirect_dma semaphore(%arg28 : memref<!tpu.dma_semaphore, #tpu.memory_space<semaphore_mem>>) src(%dma_wait3A_116 : memref<10000x64xi32, #tpu.memory_space<hbm>>) dst(%arg12 : memref<80x64xi32, #tpu.memory_space<vmem>>)
      %dma_wait3A_117 = tpu.memref_slice %arg9[%mul3A_112] : memref<10000xi32, #tpu.memory_space<vmem>> -> memref<80xi32, #tpu.memory_space<vmem>>
      %dma_wait3A_118 = arith.constant 0 : i32
      %dma_wait3A_119 = arith.constant 0 : i32
      %dma_wait3A_120 = tpu.memref_slice %arg2[%dma_wait3A_118, %dma_wait3A_119] : memref<10000x64xi32, #tpu.memory_space<hbm>> -> memref<10000x64xi32, #tpu.memory_space<hbm>>
      tpu.wait_indirect_dma semaphore(%arg28 : memref<!tpu.dma_semaphore, #tpu.memory_space<semaphore_mem>>) src(%dma_wait3A_120 : memref<10000x64xi32, #tpu.memory_space<hbm>>) dst(%arg22 : memref<80x64xi32, #tpu.memory_space<vmem>>)
      %dma_wait3A_121 = tpu.memref_slice %arg10[%mul3A_112] : memref<10000xi32, #tpu.memory_space<vmem>> -> memref<80xi32, #tpu.memory_space<vmem>>
      %dma_wait3A_122 = arith.constant 0 : i32
      %dma_wait3A_123 = arith.constant 0 : i32
      %dma_wait3A_124 = tpu.memref_slice %arg6[%dma_wait3A_122, %dma_wait3A_123] : memref<1000x64xi32, #tpu.memory_space<hbm>> -> memref<1000x64xi32, #tpu.memory_space<hbm>>
      tpu.wait_indirect_dma semaphore(%arg28 : memref<!tpu.dma_semaphore, #tpu.memory_space<semaphore_mem>>) src(%dma_wait3A_124 : memref<1000x64xi32, #tpu.memory_space<hbm>>) dst(%arg17 : memref<80x64xi32, #tpu.memory_space<vmem>>)
      %mul3A_125 = arith.constant 80 : i32
      %mul3A_126 = arith.muli %add3A_101, %mul3A_125 : i32
      %scan3A_127 = arith.constant 0 : i32
      %scan3A_128 = arith.constant 0 : i32
      %scan3A_129 = arith.constant 5 : i32
      %scan3A_130 = arith.addi %scan3A_128, %scan3A_129 : i32
      %scan3A_131 = arith.constant 1 : i32
      scf.for %scan3A_238 = %scan3A_128 to %scan3A_130 step %scan3A_131  : i32 {
        %mul3A_239 = arith.constant 16 : i32
        %mul3A_240 = arith.muli %scan3A_238, %mul3A_239 : i32
        %iota3A = tpu.iota {dimensions = array<i32: 0>} : vector<16xi32>
        %add3A_241 = vector.broadcast %mul3A_240 : i32 to vector<16xi32>
        %add3A_242 = arith.addi %add3A_241, %iota3A : vector<16xi32>
        %iota3A_243 = tpu.iota {dimensions = array<i32: 0>} : vector<16xi32>
        %broadcast_in_dim3A = arith.constant 0.000000e+00 : f32
        %broadcast_in_dim3A_244 = vector.broadcast %broadcast_in_dim3A : f32 to vector<16xf32>
        %scan3A_245 = arith.constant 0 : i32
        %scan3A_246 = arith.constant 16 : i32
        %scan3A_247 = arith.addi %scan3A_245, %scan3A_246 : i32
        %scan3A_248 = arith.constant 2 : i32
        %scan3A_249 = scf.for %scan3A_255 = %scan3A_245 to %scan3A_247 step %scan3A_248 iter_args(%scan3A_256 = %broadcast_in_dim3A_244) -> (vector<16xf32>)  : i32 {
          %mul3A_257 = arith.constant 4 : i32
          %mul3A_258 = arith.muli %scan3A_255, %mul3A_257 : i32
          %add3A_259 = arith.constant 0 : i32
          %add3A_260 = arith.addi %mul3A_258, %add3A_259 : i32
          %add3A_261 = vector.broadcast %add3A_260 : i32 to vector<16xi32>
          %add3A_262 = arith.addi %iota3A_243, %add3A_261 : vector<16xi32>
          %and3A = arith.constant 63 : i32
          %and3A_263 = vector.broadcast %and3A : i32 to vector<16xi32>
          %and3A_264 = arith.andi %add3A_262, %and3A_263 : vector<16xi32>
          %gather3A = tpu.vector_load_idx %arg12[%add3A_242, %and3A_264] : memref<80x64xi32, #tpu.memory_space<vmem>>[vector<16xi32>, vector<16xi32>], vector<16xi32>,
          %gather3A_265 = tpu.vector_load_idx %arg17[%add3A_242, %and3A_264] : memref<80x64xi32, #tpu.memory_space<vmem>>[vector<16xi32>, vector<16xi32>], vector<16xi32>,
          %gather3A_266 = tpu.vector_load_idx %arg22[%add3A_242, %and3A_264] : memref<80x64xi32, #tpu.memory_space<vmem>>[vector<16xi32>, vector<16xi32>], vector<16xi32>,
          %bitcast3A = vector.bitcast %gather3A : vector<16xi32> to vector<32xbf16>
          %bitcast3A_267 = vector.bitcast %gather3A_265 : vector<16xi32> to vector<32xbf16>
          %mul3A_268 = arith.mulf %bitcast3A, %bitcast3A_267 : vector<32xbf16>
          %bitcast3A_269 = vector.bitcast %gather3A_266 : vector<16xi32> to vector<32xbf16>
          %mul3A_270 = arith.mulf %mul3A_268, %bitcast3A_269 : vector<32xbf16>
          %unpack3A = tpu.unpack_subelements %mul3A_270, 0 {pack_format = #tpu.pack_format<interleaved>} : vector<32xbf16> -> vector<16xf32>
          %unpack3A_271 = tpu.unpack_subelements %mul3A_270, 1 {pack_format = #tpu.pack_format<interleaved>} : vector<32xbf16> -> vector<16xf32>
          %add3A_272 = arith.addf %unpack3A, %unpack3A_271 : vector<16xf32>
          %mul3A_273 = arith.constant 4 : i32
          %mul3A_274 = arith.muli %scan3A_255, %mul3A_273 : i32
          %add3A_275 = arith.constant 1 : i32
          %add3A_276 = arith.addi %mul3A_274, %add3A_275 : i32
          %add3A_277 = vector.broadcast %add3A_276 : i32 to vector<16xi32>
          %add3A_278 = arith.addi %iota3A_243, %add3A_277 : vector<16xi32>
          %and3A_279 = arith.constant 63 : i32
          %and3A_280 = vector.broadcast %and3A_279 : i32 to vector<16xi32>
          %and3A_281 = arith.andi %add3A_278, %and3A_280 : vector<16xi32>
          %gather3A_282 = tpu.vector_load_idx %arg12[%add3A_242, %and3A_281] : memref<80x64xi32, #tpu.memory_space<vmem>>[vector<16xi32>, vector<16xi32>], vector<16xi32>,
          %gather3A_283 = tpu.vector_load_idx %arg17[%add3A_242, %and3A_281] : memref<80x64xi32, #tpu.memory_space<vmem>>[vector<16xi32>, vector<16xi32>], vector<16xi32>,
          %gather3A_284 = tpu.vector_load_idx %arg22[%add3A_242, %and3A_281] : memref<80x64xi32, #tpu.memory_space<vmem>>[vector<16xi32>, vector<16xi32>], vector<16xi32>,
          %bitcast3A_285 = vector.bitcast %gather3A_282 : vector<16xi32> to vector<32xbf16>
          %bitcast3A_286 = vector.bitcast %gather3A_283 : vector<16xi32> to vector<32xbf16>
          %mul3A_287 = arith.mulf %bitcast3A_285, %bitcast3A_286 : vector<32xbf16>
          %bitcast3A_288 = vector.bitcast %gather3A_284 : vector<16xi32> to vector<32xbf16>
          %mul3A_289 = arith.mulf %mul3A_287, %bitcast3A_288 : vector<32xbf16>
          %unpack3A_290 = tpu.unpack_subelements %mul3A_289, 0 {pack_format = #tpu.pack_format<interleaved>} : vector<32xbf16> -> vector<16xf32>
          %unpack3A_291 = tpu.unpack_subelements %mul3A_289, 1 {pack_format = #tpu.pack_format<interleaved>} : vector<32xbf16> -> vector<16xf32>
          %add3A_292 = arith.addf %unpack3A_290, %unpack3A_291 : vector<16xf32>
          %mul3A_293 = arith.constant 4 : i32
          %mul3A_294 = arith.muli %scan3A_255, %mul3A_293 : i32
          %add3A_295 = arith.constant 2 : i32
          %add3A_296 = arith.addi %mul3A_294, %add3A_295 : i32
          %add3A_297 = vector.broadcast %add3A_296 : i32 to vector<16xi32>
          %add3A_298 = arith.addi %iota3A_243, %add3A_297 : vector<16xi32>
          %and3A_299 = arith.constant 63 : i32
          %and3A_300 = vector.broadcast %and3A_299 : i32 to vector<16xi32>
          %and3A_301 = arith.andi %add3A_298, %and3A_300 : vector<16xi32>
          %gather3A_302 = tpu.vector_load_idx %arg12[%add3A_242, %and3A_301] : memref<80x64xi32, #tpu.memory_space<vmem>>[vector<16xi32>, vector<16xi32>], vector<16xi32>,
          %gather3A_303 = tpu.vector_load_idx %arg17[%add3A_242, %and3A_301] : memref<80x64xi32, #tpu.memory_space<vmem>>[vector<16xi32>, vector<16xi32>], vector<16xi32>,
          %gather3A_304 = tpu.vector_load_idx %arg22[%add3A_242, %and3A_301] : memref<80x64xi32, #tpu.memory_space<vmem>>[vector<16xi32>, vector<16xi32>], vector<16xi32>,
          %bitcast3A_305 = vector.bitcast %gather3A_302 : vector<16xi32> to vector<32xbf16>
          %bitcast3A_306 = vector.bitcast %gather3A_303 : vector<16xi32> to vector<32xbf16>
          %mul3A_307 = arith.mulf %bitcast3A_305, %bitcast3A_306 : vector<32xbf16>
          %bitcast3A_308 = vector.bitcast %gather3A_304 : vector<16xi32> to vector<32xbf16>
          %mul3A_309 = arith.mulf %mul3A_307, %bitcast3A_308 : vector<32xbf16>
          %unpack3A_310 = tpu.unpack_subelements %mul3A_309, 0 {pack_format = #tpu.pack_format<interleaved>} : vector<32xbf16> -> vector<16xf32>
          %unpack3A_311 = tpu.unpack_subelements %mul3A_309, 1 {pack_format = #tpu.pack_format<interleaved>} : vector<32xbf16> -> vector<16xf32>
          %add3A_312 = arith.addf %unpack3A_310, %unpack3A_311 : vector<16xf32>
          %mul3A_313 = arith.constant 4 : i32
          %mul3A_314 = arith.muli %scan3A_255, %mul3A_313 : i32
          %add3A_315 = arith.constant 3 : i32
          %add3A_316 = arith.addi %mul3A_314, %add3A_315 : i32
          %add3A_317 = vector.broadcast %add3A_316 : i32 to vector<16xi32>
          %add3A_318 = arith.addi %iota3A_243, %add3A_317 : vector<16xi32>
          %and3A_319 = arith.constant 63 : i32
          %and3A_320 = vector.broadcast %and3A_319 : i32 to vector<16xi32>
          %and3A_321 = arith.andi %add3A_318, %and3A_320 : vector<16xi32>
          %gather3A_322 = tpu.vector_load_idx %arg12[%add3A_242, %and3A_321] : memref<80x64xi32, #tpu.memory_space<vmem>>[vector<16xi32>, vector<16xi32>], vector<16xi32>,
          %gather3A_323 = tpu.vector_load_idx %arg17[%add3A_242, %and3A_321] : memref<80x64xi32, #tpu.memory_space<vmem>>[vector<16xi32>, vector<16xi32>], vector<16xi32>,
          %gather3A_324 = tpu.vector_load_idx %arg22[%add3A_242, %and3A_321] : memref<80x64xi32, #tpu.memory_space<vmem>>[vector<16xi32>, vector<16xi32>], vector<16xi32>,
          %bitcast3A_325 = vector.bitcast %gather3A_322 : vector<16xi32> to vector<32xbf16>
          %bitcast3A_326 = vector.bitcast %gather3A_323 : vector<16xi32> to vector<32xbf16>
          %mul3A_327 = arith.mulf %bitcast3A_325, %bitcast3A_326 : vector<32xbf16>
          %bitcast3A_328 = vector.bitcast %gather3A_324 : vector<16xi32> to vector<32xbf16>
          %mul3A_329 = arith.mulf %mul3A_327, %bitcast3A_328 : vector<32xbf16>
          %unpack3A_330 = tpu.unpack_subelements %mul3A_329, 0 {pack_format = #tpu.pack_format<interleaved>} : vector<32xbf16> -> vector<16xf32>
          %unpack3A_331 = tpu.unpack_subelements %mul3A_329, 1 {pack_format = #tpu.pack_format<interleaved>} : vector<32xbf16> -> vector<16xf32>
          %add3A_332 = arith.addf %unpack3A_330, %unpack3A_331 : vector<16xf32>
          %add3A_333 = arith.addf %add3A_272, %add3A_292 : vector<16xf32>
          %add3A_334 = arith.addf %add3A_312, %add3A_332 : vector<16xf32>
          %add3A_335 = arith.addf %add3A_333, %add3A_334 : vector<16xf32>
          %add3A_336 = arith.addf %scan3A_256, %add3A_335 : vector<16xf32>
          %scan3A_337 = arith.constant 1 : i32
          %scan3A_338 = arith.addi %scan3A_255, %scan3A_337 : i32
          %mul3A_339 = arith.constant 4 : i32
          %mul3A_340 = arith.muli %scan3A_338, %mul3A_339 : i32
          %add3A_341 = arith.constant 0 : i32
          %add3A_342 = arith.addi %mul3A_340, %add3A_341 : i32
          %add3A_343 = vector.broadcast %add3A_342 : i32 to vector<16xi32>
          %add3A_344 = arith.addi %iota3A_243, %add3A_343 : vector<16xi32>
          %and3A_345 = arith.constant 63 : i32
          %and3A_346 = vector.broadcast %and3A_345 : i32 to vector<16xi32>
          %and3A_347 = arith.andi %add3A_344, %and3A_346 : vector<16xi32>
          %gather3A_348 = tpu.vector_load_idx %arg12[%add3A_242, %and3A_347] : memref<80x64xi32, #tpu.memory_space<vmem>>[vector<16xi32>, vector<16xi32>], vector<16xi32>,
          %gather3A_349 = tpu.vector_load_idx %arg17[%add3A_242, %and3A_347] : memref<80x64xi32, #tpu.memory_space<vmem>>[vector<16xi32>, vector<16xi32>], vector<16xi32>,
          %gather3A_350 = tpu.vector_load_idx %arg22[%add3A_242, %and3A_347] : memref<80x64xi32, #tpu.memory_space<vmem>>[vector<16xi32>, vector<16xi32>], vector<16xi32>,
          %bitcast3A_351 = vector.bitcast %gather3A_348 : vector<16xi32> to vector<32xbf16>
          %bitcast3A_352 = vector.bitcast %gather3A_349 : vector<16xi32> to vector<32xbf16>
          %mul3A_353 = arith.mulf %bitcast3A_351, %bitcast3A_352 : vector<32xbf16>
          %bitcast3A_354 = vector.bitcast %gather3A_350 : vector<16xi32> to vector<32xbf16>
          %mul3A_355 = arith.mulf %mul3A_353, %bitcast3A_354 : vector<32xbf16>
          %unpack3A_356 = tpu.unpack_subelements %mul3A_355, 0 {pack_format = #tpu.pack_format<interleaved>} : vector<32xbf16> -> vector<16xf32>
          %unpack3A_357 = tpu.unpack_subelements %mul3A_355, 1 {pack_format = #tpu.pack_format<interleaved>} : vector<32xbf16> -> vector<16xf32>
          %add3A_358 = arith.addf %unpack3A_356, %unpack3A_357 : vector<16xf32>
          %mul3A_359 = arith.constant 4 : i32
          %mul3A_360 = arith.muli %scan3A_338, %mul3A_359 : i32
          %add3A_361 = arith.constant 1 : i32
          %add3A_362 = arith.addi %mul3A_360, %add3A_361 : i32
          %add3A_363 = vector.broadcast %add3A_362 : i32 to vector<16xi32>
          %add3A_364 = arith.addi %iota3A_243, %add3A_363 : vector<16xi32>
          %and3A_365 = arith.constant 63 : i32
          %and3A_366 = vector.broadcast %and3A_365 : i32 to vector<16xi32>
          %and3A_367 = arith.andi %add3A_364, %and3A_366 : vector<16xi32>
          %gather3A_368 = tpu.vector_load_idx %arg12[%add3A_242, %and3A_367] : memref<80x64xi32, #tpu.memory_space<vmem>>[vector<16xi32>, vector<16xi32>], vector<16xi32>,
          %gather3A_369 = tpu.vector_load_idx %arg17[%add3A_242, %and3A_367] : memref<80x64xi32, #tpu.memory_space<vmem>>[vector<16xi32>, vector<16xi32>], vector<16xi32>,
          %gather3A_370 = tpu.vector_load_idx %arg22[%add3A_242, %and3A_367] : memref<80x64xi32, #tpu.memory_space<vmem>>[vector<16xi32>, vector<16xi32>], vector<16xi32>,
          %bitcast3A_371 = vector.bitcast %gather3A_368 : vector<16xi32> to vector<32xbf16>
          %bitcast3A_372 = vector.bitcast %gather3A_369 : vector<16xi32> to vector<32xbf16>
          %mul3A_373 = arith.mulf %bitcast3A_371, %bitcast3A_372 : vector<32xbf16>
          %bitcast3A_374 = vector.bitcast %gather3A_370 : vector<16xi32> to vector<32xbf16>
          %mul3A_375 = arith.mulf %mul3A_373, %bitcast3A_374 : vector<32xbf16>
          %unpack3A_376 = tpu.unpack_subelements %mul3A_375, 0 {pack_format = #tpu.pack_format<interleaved>} : vector<32xbf16> -> vector<16xf32>
          %unpack3A_377 = tpu.unpack_subelements %mul3A_375, 1 {pack_format = #tpu.pack_format<interleaved>} : vector<32xbf16> -> vector<16xf32>
          %add3A_378 = arith.addf %unpack3A_376, %unpack3A_377 : vector<16xf32>
          %mul3A_379 = arith.constant 4 : i32
          %mul3A_380 = arith.muli %scan3A_338, %mul3A_379 : i32
          %add3A_381 = arith.constant 2 : i32
          %add3A_382 = arith.addi %mul3A_380, %add3A_381 : i32
          %add3A_383 = vector.broadcast %add3A_382 : i32 to vector<16xi32>
          %add3A_384 = arith.addi %iota3A_243, %add3A_383 : vector<16xi32>
          %and3A_385 = arith.constant 63 : i32
          %and3A_386 = vector.broadcast %and3A_385 : i32 to vector<16xi32>
          %and3A_387 = arith.andi %add3A_384, %and3A_386 : vector<16xi32>
          %gather3A_388 = tpu.vector_load_idx %arg12[%add3A_242, %and3A_387] : memref<80x64xi32, #tpu.memory_space<vmem>>[vector<16xi32>, vector<16xi32>], vector<16xi32>,
          %gather3A_389 = tpu.vector_load_idx %arg17[%add3A_242, %and3A_387] : memref<80x64xi32, #tpu.memory_space<vmem>>[vector<16xi32>, vector<16xi32>], vector<16xi32>,
          %gather3A_390 = tpu.vector_load_idx %arg22[%add3A_242, %and3A_387] : memref<80x64xi32, #tpu.memory_space<vmem>>[vector<16xi32>, vector<16xi32>], vector<16xi32>,
          %bitcast3A_391 = vector.bitcast %gather3A_388 : vector<16xi32> to vector<32xbf16>
          %bitcast3A_392 = vector.bitcast %gather3A_389 : vector<16xi32> to vector<32xbf16>
          %mul3A_393 = arith.mulf %bitcast3A_391, %bitcast3A_392 : vector<32xbf16>
          %bitcast3A_394 = vector.bitcast %gather3A_390 : vector<16xi32> to vector<32xbf16>
          %mul3A_395 = arith.mulf %mul3A_393, %bitcast3A_394 : vector<32xbf16>
          %unpack3A_396 = tpu.unpack_subelements %mul3A_395, 0 {pack_format = #tpu.pack_format<interleaved>} : vector<32xbf16> -> vector<16xf32>
          %unpack3A_397 = tpu.unpack_subelements %mul3A_395, 1 {pack_format = #tpu.pack_format<interleaved>} : vector<32xbf16> -> vector<16xf32>
          %add3A_398 = arith.addf %unpack3A_396, %unpack3A_397 : vector<16xf32>
          %mul3A_399 = arith.constant 4 : i32
          %mul3A_400 = arith.muli %scan3A_338, %mul3A_399 : i32
          %add3A_401 = arith.constant 3 : i32
          %add3A_402 = arith.addi %mul3A_400, %add3A_401 : i32
          %add3A_403 = vector.broadcast %add3A_402 : i32 to vector<16xi32>
          %add3A_404 = arith.addi %iota3A_243, %add3A_403 : vector<16xi32>
          %and3A_405 = arith.constant 63 : i32
          %and3A_406 = vector.broadcast %and3A_405 : i32 to vector<16xi32>
          %and3A_407 = arith.andi %add3A_404, %and3A_406 : vector<16xi32>
          %gather3A_408 = tpu.vector_load_idx %arg12[%add3A_242, %and3A_407] : memref<80x64xi32, #tpu.memory_space<vmem>>[vector<16xi32>, vector<16xi32>], vector<16xi32>,
          %gather3A_409 = tpu.vector_load_idx %arg17[%add3A_242, %and3A_407] : memref<80x64xi32, #tpu.memory_space<vmem>>[vector<16xi32>, vector<16xi32>], vector<16xi32>,
          %gather3A_410 = tpu.vector_load_idx %arg22[%add3A_242, %and3A_407] : memref<80x64xi32, #tpu.memory_space<vmem>>[vector<16xi32>, vector<16xi32>], vector<16xi32>,
          %bitcast3A_411 = vector.bitcast %gather3A_408 : vector<16xi32> to vector<32xbf16>
          %bitcast3A_412 = vector.bitcast %gather3A_409 : vector<16xi32> to vector<32xbf16>
          %mul3A_413 = arith.mulf %bitcast3A_411, %bitcast3A_412 : vector<32xbf16>
          %bitcast3A_414 = vector.bitcast %gather3A_410 : vector<16xi32> to vector<32xbf16>
          %mul3A_415 = arith.mulf %mul3A_413, %bitcast3A_414 : vector<32xbf16>
          %unpack3A_416 = tpu.unpack_subelements %mul3A_415, 0 {pack_format = #tpu.pack_format<interleaved>} : vector<32xbf16> -> vector<16xf32>
          %unpack3A_417 = tpu.unpack_subelements %mul3A_415, 1 {pack_format = #tpu.pack_format<interleaved>} : vector<32xbf16> -> vector<16xf32>
          %add3A_418 = arith.addf %unpack3A_416, %unpack3A_417 : vector<16xf32>
          %add3A_419 = arith.addf %add3A_358, %add3A_378 : vector<16xf32>
          %add3A_420 = arith.addf %add3A_398, %add3A_418 : vector<16xf32>
          %add3A_421 = arith.addf %add3A_419, %add3A_420 : vector<16xf32>
          %add3A_422 = arith.addf %add3A_336, %add3A_421 : vector<16xf32>
          scf.yield %add3A_422 : vector<16xf32>
        }
        %scan3A_250 = arith.constant 16 : i32
        %mul3A_251 = arith.constant 16 : i32
        %mul3A_252 = arith.muli %scan3A_238, %mul3A_251 : i32
        %add3A_253 = arith.addi %mul3A_126, %mul3A_252 : i32
        %swap3A = arith.index_cast %add3A_253 : i32 to index
        %swap3A_254 = tpu.vector_load %arg26[%swap3A] {strides = array<i32>} : memref<10000xf32, #tpu.memory_space<vmem>>, vector<16xf32>,
        tpu.vector_store %arg26[%swap3A], %scan3A_249 {strides = array<i32>} : memref<10000xf32, #tpu.memory_space<vmem>>, vector<16xf32>,
      }
      %scan3A_132 = arith.constant 5 : i32
      %mul3A_133 = arith.constant 5 : i32
      %mul3A_134 = arith.muli %mul3A_133, %scan3A_67 : i32
      %add3A_135 = arith.constant 2 : i32
      %add3A_136 = arith.addi %mul3A_134, %add3A_135 : i32
      %add3A_137 = arith.constant 5 : i32
      %add3A_138 = arith.addi %add3A_136, %add3A_137 : i32
      %sub3A_139 = arith.constant 1 : i32
      %sub3A_140 = arith.subi %add3A_138, %sub3A_139 : i32
      %lt3A_141 = arith.constant 125 : i32
      %lt3A_142 = arith.cmpi slt, %sub3A_140, %lt3A_141 : i32
      %convert_element_type3A_143 = arith.extui %lt3A_142 : i1 to i32
      %cond3A_144 = arith.constant 0 : i32
      %cond3A_145 = arith.cmpi ne, %convert_element_type3A_143, %cond3A_144 : i32
      scf.if %cond3A_145 {
        %add3A_238 = arith.constant 5 : i32
        %add3A_239 = arith.addi %add3A_136, %add3A_238 : i32
        %sub3A_240 = arith.constant 1 : i32
        %sub3A_241 = arith.subi %add3A_239, %sub3A_240 : i32
        %mul3A_242 = arith.constant 80 : i32
        %mul3A_243 = arith.muli %sub3A_241, %mul3A_242 : i32
        %dma_start3A_244 = tpu.memref_slice %arg8[%mul3A_243] : memref<10000xi32, #tpu.memory_space<vmem>> -> memref<80xi32, #tpu.memory_space<vmem>>
        %dma_start3A_245 = arith.constant 0 : i32
        %dma_start3A_246 = arith.constant 0 : i32
        %dma_start3A_247 = tpu.memref_slice %arg2[%dma_start3A_245, %dma_start3A_246] : memref<10000x64xi32, #tpu.memory_space<hbm>> -> memref<10000x64xi32, #tpu.memory_space<hbm>>
        tpu.enqueue_indirect_dma source(%dma_start3A_247 : memref<10000x64xi32, #tpu.memory_space<hbm>>) target(%arg12 : memref<80x64xi32, #tpu.memory_space<vmem>>) offsets(%dma_start3A_244 : memref<80xi32, #tpu.memory_space<vmem>>) semaphore(%arg28 : memref<!tpu.dma_semaphore, #tpu.memory_space<semaphore_mem>>)
        %dma_start3A_248 = tpu.memref_slice %arg9[%mul3A_243] : memref<10000xi32, #tpu.memory_space<vmem>> -> memref<80xi32, #tpu.memory_space<vmem>>
        %dma_start3A_249 = arith.constant 0 : i32
        %dma_start3A_250 = arith.constant 0 : i32
        %dma_start3A_251 = tpu.memref_slice %arg2[%dma_start3A_249, %dma_start3A_250] : memref<10000x64xi32, #tpu.memory_space<hbm>> -> memref<10000x64xi32, #tpu.memory_space<hbm>>
        tpu.enqueue_indirect_dma source(%dma_start3A_251 : memref<10000x64xi32, #tpu.memory_space<hbm>>) target(%arg22 : memref<80x64xi32, #tpu.memory_space<vmem>>) offsets(%dma_start3A_248 : memref<80xi32, #tpu.memory_space<vmem>>) semaphore(%arg28 : memref<!tpu.dma_semaphore, #tpu.memory_space<semaphore_mem>>)
        %dma_start3A_252 = tpu.memref_slice %arg10[%mul3A_243] : memref<10000xi32, #tpu.memory_space<vmem>> -> memref<80xi32, #tpu.memory_space<vmem>>
        %dma_start3A_253 = arith.constant 0 : i32
        %dma_start3A_254 = arith.constant 0 : i32
        %dma_start3A_255 = tpu.memref_slice %arg6[%dma_start3A_253, %dma_start3A_254] : memref<1000x64xi32, #tpu.memory_space<hbm>> -> memref<1000x64xi32, #tpu.memory_space<hbm>>
        tpu.enqueue_indirect_dma source(%dma_start3A_255 : memref<1000x64xi32, #tpu.memory_space<hbm>>) target(%arg17 : memref<80x64xi32, #tpu.memory_space<vmem>>) offsets(%dma_start3A_252 : memref<80xi32, #tpu.memory_space<vmem>>) semaphore(%arg28 : memref<!tpu.dma_semaphore, #tpu.memory_space<semaphore_mem>>)
      } else {
      }
      %mul3A_146 = arith.constant 80 : i32
      %mul3A_147 = arith.muli %add3A_136, %mul3A_146 : i32
      %dma_wait3A_148 = tpu.memref_slice %arg8[%mul3A_147] : memref<10000xi32, #tpu.memory_space<vmem>> -> memref<80xi32, #tpu.memory_space<vmem>>
      %dma_wait3A_149 = arith.constant 0 : i32
      %dma_wait3A_150 = arith.constant 0 : i32
      %dma_wait3A_151 = tpu.memref_slice %arg2[%dma_wait3A_149, %dma_wait3A_150] : memref<10000x64xi32, #tpu.memory_space<hbm>> -> memref<10000x64xi32, #tpu.memory_space<hbm>>
      tpu.wait_indirect_dma semaphore(%arg29 : memref<!tpu.dma_semaphore, #tpu.memory_space<semaphore_mem>>) src(%dma_wait3A_151 : memref<10000x64xi32, #tpu.memory_space<hbm>>) dst(%arg13 : memref<80x64xi32, #tpu.memory_space<vmem>>)
      %dma_wait3A_152 = tpu.memref_slice %arg9[%mul3A_147] : memref<10000xi32, #tpu.memory_space<vmem>> -> memref<80xi32, #tpu.memory_space<vmem>>
      %dma_wait3A_153 = arith.constant 0 : i32
      %dma_wait3A_154 = arith.constant 0 : i32
      %dma_wait3A_155 = tpu.memref_slice %arg2[%dma_wait3A_153, %dma_wait3A_154] : memref<10000x64xi32, #tpu.memory_space<hbm>> -> memref<10000x64xi32, #tpu.memory_space<hbm>>
      tpu.wait_indirect_dma semaphore(%arg29 : memref<!tpu.dma_semaphore, #tpu.memory_space<semaphore_mem>>) src(%dma_wait3A_155 : memref<10000x64xi32, #tpu.memory_space<hbm>>) dst(%arg23 : memref<80x64xi32, #tpu.memory_space<vmem>>)
      %dma_wait3A_156 = tpu.memref_slice %arg10[%mul3A_147] : memref<10000xi32, #tpu.memory_space<vmem>> -> memref<80xi32, #tpu.memory_space<vmem>>
      %dma_wait3A_157 = arith.constant 0 : i32
      %dma_wait3A_158 = arith.constant 0 : i32
      %dma_wait3A_159 = tpu.memref_slice %arg6[%dma_wait3A_157, %dma_wait3A_158] : memref<1000x64xi32, #tpu.memory_space<hbm>> -> memref<1000x64xi32, #tpu.memory_space<hbm>>
      tpu.wait_indirect_dma semaphore(%arg29 : memref<!tpu.dma_semaphore, #tpu.memory_space<semaphore_mem>>) src(%dma_wait3A_159 : memref<1000x64xi32, #tpu.memory_space<hbm>>) dst(%arg18 : memref<80x64xi32, #tpu.memory_space<vmem>>)
      %mul3A_160 = arith.constant 80 : i32
      %mul3A_161 = arith.muli %add3A_136, %mul3A_160 : i32
      %scan3A_162 = arith.constant 0 : i32
      %scan3A_163 = arith.constant 0 : i32
      %scan3A_164 = arith.constant 5 : i32
      %scan3A_165 = arith.addi %scan3A_163, %scan3A_164 : i32
      %scan3A_166 = arith.constant 1 : i32
      scf.for %scan3A_238 = %scan3A_163 to %scan3A_165 step %scan3A_166  : i32 {
        %mul3A_239 = arith.constant 16 : i32
        %mul3A_240 = arith.muli %scan3A_238, %mul3A_239 : i32
        %iota3A = tpu.iota {dimensions = array<i32: 0>} : vector<16xi32>
        %add3A_241 = vector.broadcast %mul3A_240 : i32 to vector<16xi32>
        %add3A_242 = arith.addi %add3A_241, %iota3A : vector<16xi32>
        %iota3A_243 = tpu.iota {dimensions = array<i32: 0>} : vector<16xi32>
        %broadcast_in_dim3A = arith.constant 0.000000e+00 : f32
        %broadcast_in_dim3A_244 = vector.broadcast %broadcast_in_dim3A : f32 to vector<16xf32>
        %scan3A_245 = arith.constant 0 : i32
        %scan3A_246 = arith.constant 16 : i32
        %scan3A_247 = arith.addi %scan3A_245, %scan3A_246 : i32
        %scan3A_248 = arith.constant 2 : i32
        %scan3A_249 = scf.for %scan3A_255 = %scan3A_245 to %scan3A_247 step %scan3A_248 iter_args(%scan3A_256 = %broadcast_in_dim3A_244) -> (vector<16xf32>)  : i32 {
          %mul3A_257 = arith.constant 4 : i32
          %mul3A_258 = arith.muli %scan3A_255, %mul3A_257 : i32
          %add3A_259 = arith.constant 0 : i32
          %add3A_260 = arith.addi %mul3A_258, %add3A_259 : i32
          %add3A_261 = vector.broadcast %add3A_260 : i32 to vector<16xi32>
          %add3A_262 = arith.addi %iota3A_243, %add3A_261 : vector<16xi32>
          %and3A = arith.constant 63 : i32
          %and3A_263 = vector.broadcast %and3A : i32 to vector<16xi32>
          %and3A_264 = arith.andi %add3A_262, %and3A_263 : vector<16xi32>
          %gather3A = tpu.vector_load_idx %arg13[%add3A_242, %and3A_264] : memref<80x64xi32, #tpu.memory_space<vmem>>[vector<16xi32>, vector<16xi32>], vector<16xi32>,
          %gather3A_265 = tpu.vector_load_idx %arg18[%add3A_242, %and3A_264] : memref<80x64xi32, #tpu.memory_space<vmem>>[vector<16xi32>, vector<16xi32>], vector<16xi32>,
          %gather3A_266 = tpu.vector_load_idx %arg23[%add3A_242, %and3A_264] : memref<80x64xi32, #tpu.memory_space<vmem>>[vector<16xi32>, vector<16xi32>], vector<16xi32>,
          %bitcast3A = vector.bitcast %gather3A : vector<16xi32> to vector<32xbf16>
          %bitcast3A_267 = vector.bitcast %gather3A_265 : vector<16xi32> to vector<32xbf16>
          %mul3A_268 = arith.mulf %bitcast3A, %bitcast3A_267 : vector<32xbf16>
          %bitcast3A_269 = vector.bitcast %gather3A_266 : vector<16xi32> to vector<32xbf16>
          %mul3A_270 = arith.mulf %mul3A_268, %bitcast3A_269 : vector<32xbf16>
          %unpack3A = tpu.unpack_subelements %mul3A_270, 0 {pack_format = #tpu.pack_format<interleaved>} : vector<32xbf16> -> vector<16xf32>
          %unpack3A_271 = tpu.unpack_subelements %mul3A_270, 1 {pack_format = #tpu.pack_format<interleaved>} : vector<32xbf16> -> vector<16xf32>
          %add3A_272 = arith.addf %unpack3A, %unpack3A_271 : vector<16xf32>
          %mul3A_273 = arith.constant 4 : i32
          %mul3A_274 = arith.muli %scan3A_255, %mul3A_273 : i32
          %add3A_275 = arith.constant 1 : i32
          %add3A_276 = arith.addi %mul3A_274, %add3A_275 : i32
          %add3A_277 = vector.broadcast %add3A_276 : i32 to vector<16xi32>
          %add3A_278 = arith.addi %iota3A_243, %add3A_277 : vector<16xi32>
          %and3A_279 = arith.constant 63 : i32
          %and3A_280 = vector.broadcast %and3A_279 : i32 to vector<16xi32>
          %and3A_281 = arith.andi %add3A_278, %and3A_280 : vector<16xi32>
          %gather3A_282 = tpu.vector_load_idx %arg13[%add3A_242, %and3A_281] : memref<80x64xi32, #tpu.memory_space<vmem>>[vector<16xi32>, vector<16xi32>], vector<16xi32>,
          %gather3A_283 = tpu.vector_load_idx %arg18[%add3A_242, %and3A_281] : memref<80x64xi32, #tpu.memory_space<vmem>>[vector<16xi32>, vector<16xi32>], vector<16xi32>,
          %gather3A_284 = tpu.vector_load_idx %arg23[%add3A_242, %and3A_281] : memref<80x64xi32, #tpu.memory_space<vmem>>[vector<16xi32>, vector<16xi32>], vector<16xi32>,
          %bitcast3A_285 = vector.bitcast %gather3A_282 : vector<16xi32> to vector<32xbf16>
          %bitcast3A_286 = vector.bitcast %gather3A_283 : vector<16xi32> to vector<32xbf16>
          %mul3A_287 = arith.mulf %bitcast3A_285, %bitcast3A_286 : vector<32xbf16>
          %bitcast3A_288 = vector.bitcast %gather3A_284 : vector<16xi32> to vector<32xbf16>
          %mul3A_289 = arith.mulf %mul3A_287, %bitcast3A_288 : vector<32xbf16>
          %unpack3A_290 = tpu.unpack_subelements %mul3A_289, 0 {pack_format = #tpu.pack_format<interleaved>} : vector<32xbf16> -> vector<16xf32>
          %unpack3A_291 = tpu.unpack_subelements %mul3A_289, 1 {pack_format = #tpu.pack_format<interleaved>} : vector<32xbf16> -> vector<16xf32>
          %add3A_292 = arith.addf %unpack3A_290, %unpack3A_291 : vector<16xf32>
          %mul3A_293 = arith.constant 4 : i32
          %mul3A_294 = arith.muli %scan3A_255, %mul3A_293 : i32
          %add3A_295 = arith.constant 2 : i32
          %add3A_296 = arith.addi %mul3A_294, %add3A_295 : i32
          %add3A_297 = vector.broadcast %add3A_296 : i32 to vector<16xi32>
          %add3A_298 = arith.addi %iota3A_243, %add3A_297 : vector<16xi32>
          %and3A_299 = arith.constant 63 : i32
          %and3A_300 = vector.broadcast %and3A_299 : i32 to vector<16xi32>
          %and3A_301 = arith.andi %add3A_298, %and3A_300 : vector<16xi32>
          %gather3A_302 = tpu.vector_load_idx %arg13[%add3A_242, %and3A_301] : memref<80x64xi32, #tpu.memory_space<vmem>>[vector<16xi32>, vector<16xi32>], vector<16xi32>,
          %gather3A_303 = tpu.vector_load_idx %arg18[%add3A_242, %and3A_301] : memref<80x64xi32, #tpu.memory_space<vmem>>[vector<16xi32>, vector<16xi32>], vector<16xi32>,
          %gather3A_304 = tpu.vector_load_idx %arg23[%add3A_242, %and3A_301] : memref<80x64xi32, #tpu.memory_space<vmem>>[vector<16xi32>, vector<16xi32>], vector<16xi32>,
          %bitcast3A_305 = vector.bitcast %gather3A_302 : vector<16xi32> to vector<32xbf16>
          %bitcast3A_306 = vector.bitcast %gather3A_303 : vector<16xi32> to vector<32xbf16>
          %mul3A_307 = arith.mulf %bitcast3A_305, %bitcast3A_306 : vector<32xbf16>
          %bitcast3A_308 = vector.bitcast %gather3A_304 : vector<16xi32> to vector<32xbf16>
          %mul3A_309 = arith.mulf %mul3A_307, %bitcast3A_308 : vector<32xbf16>
          %unpack3A_310 = tpu.unpack_subelements %mul3A_309, 0 {pack_format = #tpu.pack_format<interleaved>} : vector<32xbf16> -> vector<16xf32>
          %unpack3A_311 = tpu.unpack_subelements %mul3A_309, 1 {pack_format = #tpu.pack_format<interleaved>} : vector<32xbf16> -> vector<16xf32>
          %add3A_312 = arith.addf %unpack3A_310, %unpack3A_311 : vector<16xf32>
          %mul3A_313 = arith.constant 4 : i32
          %mul3A_314 = arith.muli %scan3A_255, %mul3A_313 : i32
          %add3A_315 = arith.constant 3 : i32
          %add3A_316 = arith.addi %mul3A_314, %add3A_315 : i32
          %add3A_317 = vector.broadcast %add3A_316 : i32 to vector<16xi32>
          %add3A_318 = arith.addi %iota3A_243, %add3A_317 : vector<16xi32>
          %and3A_319 = arith.constant 63 : i32
          %and3A_320 = vector.broadcast %and3A_319 : i32 to vector<16xi32>
          %and3A_321 = arith.andi %add3A_318, %and3A_320 : vector<16xi32>
          %gather3A_322 = tpu.vector_load_idx %arg13[%add3A_242, %and3A_321] : memref<80x64xi32, #tpu.memory_space<vmem>>[vector<16xi32>, vector<16xi32>], vector<16xi32>,
          %gather3A_323 = tpu.vector_load_idx %arg18[%add3A_242, %and3A_321] : memref<80x64xi32, #tpu.memory_space<vmem>>[vector<16xi32>, vector<16xi32>], vector<16xi32>,
          %gather3A_324 = tpu.vector_load_idx %arg23[%add3A_242, %and3A_321] : memref<80x64xi32, #tpu.memory_space<vmem>>[vector<16xi32>, vector<16xi32>], vector<16xi32>,
          %bitcast3A_325 = vector.bitcast %gather3A_322 : vector<16xi32> to vector<32xbf16>
          %bitcast3A_326 = vector.bitcast %gather3A_323 : vector<16xi32> to vector<32xbf16>
          %mul3A_327 = arith.mulf %bitcast3A_325, %bitcast3A_326 : vector<32xbf16>
          %bitcast3A_328 = vector.bitcast %gather3A_324 : vector<16xi32> to vector<32xbf16>
          %mul3A_329 = arith.mulf %mul3A_327, %bitcast3A_328 : vector<32xbf16>
          %unpack3A_330 = tpu.unpack_subelements %mul3A_329, 0 {pack_format = #tpu.pack_format<interleaved>} : vector<32xbf16> -> vector<16xf32>
          %unpack3A_331 = tpu.unpack_subelements %mul3A_329, 1 {pack_format = #tpu.pack_format<interleaved>} : vector<32xbf16> -> vector<16xf32>
          %add3A_332 = arith.addf %unpack3A_330, %unpack3A_331 : vector<16xf32>
          %add3A_333 = arith.addf %add3A_272, %add3A_292 : vector<16xf32>
          %add3A_334 = arith.addf %add3A_312, %add3A_332 : vector<16xf32>
          %add3A_335 = arith.addf %add3A_333, %add3A_334 : vector<16xf32>
          %add3A_336 = arith.addf %scan3A_256, %add3A_335 : vector<16xf32>
          %scan3A_337 = arith.constant 1 : i32
          %scan3A_338 = arith.addi %scan3A_255, %scan3A_337 : i32
          %mul3A_339 = arith.constant 4 : i32
          %mul3A_340 = arith.muli %scan3A_338, %mul3A_339 : i32
          %add3A_341 = arith.constant 0 : i32
          %add3A_342 = arith.addi %mul3A_340, %add3A_341 : i32
          %add3A_343 = vector.broadcast %add3A_342 : i32 to vector<16xi32>
          %add3A_344 = arith.addi %iota3A_243, %add3A_343 : vector<16xi32>
          %and3A_345 = arith.constant 63 : i32
          %and3A_346 = vector.broadcast %and3A_345 : i32 to vector<16xi32>
          %and3A_347 = arith.andi %add3A_344, %and3A_346 : vector<16xi32>
          %gather3A_348 = tpu.vector_load_idx %arg13[%add3A_242, %and3A_347] : memref<80x64xi32, #tpu.memory_space<vmem>>[vector<16xi32>, vector<16xi32>], vector<16xi32>,
          %gather3A_349 = tpu.vector_load_idx %arg18[%add3A_242, %and3A_347] : memref<80x64xi32, #tpu.memory_space<vmem>>[vector<16xi32>, vector<16xi32>], vector<16xi32>,
          %gather3A_350 = tpu.vector_load_idx %arg23[%add3A_242, %and3A_347] : memref<80x64xi32, #tpu.memory_space<vmem>>[vector<16xi32>, vector<16xi32>], vector<16xi32>,
          %bitcast3A_351 = vector.bitcast %gather3A_348 : vector<16xi32> to vector<32xbf16>
          %bitcast3A_352 = vector.bitcast %gather3A_349 : vector<16xi32> to vector<32xbf16>
          %mul3A_353 = arith.mulf %bitcast3A_351, %bitcast3A_352 : vector<32xbf16>
          %bitcast3A_354 = vector.bitcast %gather3A_350 : vector<16xi32> to vector<32xbf16>
          %mul3A_355 = arith.mulf %mul3A_353, %bitcast3A_354 : vector<32xbf16>
          %unpack3A_356 = tpu.unpack_subelements %mul3A_355, 0 {pack_format = #tpu.pack_format<interleaved>} : vector<32xbf16> -> vector<16xf32>
          %unpack3A_357 = tpu.unpack_subelements %mul3A_355, 1 {pack_format = #tpu.pack_format<interleaved>} : vector<32xbf16> -> vector<16xf32>
          %add3A_358 = arith.addf %unpack3A_356, %unpack3A_357 : vector<16xf32>
          %mul3A_359 = arith.constant 4 : i32
          %mul3A_360 = arith.muli %scan3A_338, %mul3A_359 : i32
          %add3A_361 = arith.constant 1 : i32
          %add3A_362 = arith.addi %mul3A_360, %add3A_361 : i32
          %add3A_363 = vector.broadcast %add3A_362 : i32 to vector<16xi32>
          %add3A_364 = arith.addi %iota3A_243, %add3A_363 : vector<16xi32>
          %and3A_365 = arith.constant 63 : i32
          %and3A_366 = vector.broadcast %and3A_365 : i32 to vector<16xi32>
          %and3A_367 = arith.andi %add3A_364, %and3A_366 : vector<16xi32>
          %gather3A_368 = tpu.vector_load_idx %arg13[%add3A_242, %and3A_367] : memref<80x64xi32, #tpu.memory_space<vmem>>[vector<16xi32>, vector<16xi32>], vector<16xi32>,
          %gather3A_369 = tpu.vector_load_idx %arg18[%add3A_242, %and3A_367] : memref<80x64xi32, #tpu.memory_space<vmem>>[vector<16xi32>, vector<16xi32>], vector<16xi32>,
          %gather3A_370 = tpu.vector_load_idx %arg23[%add3A_242, %and3A_367] : memref<80x64xi32, #tpu.memory_space<vmem>>[vector<16xi32>, vector<16xi32>], vector<16xi32>,
          %bitcast3A_371 = vector.bitcast %gather3A_368 : vector<16xi32> to vector<32xbf16>
          %bitcast3A_372 = vector.bitcast %gather3A_369 : vector<16xi32> to vector<32xbf16>
          %mul3A_373 = arith.mulf %bitcast3A_371, %bitcast3A_372 : vector<32xbf16>
          %bitcast3A_374 = vector.bitcast %gather3A_370 : vector<16xi32> to vector<32xbf16>
          %mul3A_375 = arith.mulf %mul3A_373, %bitcast3A_374 : vector<32xbf16>
          %unpack3A_376 = tpu.unpack_subelements %mul3A_375, 0 {pack_format = #tpu.pack_format<interleaved>} : vector<32xbf16> -> vector<16xf32>
          %unpack3A_377 = tpu.unpack_subelements %mul3A_375, 1 {pack_format = #tpu.pack_format<interleaved>} : vector<32xbf16> -> vector<16xf32>
          %add3A_378 = arith.addf %unpack3A_376, %unpack3A_377 : vector<16xf32>
          %mul3A_379 = arith.constant 4 : i32
          %mul3A_380 = arith.muli %scan3A_338, %mul3A_379 : i32
          %add3A_381 = arith.constant 2 : i32
          %add3A_382 = arith.addi %mul3A_380, %add3A_381 : i32
          %add3A_383 = vector.broadcast %add3A_382 : i32 to vector<16xi32>
          %add3A_384 = arith.addi %iota3A_243, %add3A_383 : vector<16xi32>
          %and3A_385 = arith.constant 63 : i32
          %and3A_386 = vector.broadcast %and3A_385 : i32 to vector<16xi32>
          %and3A_387 = arith.andi %add3A_384, %and3A_386 : vector<16xi32>
          %gather3A_388 = tpu.vector_load_idx %arg13[%add3A_242, %and3A_387] : memref<80x64xi32, #tpu.memory_space<vmem>>[vector<16xi32>, vector<16xi32>], vector<16xi32>,
          %gather3A_389 = tpu.vector_load_idx %arg18[%add3A_242, %and3A_387] : memref<80x64xi32, #tpu.memory_space<vmem>>[vector<16xi32>, vector<16xi32>], vector<16xi32>,
          %gather3A_390 = tpu.vector_load_idx %arg23[%add3A_242, %and3A_387] : memref<80x64xi32, #tpu.memory_space<vmem>>[vector<16xi32>, vector<16xi32>], vector<16xi32>,
          %bitcast3A_391 = vector.bitcast %gather3A_388 : vector<16xi32> to vector<32xbf16>
          %bitcast3A_392 = vector.bitcast %gather3A_389 : vector<16xi32> to vector<32xbf16>
          %mul3A_393 = arith.mulf %bitcast3A_391, %bitcast3A_392 : vector<32xbf16>
          %bitcast3A_394 = vector.bitcast %gather3A_390 : vector<16xi32> to vector<32xbf16>
          %mul3A_395 = arith.mulf %mul3A_393, %bitcast3A_394 : vector<32xbf16>
          %unpack3A_396 = tpu.unpack_subelements %mul3A_395, 0 {pack_format = #tpu.pack_format<interleaved>} : vector<32xbf16> -> vector<16xf32>
          %unpack3A_397 = tpu.unpack_subelements %mul3A_395, 1 {pack_format = #tpu.pack_format<interleaved>} : vector<32xbf16> -> vector<16xf32>
          %add3A_398 = arith.addf %unpack3A_396, %unpack3A_397 : vector<16xf32>
          %mul3A_399 = arith.constant 4 : i32
          %mul3A_400 = arith.muli %scan3A_338, %mul3A_399 : i32
          %add3A_401 = arith.constant 3 : i32
          %add3A_402 = arith.addi %mul3A_400, %add3A_401 : i32
          %add3A_403 = vector.broadcast %add3A_402 : i32 to vector<16xi32>
          %add3A_404 = arith.addi %iota3A_243, %add3A_403 : vector<16xi32>
          %and3A_405 = arith.constant 63 : i32
          %and3A_406 = vector.broadcast %and3A_405 : i32 to vector<16xi32>
          %and3A_407 = arith.andi %add3A_404, %and3A_406 : vector<16xi32>
          %gather3A_408 = tpu.vector_load_idx %arg13[%add3A_242, %and3A_407] : memref<80x64xi32, #tpu.memory_space<vmem>>[vector<16xi32>, vector<16xi32>], vector<16xi32>,
          %gather3A_409 = tpu.vector_load_idx %arg18[%add3A_242, %and3A_407] : memref<80x64xi32, #tpu.memory_space<vmem>>[vector<16xi32>, vector<16xi32>], vector<16xi32>,
          %gather3A_410 = tpu.vector_load_idx %arg23[%add3A_242, %and3A_407] : memref<80x64xi32, #tpu.memory_space<vmem>>[vector<16xi32>, vector<16xi32>], vector<16xi32>,
          %bitcast3A_411 = vector.bitcast %gather3A_408 : vector<16xi32> to vector<32xbf16>
          %bitcast3A_412 = vector.bitcast %gather3A_409 : vector<16xi32> to vector<32xbf16>
          %mul3A_413 = arith.mulf %bitcast3A_411, %bitcast3A_412 : vector<32xbf16>
          %bitcast3A_414 = vector.bitcast %gather3A_410 : vector<16xi32> to vector<32xbf16>
          %mul3A_415 = arith.mulf %mul3A_413, %bitcast3A_414 : vector<32xbf16>
          %unpack3A_416 = tpu.unpack_subelements %mul3A_415, 0 {pack_format = #tpu.pack_format<interleaved>} : vector<32xbf16> -> vector<16xf32>
          %unpack3A_417 = tpu.unpack_subelements %mul3A_415, 1 {pack_format = #tpu.pack_format<interleaved>} : vector<32xbf16> -> vector<16xf32>
          %add3A_418 = arith.addf %unpack3A_416, %unpack3A_417 : vector<16xf32>
          %add3A_419 = arith.addf %add3A_358, %add3A_378 : vector<16xf32>
          %add3A_420 = arith.addf %add3A_398, %add3A_418 : vector<16xf32>
          %add3A_421 = arith.addf %add3A_419, %add3A_420 : vector<16xf32>
          %add3A_422 = arith.addf %add3A_336, %add3A_421 : vector<16xf32>
          scf.yield %add3A_422 : vector<16xf32>
        }
        %scan3A_250 = arith.constant 16 : i32
        %mul3A_251 = arith.constant 16 : i32
        %mul3A_252 = arith.muli %scan3A_238, %mul3A_251 : i32
        %add3A_253 = arith.addi %mul3A_161, %mul3A_252 : i32
        %swap3A = arith.index_cast %add3A_253 : i32 to index
        %swap3A_254 = tpu.vector_load %arg26[%swap3A] {strides = array<i32>} : memref<10000xf32, #tpu.memory_space<vmem>>, vector<16xf32>,
        tpu.vector_store %arg26[%swap3A], %scan3A_249 {strides = array<i32>} : memref<10000xf32, #tpu.memory_space<vmem>>, vector<16xf32>,
      }
      %scan3A_167 = arith.constant 5 : i32
      %mul3A_168 = arith.constant 5 : i32
      %mul3A_169 = arith.muli %mul3A_168, %scan3A_67 : i32
      %add3A_170 = arith.constant 3 : i32
      %add3A_171 = arith.addi %mul3A_169, %add3A_170 : i32
      %add3A_172 = arith.constant 5 : i32
      %add3A_173 = arith.addi %add3A_171, %add3A_172 : i32
      %sub3A_174 = arith.constant 1 : i32
      %sub3A_175 = arith.subi %add3A_173, %sub3A_174 : i32
      %lt3A_176 = arith.constant 125 : i32
      %lt3A_177 = arith.cmpi slt, %sub3A_175, %lt3A_176 : i32
      %convert_element_type3A_178 = arith.extui %lt3A_177 : i1 to i32
      %cond3A_179 = arith.constant 0 : i32
      %cond3A_180 = arith.cmpi ne, %convert_element_type3A_178, %cond3A_179 : i32
      scf.if %cond3A_180 {
        %add3A_238 = arith.constant 5 : i32
        %add3A_239 = arith.addi %add3A_171, %add3A_238 : i32
        %sub3A_240 = arith.constant 1 : i32
        %sub3A_241 = arith.subi %add3A_239, %sub3A_240 : i32
        %mul3A_242 = arith.constant 80 : i32
        %mul3A_243 = arith.muli %sub3A_241, %mul3A_242 : i32
        %dma_start3A_244 = tpu.memref_slice %arg8[%mul3A_243] : memref<10000xi32, #tpu.memory_space<vmem>> -> memref<80xi32, #tpu.memory_space<vmem>>
        %dma_start3A_245 = arith.constant 0 : i32
        %dma_start3A_246 = arith.constant 0 : i32
        %dma_start3A_247 = tpu.memref_slice %arg2[%dma_start3A_245, %dma_start3A_246] : memref<10000x64xi32, #tpu.memory_space<hbm>> -> memref<10000x64xi32, #tpu.memory_space<hbm>>
        tpu.enqueue_indirect_dma source(%dma_start3A_247 : memref<10000x64xi32, #tpu.memory_space<hbm>>) target(%arg13 : memref<80x64xi32, #tpu.memory_space<vmem>>) offsets(%dma_start3A_244 : memref<80xi32, #tpu.memory_space<vmem>>) semaphore(%arg29 : memref<!tpu.dma_semaphore, #tpu.memory_space<semaphore_mem>>)
        %dma_start3A_248 = tpu.memref_slice %arg9[%mul3A_243] : memref<10000xi32, #tpu.memory_space<vmem>> -> memref<80xi32, #tpu.memory_space<vmem>>
        %dma_start3A_249 = arith.constant 0 : i32
        %dma_start3A_250 = arith.constant 0 : i32
        %dma_start3A_251 = tpu.memref_slice %arg2[%dma_start3A_249, %dma_start3A_250] : memref<10000x64xi32, #tpu.memory_space<hbm>> -> memref<10000x64xi32, #tpu.memory_space<hbm>>
        tpu.enqueue_indirect_dma source(%dma_start3A_251 : memref<10000x64xi32, #tpu.memory_space<hbm>>) target(%arg23 : memref<80x64xi32, #tpu.memory_space<vmem>>) offsets(%dma_start3A_248 : memref<80xi32, #tpu.memory_space<vmem>>) semaphore(%arg29 : memref<!tpu.dma_semaphore, #tpu.memory_space<semaphore_mem>>)
        %dma_start3A_252 = tpu.memref_slice %arg10[%mul3A_243] : memref<10000xi32, #tpu.memory_space<vmem>> -> memref<80xi32, #tpu.memory_space<vmem>>
        %dma_start3A_253 = arith.constant 0 : i32
        %dma_start3A_254 = arith.constant 0 : i32
        %dma_start3A_255 = tpu.memref_slice %arg6[%dma_start3A_253, %dma_start3A_254] : memref<1000x64xi32, #tpu.memory_space<hbm>> -> memref<1000x64xi32, #tpu.memory_space<hbm>>
        tpu.enqueue_indirect_dma source(%dma_start3A_255 : memref<1000x64xi32, #tpu.memory_space<hbm>>) target(%arg18 : memref<80x64xi32, #tpu.memory_space<vmem>>) offsets(%dma_start3A_252 : memref<80xi32, #tpu.memory_space<vmem>>) semaphore(%arg29 : memref<!tpu.dma_semaphore, #tpu.memory_space<semaphore_mem>>)
      } else {
      }
      %mul3A_181 = arith.constant 80 : i32
      %mul3A_182 = arith.muli %add3A_171, %mul3A_181 : i32
      %dma_wait3A_183 = tpu.memref_slice %arg8[%mul3A_182] : memref<10000xi32, #tpu.memory_space<vmem>> -> memref<80xi32, #tpu.memory_space<vmem>>
      %dma_wait3A_184 = arith.constant 0 : i32
      %dma_wait3A_185 = arith.constant 0 : i32
      %dma_wait3A_186 = tpu.memref_slice %arg2[%dma_wait3A_184, %dma_wait3A_185] : memref<10000x64xi32, #tpu.memory_space<hbm>> -> memref<10000x64xi32, #tpu.memory_space<hbm>>
      tpu.wait_indirect_dma semaphore(%arg30 : memref<!tpu.dma_semaphore, #tpu.memory_space<semaphore_mem>>) src(%dma_wait3A_186 : memref<10000x64xi32, #tpu.memory_space<hbm>>) dst(%arg14 : memref<80x64xi32, #tpu.memory_space<vmem>>)
      %dma_wait3A_187 = tpu.memref_slice %arg9[%mul3A_182] : memref<10000xi32, #tpu.memory_space<vmem>> -> memref<80xi32, #tpu.memory_space<vmem>>
      %dma_wait3A_188 = arith.constant 0 : i32
      %dma_wait3A_189 = arith.constant 0 : i32
      %dma_wait3A_190 = tpu.memref_slice %arg2[%dma_wait3A_188, %dma_wait3A_189] : memref<10000x64xi32, #tpu.memory_space<hbm>> -> memref<10000x64xi32, #tpu.memory_space<hbm>>
      tpu.wait_indirect_dma semaphore(%arg30 : memref<!tpu.dma_semaphore, #tpu.memory_space<semaphore_mem>>) src(%dma_wait3A_190 : memref<10000x64xi32, #tpu.memory_space<hbm>>) dst(%arg24 : memref<80x64xi32, #tpu.memory_space<vmem>>)
      %dma_wait3A_191 = tpu.memref_slice %arg10[%mul3A_182] : memref<10000xi32, #tpu.memory_space<vmem>> -> memref<80xi32, #tpu.memory_space<vmem>>
      %dma_wait3A_192 = arith.constant 0 : i32
      %dma_wait3A_193 = arith.constant 0 : i32
      %dma_wait3A_194 = tpu.memref_slice %arg6[%dma_wait3A_192, %dma_wait3A_193] : memref<1000x64xi32, #tpu.memory_space<hbm>> -> memref<1000x64xi32, #tpu.memory_space<hbm>>
      tpu.wait_indirect_dma semaphore(%arg30 : memref<!tpu.dma_semaphore, #tpu.memory_space<semaphore_mem>>) src(%dma_wait3A_194 : memref<1000x64xi32, #tpu.memory_space<hbm>>) dst(%arg19 : memref<80x64xi32, #tpu.memory_space<vmem>>)
      %mul3A_195 = arith.constant 80 : i32
      %mul3A_196 = arith.muli %add3A_171, %mul3A_195 : i32
      %scan3A_197 = arith.constant 0 : i32
      %scan3A_198 = arith.constant 0 : i32
      %scan3A_199 = arith.constant 5 : i32
      %scan3A_200 = arith.addi %scan3A_198, %scan3A_199 : i32
      %scan3A_201 = arith.constant 1 : i32
      scf.for %scan3A_238 = %scan3A_198 to %scan3A_200 step %scan3A_201  : i32 {
        %mul3A_239 = arith.constant 16 : i32
        %mul3A_240 = arith.muli %scan3A_238, %mul3A_239 : i32
        %iota3A = tpu.iota {dimensions = array<i32: 0>} : vector<16xi32>
        %add3A_241 = vector.broadcast %mul3A_240 : i32 to vector<16xi32>
        %add3A_242 = arith.addi %add3A_241, %iota3A : vector<16xi32>
        %iota3A_243 = tpu.iota {dimensions = array<i32: 0>} : vector<16xi32>
        %broadcast_in_dim3A = arith.constant 0.000000e+00 : f32
        %broadcast_in_dim3A_244 = vector.broadcast %broadcast_in_dim3A : f32 to vector<16xf32>
        %scan3A_245 = arith.constant 0 : i32
        %scan3A_246 = arith.constant 16 : i32
        %scan3A_247 = arith.addi %scan3A_245, %scan3A_246 : i32
        %scan3A_248 = arith.constant 2 : i32
        %scan3A_249 = scf.for %scan3A_255 = %scan3A_245 to %scan3A_247 step %scan3A_248 iter_args(%scan3A_256 = %broadcast_in_dim3A_244) -> (vector<16xf32>)  : i32 {
          %mul3A_257 = arith.constant 4 : i32
          %mul3A_258 = arith.muli %scan3A_255, %mul3A_257 : i32
          %add3A_259 = arith.constant 0 : i32
          %add3A_260 = arith.addi %mul3A_258, %add3A_259 : i32
          %add3A_261 = vector.broadcast %add3A_260 : i32 to vector<16xi32>
          %add3A_262 = arith.addi %iota3A_243, %add3A_261 : vector<16xi32>
          %and3A = arith.constant 63 : i32
          %and3A_263 = vector.broadcast %and3A : i32 to vector<16xi32>
          %and3A_264 = arith.andi %add3A_262, %and3A_263 : vector<16xi32>
          %gather3A = tpu.vector_load_idx %arg14[%add3A_242, %and3A_264] : memref<80x64xi32, #tpu.memory_space<vmem>>[vector<16xi32>, vector<16xi32>], vector<16xi32>,
          %gather3A_265 = tpu.vector_load_idx %arg19[%add3A_242, %and3A_264] : memref<80x64xi32, #tpu.memory_space<vmem>>[vector<16xi32>, vector<16xi32>], vector<16xi32>,
          %gather3A_266 = tpu.vector_load_idx %arg24[%add3A_242, %and3A_264] : memref<80x64xi32, #tpu.memory_space<vmem>>[vector<16xi32>, vector<16xi32>], vector<16xi32>,
          %bitcast3A = vector.bitcast %gather3A : vector<16xi32> to vector<32xbf16>
          %bitcast3A_267 = vector.bitcast %gather3A_265 : vector<16xi32> to vector<32xbf16>
          %mul3A_268 = arith.mulf %bitcast3A, %bitcast3A_267 : vector<32xbf16>
          %bitcast3A_269 = vector.bitcast %gather3A_266 : vector<16xi32> to vector<32xbf16>
          %mul3A_270 = arith.mulf %mul3A_268, %bitcast3A_269 : vector<32xbf16>
          %unpack3A = tpu.unpack_subelements %mul3A_270, 0 {pack_format = #tpu.pack_format<interleaved>} : vector<32xbf16> -> vector<16xf32>
          %unpack3A_271 = tpu.unpack_subelements %mul3A_270, 1 {pack_format = #tpu.pack_format<interleaved>} : vector<32xbf16> -> vector<16xf32>
          %add3A_272 = arith.addf %unpack3A, %unpack3A_271 : vector<16xf32>
          %mul3A_273 = arith.constant 4 : i32
          %mul3A_274 = arith.muli %scan3A_255, %mul3A_273 : i32
          %add3A_275 = arith.constant 1 : i32
          %add3A_276 = arith.addi %mul3A_274, %add3A_275 : i32
          %add3A_277 = vector.broadcast %add3A_276 : i32 to vector<16xi32>
          %add3A_278 = arith.addi %iota3A_243, %add3A_277 : vector<16xi32>
          %and3A_279 = arith.constant 63 : i32
          %and3A_280 = vector.broadcast %and3A_279 : i32 to vector<16xi32>
          %and3A_281 = arith.andi %add3A_278, %and3A_280 : vector<16xi32>
          %gather3A_282 = tpu.vector_load_idx %arg14[%add3A_242, %and3A_281] : memref<80x64xi32, #tpu.memory_space<vmem>>[vector<16xi32>, vector<16xi32>], vector<16xi32>,
          %gather3A_283 = tpu.vector_load_idx %arg19[%add3A_242, %and3A_281] : memref<80x64xi32, #tpu.memory_space<vmem>>[vector<16xi32>, vector<16xi32>], vector<16xi32>,
          %gather3A_284 = tpu.vector_load_idx %arg24[%add3A_242, %and3A_281] : memref<80x64xi32, #tpu.memory_space<vmem>>[vector<16xi32>, vector<16xi32>], vector<16xi32>,
          %bitcast3A_285 = vector.bitcast %gather3A_282 : vector<16xi32> to vector<32xbf16>
          %bitcast3A_286 = vector.bitcast %gather3A_283 : vector<16xi32> to vector<32xbf16>
          %mul3A_287 = arith.mulf %bitcast3A_285, %bitcast3A_286 : vector<32xbf16>
          %bitcast3A_288 = vector.bitcast %gather3A_284 : vector<16xi32> to vector<32xbf16>
          %mul3A_289 = arith.mulf %mul3A_287, %bitcast3A_288 : vector<32xbf16>
          %unpack3A_290 = tpu.unpack_subelements %mul3A_289, 0 {pack_format = #tpu.pack_format<interleaved>} : vector<32xbf16> -> vector<16xf32>
          %unpack3A_291 = tpu.unpack_subelements %mul3A_289, 1 {pack_format = #tpu.pack_format<interleaved>} : vector<32xbf16> -> vector<16xf32>
          %add3A_292 = arith.addf %unpack3A_290, %unpack3A_291 : vector<16xf32>
          %mul3A_293 = arith.constant 4 : i32
          %mul3A_294 = arith.muli %scan3A_255, %mul3A_293 : i32
          %add3A_295 = arith.constant 2 : i32
          %add3A_296 = arith.addi %mul3A_294, %add3A_295 : i32
          %add3A_297 = vector.broadcast %add3A_296 : i32 to vector<16xi32>
          %add3A_298 = arith.addi %iota3A_243, %add3A_297 : vector<16xi32>
          %and3A_299 = arith.constant 63 : i32
          %and3A_300 = vector.broadcast %and3A_299 : i32 to vector<16xi32>
          %and3A_301 = arith.andi %add3A_298, %and3A_300 : vector<16xi32>
          %gather3A_302 = tpu.vector_load_idx %arg14[%add3A_242, %and3A_301] : memref<80x64xi32, #tpu.memory_space<vmem>>[vector<16xi32>, vector<16xi32>], vector<16xi32>,
          %gather3A_303 = tpu.vector_load_idx %arg19[%add3A_242, %and3A_301] : memref<80x64xi32, #tpu.memory_space<vmem>>[vector<16xi32>, vector<16xi32>], vector<16xi32>,
          %gather3A_304 = tpu.vector_load_idx %arg24[%add3A_242, %and3A_301] : memref<80x64xi32, #tpu.memory_space<vmem>>[vector<16xi32>, vector<16xi32>], vector<16xi32>,
          %bitcast3A_305 = vector.bitcast %gather3A_302 : vector<16xi32> to vector<32xbf16>
          %bitcast3A_306 = vector.bitcast %gather3A_303 : vector<16xi32> to vector<32xbf16>
          %mul3A_307 = arith.mulf %bitcast3A_305, %bitcast3A_306 : vector<32xbf16>
          %bitcast3A_308 = vector.bitcast %gather3A_304 : vector<16xi32> to vector<32xbf16>
          %mul3A_309 = arith.mulf %mul3A_307, %bitcast3A_308 : vector<32xbf16>
          %unpack3A_310 = tpu.unpack_subelements %mul3A_309, 0 {pack_format = #tpu.pack_format<interleaved>} : vector<32xbf16> -> vector<16xf32>
          %unpack3A_311 = tpu.unpack_subelements %mul3A_309, 1 {pack_format = #tpu.pack_format<interleaved>} : vector<32xbf16> -> vector<16xf32>
          %add3A_312 = arith.addf %unpack3A_310, %unpack3A_311 : vector<16xf32>
          %mul3A_313 = arith.constant 4 : i32
          %mul3A_314 = arith.muli %scan3A_255, %mul3A_313 : i32
          %add3A_315 = arith.constant 3 : i32
          %add3A_316 = arith.addi %mul3A_314, %add3A_315 : i32
          %add3A_317 = vector.broadcast %add3A_316 : i32 to vector<16xi32>
          %add3A_318 = arith.addi %iota3A_243, %add3A_317 : vector<16xi32>
          %and3A_319 = arith.constant 63 : i32
          %and3A_320 = vector.broadcast %and3A_319 : i32 to vector<16xi32>
          %and3A_321 = arith.andi %add3A_318, %and3A_320 : vector<16xi32>
          %gather3A_322 = tpu.vector_load_idx %arg14[%add3A_242, %and3A_321] : memref<80x64xi32, #tpu.memory_space<vmem>>[vector<16xi32>, vector<16xi32>], vector<16xi32>,
          %gather3A_323 = tpu.vector_load_idx %arg19[%add3A_242, %and3A_321] : memref<80x64xi32, #tpu.memory_space<vmem>>[vector<16xi32>, vector<16xi32>], vector<16xi32>,
          %gather3A_324 = tpu.vector_load_idx %arg24[%add3A_242, %and3A_321] : memref<80x64xi32, #tpu.memory_space<vmem>>[vector<16xi32>, vector<16xi32>], vector<16xi32>,
          %bitcast3A_325 = vector.bitcast %gather3A_322 : vector<16xi32> to vector<32xbf16>
          %bitcast3A_326 = vector.bitcast %gather3A_323 : vector<16xi32> to vector<32xbf16>
          %mul3A_327 = arith.mulf %bitcast3A_325, %bitcast3A_326 : vector<32xbf16>
          %bitcast3A_328 = vector.bitcast %gather3A_324 : vector<16xi32> to vector<32xbf16>
          %mul3A_329 = arith.mulf %mul3A_327, %bitcast3A_328 : vector<32xbf16>
          %unpack3A_330 = tpu.unpack_subelements %mul3A_329, 0 {pack_format = #tpu.pack_format<interleaved>} : vector<32xbf16> -> vector<16xf32>
          %unpack3A_331 = tpu.unpack_subelements %mul3A_329, 1 {pack_format = #tpu.pack_format<interleaved>} : vector<32xbf16> -> vector<16xf32>
          %add3A_332 = arith.addf %unpack3A_330, %unpack3A_331 : vector<16xf32>
          %add3A_333 = arith.addf %add3A_272, %add3A_292 : vector<16xf32>
          %add3A_334 = arith.addf %add3A_312, %add3A_332 : vector<16xf32>
          %add3A_335 = arith.addf %add3A_333, %add3A_334 : vector<16xf32>
          %add3A_336 = arith.addf %scan3A_256, %add3A_335 : vector<16xf32>
          %scan3A_337 = arith.constant 1 : i32
          %scan3A_338 = arith.addi %scan3A_255, %scan3A_337 : i32
          %mul3A_339 = arith.constant 4 : i32
          %mul3A_340 = arith.muli %scan3A_338, %mul3A_339 : i32
          %add3A_341 = arith.constant 0 : i32
          %add3A_342 = arith.addi %mul3A_340, %add3A_341 : i32
          %add3A_343 = vector.broadcast %add3A_342 : i32 to vector<16xi32>
          %add3A_344 = arith.addi %iota3A_243, %add3A_343 : vector<16xi32>
          %and3A_345 = arith.constant 63 : i32
          %and3A_346 = vector.broadcast %and3A_345 : i32 to vector<16xi32>
          %and3A_347 = arith.andi %add3A_344, %and3A_346 : vector<16xi32>
          %gather3A_348 = tpu.vector_load_idx %arg14[%add3A_242, %and3A_347] : memref<80x64xi32, #tpu.memory_space<vmem>>[vector<16xi32>, vector<16xi32>], vector<16xi32>,
          %gather3A_349 = tpu.vector_load_idx %arg19[%add3A_242, %and3A_347] : memref<80x64xi32, #tpu.memory_space<vmem>>[vector<16xi32>, vector<16xi32>], vector<16xi32>,
          %gather3A_350 = tpu.vector_load_idx %arg24[%add3A_242, %and3A_347] : memref<80x64xi32, #tpu.memory_space<vmem>>[vector<16xi32>, vector<16xi32>], vector<16xi32>,
          %bitcast3A_351 = vector.bitcast %gather3A_348 : vector<16xi32> to vector<32xbf16>
          %bitcast3A_352 = vector.bitcast %gather3A_349 : vector<16xi32> to vector<32xbf16>
          %mul3A_353 = arith.mulf %bitcast3A_351, %bitcast3A_352 : vector<32xbf16>
          %bitcast3A_354 = vector.bitcast %gather3A_350 : vector<16xi32> to vector<32xbf16>
          %mul3A_355 = arith.mulf %mul3A_353, %bitcast3A_354 : vector<32xbf16>
          %unpack3A_356 = tpu.unpack_subelements %mul3A_355, 0 {pack_format = #tpu.pack_format<interleaved>} : vector<32xbf16> -> vector<16xf32>
          %unpack3A_357 = tpu.unpack_subelements %mul3A_355, 1 {pack_format = #tpu.pack_format<interleaved>} : vector<32xbf16> -> vector<16xf32>
          %add3A_358 = arith.addf %unpack3A_356, %unpack3A_357 : vector<16xf32>
          %mul3A_359 = arith.constant 4 : i32
          %mul3A_360 = arith.muli %scan3A_338, %mul3A_359 : i32
          %add3A_361 = arith.constant 1 : i32
          %add3A_362 = arith.addi %mul3A_360, %add3A_361 : i32
          %add3A_363 = vector.broadcast %add3A_362 : i32 to vector<16xi32>
          %add3A_364 = arith.addi %iota3A_243, %add3A_363 : vector<16xi32>
          %and3A_365 = arith.constant 63 : i32
          %and3A_366 = vector.broadcast %and3A_365 : i32 to vector<16xi32>
          %and3A_367 = arith.andi %add3A_364, %and3A_366 : vector<16xi32>
          %gather3A_368 = tpu.vector_load_idx %arg14[%add3A_242, %and3A_367] : memref<80x64xi32, #tpu.memory_space<vmem>>[vector<16xi32>, vector<16xi32>], vector<16xi32>,
          %gather3A_369 = tpu.vector_load_idx %arg19[%add3A_242, %and3A_367] : memref<80x64xi32, #tpu.memory_space<vmem>>[vector<16xi32>, vector<16xi32>], vector<16xi32>,
          %gather3A_370 = tpu.vector_load_idx %arg24[%add3A_242, %and3A_367] : memref<80x64xi32, #tpu.memory_space<vmem>>[vector<16xi32>, vector<16xi32>], vector<16xi32>,
          %bitcast3A_371 = vector.bitcast %gather3A_368 : vector<16xi32> to vector<32xbf16>
          %bitcast3A_372 = vector.bitcast %gather3A_369 : vector<16xi32> to vector<32xbf16>
          %mul3A_373 = arith.mulf %bitcast3A_371, %bitcast3A_372 : vector<32xbf16>
          %bitcast3A_374 = vector.bitcast %gather3A_370 : vector<16xi32> to vector<32xbf16>
          %mul3A_375 = arith.mulf %mul3A_373, %bitcast3A_374 : vector<32xbf16>
          %unpack3A_376 = tpu.unpack_subelements %mul3A_375, 0 {pack_format = #tpu.pack_format<interleaved>} : vector<32xbf16> -> vector<16xf32>
          %unpack3A_377 = tpu.unpack_subelements %mul3A_375, 1 {pack_format = #tpu.pack_format<interleaved>} : vector<32xbf16> -> vector<16xf32>
          %add3A_378 = arith.addf %unpack3A_376, %unpack3A_377 : vector<16xf32>
          %mul3A_379 = arith.constant 4 : i32
          %mul3A_380 = arith.muli %scan3A_338, %mul3A_379 : i32
          %add3A_381 = arith.constant 2 : i32
          %add3A_382 = arith.addi %mul3A_380, %add3A_381 : i32
          %add3A_383 = vector.broadcast %add3A_382 : i32 to vector<16xi32>
          %add3A_384 = arith.addi %iota3A_243, %add3A_383 : vector<16xi32>
          %and3A_385 = arith.constant 63 : i32
          %and3A_386 = vector.broadcast %and3A_385 : i32 to vector<16xi32>
          %and3A_387 = arith.andi %add3A_384, %and3A_386 : vector<16xi32>
          %gather3A_388 = tpu.vector_load_idx %arg14[%add3A_242, %and3A_387] : memref<80x64xi32, #tpu.memory_space<vmem>>[vector<16xi32>, vector<16xi32>], vector<16xi32>,
          %gather3A_389 = tpu.vector_load_idx %arg19[%add3A_242, %and3A_387] : memref<80x64xi32, #tpu.memory_space<vmem>>[vector<16xi32>, vector<16xi32>], vector<16xi32>,
          %gather3A_390 = tpu.vector_load_idx %arg24[%add3A_242, %and3A_387] : memref<80x64xi32, #tpu.memory_space<vmem>>[vector<16xi32>, vector<16xi32>], vector<16xi32>,
          %bitcast3A_391 = vector.bitcast %gather3A_388 : vector<16xi32> to vector<32xbf16>
          %bitcast3A_392 = vector.bitcast %gather3A_389 : vector<16xi32> to vector<32xbf16>
          %mul3A_393 = arith.mulf %bitcast3A_391, %bitcast3A_392 : vector<32xbf16>
          %bitcast3A_394 = vector.bitcast %gather3A_390 : vector<16xi32> to vector<32xbf16>
          %mul3A_395 = arith.mulf %mul3A_393, %bitcast3A_394 : vector<32xbf16>
          %unpack3A_396 = tpu.unpack_subelements %mul3A_395, 0 {pack_format = #tpu.pack_format<interleaved>} : vector<32xbf16> -> vector<16xf32>
          %unpack3A_397 = tpu.unpack_subelements %mul3A_395, 1 {pack_format = #tpu.pack_format<interleaved>} : vector<32xbf16> -> vector<16xf32>
          %add3A_398 = arith.addf %unpack3A_396, %unpack3A_397 : vector<16xf32>
          %mul3A_399 = arith.constant 4 : i32
          %mul3A_400 = arith.muli %scan3A_338, %mul3A_399 : i32
          %add3A_401 = arith.constant 3 : i32
          %add3A_402 = arith.addi %mul3A_400, %add3A_401 : i32
          %add3A_403 = vector.broadcast %add3A_402 : i32 to vector<16xi32>
          %add3A_404 = arith.addi %iota3A_243, %add3A_403 : vector<16xi32>
          %and3A_405 = arith.constant 63 : i32
          %and3A_406 = vector.broadcast %and3A_405 : i32 to vector<16xi32>
          %and3A_407 = arith.andi %add3A_404, %and3A_406 : vector<16xi32>
          %gather3A_408 = tpu.vector_load_idx %arg14[%add3A_242, %and3A_407] : memref<80x64xi32, #tpu.memory_space<vmem>>[vector<16xi32>, vector<16xi32>], vector<16xi32>,
          %gather3A_409 = tpu.vector_load_idx %arg19[%add3A_242, %and3A_407] : memref<80x64xi32, #tpu.memory_space<vmem>>[vector<16xi32>, vector<16xi32>], vector<16xi32>,
          %gather3A_410 = tpu.vector_load_idx %arg24[%add3A_242, %and3A_407] : memref<80x64xi32, #tpu.memory_space<vmem>>[vector<16xi32>, vector<16xi32>], vector<16xi32>,
          %bitcast3A_411 = vector.bitcast %gather3A_408 : vector<16xi32> to vector<32xbf16>
          %bitcast3A_412 = vector.bitcast %gather3A_409 : vector<16xi32> to vector<32xbf16>
          %mul3A_413 = arith.mulf %bitcast3A_411, %bitcast3A_412 : vector<32xbf16>
          %bitcast3A_414 = vector.bitcast %gather3A_410 : vector<16xi32> to vector<32xbf16>
          %mul3A_415 = arith.mulf %mul3A_413, %bitcast3A_414 : vector<32xbf16>
          %unpack3A_416 = tpu.unpack_subelements %mul3A_415, 0 {pack_format = #tpu.pack_format<interleaved>} : vector<32xbf16> -> vector<16xf32>
          %unpack3A_417 = tpu.unpack_subelements %mul3A_415, 1 {pack_format = #tpu.pack_format<interleaved>} : vector<32xbf16> -> vector<16xf32>
          %add3A_418 = arith.addf %unpack3A_416, %unpack3A_417 : vector<16xf32>
          %add3A_419 = arith.addf %add3A_358, %add3A_378 : vector<16xf32>
          %add3A_420 = arith.addf %add3A_398, %add3A_418 : vector<16xf32>
          %add3A_421 = arith.addf %add3A_419, %add3A_420 : vector<16xf32>
          %add3A_422 = arith.addf %add3A_336, %add3A_421 : vector<16xf32>
          scf.yield %add3A_422 : vector<16xf32>
        }
        %scan3A_250 = arith.constant 16 : i32
        %mul3A_251 = arith.constant 16 : i32
        %mul3A_252 = arith.muli %scan3A_238, %mul3A_251 : i32
        %add3A_253 = arith.addi %mul3A_196, %mul3A_252 : i32
        %swap3A = arith.index_cast %add3A_253 : i32 to index
        %swap3A_254 = tpu.vector_load %arg26[%swap3A] {strides = array<i32>} : memref<10000xf32, #tpu.memory_space<vmem>>, vector<16xf32>,
        tpu.vector_store %arg26[%swap3A], %scan3A_249 {strides = array<i32>} : memref<10000xf32, #tpu.memory_space<vmem>>, vector<16xf32>,
      }
      %scan3A_202 = arith.constant 5 : i32
      %mul3A_203 = arith.constant 5 : i32
      %mul3A_204 = arith.muli %mul3A_203, %scan3A_67 : i32
      %add3A_205 = arith.constant 4 : i32
      %add3A_206 = arith.addi %mul3A_204, %add3A_205 : i32
      %add3A_207 = arith.constant 5 : i32
      %add3A_208 = arith.addi %add3A_206, %add3A_207 : i32
      %sub3A_209 = arith.constant 1 : i32
      %sub3A_210 = arith.subi %add3A_208, %sub3A_209 : i32
      %lt3A_211 = arith.constant 125 : i32
      %lt3A_212 = arith.cmpi slt, %sub3A_210, %lt3A_211 : i32
      %convert_element_type3A_213 = arith.extui %lt3A_212 : i1 to i32
      %cond3A_214 = arith.constant 0 : i32
      %cond3A_215 = arith.cmpi ne, %convert_element_type3A_213, %cond3A_214 : i32
      scf.if %cond3A_215 {
        %add3A_238 = arith.constant 5 : i32
        %add3A_239 = arith.addi %add3A_206, %add3A_238 : i32
        %sub3A_240 = arith.constant 1 : i32
        %sub3A_241 = arith.subi %add3A_239, %sub3A_240 : i32
        %mul3A_242 = arith.constant 80 : i32
        %mul3A_243 = arith.muli %sub3A_241, %mul3A_242 : i32
        %dma_start3A_244 = tpu.memref_slice %arg8[%mul3A_243] : memref<10000xi32, #tpu.memory_space<vmem>> -> memref<80xi32, #tpu.memory_space<vmem>>
        %dma_start3A_245 = arith.constant 0 : i32
        %dma_start3A_246 = arith.constant 0 : i32
        %dma_start3A_247 = tpu.memref_slice %arg2[%dma_start3A_245, %dma_start3A_246] : memref<10000x64xi32, #tpu.memory_space<hbm>> -> memref<10000x64xi32, #tpu.memory_space<hbm>>
        tpu.enqueue_indirect_dma source(%dma_start3A_247 : memref<10000x64xi32, #tpu.memory_space<hbm>>) target(%arg14 : memref<80x64xi32, #tpu.memory_space<vmem>>) offsets(%dma_start3A_244 : memref<80xi32, #tpu.memory_space<vmem>>) semaphore(%arg30 : memref<!tpu.dma_semaphore, #tpu.memory_space<semaphore_mem>>)
        %dma_start3A_248 = tpu.memref_slice %arg9[%mul3A_243] : memref<10000xi32, #tpu.memory_space<vmem>> -> memref<80xi32, #tpu.memory_space<vmem>>
        %dma_start3A_249 = arith.constant 0 : i32
        %dma_start3A_250 = arith.constant 0 : i32
        %dma_start3A_251 = tpu.memref_slice %arg2[%dma_start3A_249, %dma_start3A_250] : memref<10000x64xi32, #tpu.memory_space<hbm>> -> memref<10000x64xi32, #tpu.memory_space<hbm>>
        tpu.enqueue_indirect_dma source(%dma_start3A_251 : memref<10000x64xi32, #tpu.memory_space<hbm>>) target(%arg24 : memref<80x64xi32, #tpu.memory_space<vmem>>) offsets(%dma_start3A_248 : memref<80xi32, #tpu.memory_space<vmem>>) semaphore(%arg30 : memref<!tpu.dma_semaphore, #tpu.memory_space<semaphore_mem>>)
        %dma_start3A_252 = tpu.memref_slice %arg10[%mul3A_243] : memref<10000xi32, #tpu.memory_space<vmem>> -> memref<80xi32, #tpu.memory_space<vmem>>
        %dma_start3A_253 = arith.constant 0 : i32
        %dma_start3A_254 = arith.constant 0 : i32
        %dma_start3A_255 = tpu.memref_slice %arg6[%dma_start3A_253, %dma_start3A_254] : memref<1000x64xi32, #tpu.memory_space<hbm>> -> memref<1000x64xi32, #tpu.memory_space<hbm>>
        tpu.enqueue_indirect_dma source(%dma_start3A_255 : memref<1000x64xi32, #tpu.memory_space<hbm>>) target(%arg19 : memref<80x64xi32, #tpu.memory_space<vmem>>) offsets(%dma_start3A_252 : memref<80xi32, #tpu.memory_space<vmem>>) semaphore(%arg30 : memref<!tpu.dma_semaphore, #tpu.memory_space<semaphore_mem>>)
      } else {
      }
      %mul3A_216 = arith.constant 80 : i32
      %mul3A_217 = arith.muli %add3A_206, %mul3A_216 : i32
      %dma_wait3A_218 = tpu.memref_slice %arg8[%mul3A_217] : memref<10000xi32, #tpu.memory_space<vmem>> -> memref<80xi32, #tpu.memory_space<vmem>>
      %dma_wait3A_219 = arith.constant 0 : i32
      %dma_wait3A_220 = arith.constant 0 : i32
      %dma_wait3A_221 = tpu.memref_slice %arg2[%dma_wait3A_219, %dma_wait3A_220] : memref<10000x64xi32, #tpu.memory_space<hbm>> -> memref<10000x64xi32, #tpu.memory_space<hbm>>
      tpu.wait_indirect_dma semaphore(%arg31 : memref<!tpu.dma_semaphore, #tpu.memory_space<semaphore_mem>>) src(%dma_wait3A_221 : memref<10000x64xi32, #tpu.memory_space<hbm>>) dst(%arg15 : memref<80x64xi32, #tpu.memory_space<vmem>>)
      %dma_wait3A_222 = tpu.memref_slice %arg9[%mul3A_217] : memref<10000xi32, #tpu.memory_space<vmem>> -> memref<80xi32, #tpu.memory_space<vmem>>
      %dma_wait3A_223 = arith.constant 0 : i32
      %dma_wait3A_224 = arith.constant 0 : i32
      %dma_wait3A_225 = tpu.memref_slice %arg2[%dma_wait3A_223, %dma_wait3A_224] : memref<10000x64xi32, #tpu.memory_space<hbm>> -> memref<10000x64xi32, #tpu.memory_space<hbm>>
      tpu.wait_indirect_dma semaphore(%arg31 : memref<!tpu.dma_semaphore, #tpu.memory_space<semaphore_mem>>) src(%dma_wait3A_225 : memref<10000x64xi32, #tpu.memory_space<hbm>>) dst(%arg25 : memref<80x64xi32, #tpu.memory_space<vmem>>)
      %dma_wait3A_226 = tpu.memref_slice %arg10[%mul3A_217] : memref<10000xi32, #tpu.memory_space<vmem>> -> memref<80xi32, #tpu.memory_space<vmem>>
      %dma_wait3A_227 = arith.constant 0 : i32
      %dma_wait3A_228 = arith.constant 0 : i32
      %dma_wait3A_229 = tpu.memref_slice %arg6[%dma_wait3A_227, %dma_wait3A_228] : memref<1000x64xi32, #tpu.memory_space<hbm>> -> memref<1000x64xi32, #tpu.memory_space<hbm>>
      tpu.wait_indirect_dma semaphore(%arg31 : memref<!tpu.dma_semaphore, #tpu.memory_space<semaphore_mem>>) src(%dma_wait3A_229 : memref<1000x64xi32, #tpu.memory_space<hbm>>) dst(%arg20 : memref<80x64xi32, #tpu.memory_space<vmem>>)
      %mul3A_230 = arith.constant 80 : i32
      %mul3A_231 = arith.muli %add3A_206, %mul3A_230 : i32
      %scan3A_232 = arith.constant 0 : i32
      %scan3A_233 = arith.constant 0 : i32
      %scan3A_234 = arith.constant 5 : i32
      %scan3A_235 = arith.addi %scan3A_233, %scan3A_234 : i32
      %scan3A_236 = arith.constant 1 : i32
      scf.for %scan3A_238 = %scan3A_233 to %scan3A_235 step %scan3A_236  : i32 {
        %mul3A_239 = arith.constant 16 : i32
        %mul3A_240 = arith.muli %scan3A_238, %mul3A_239 : i32
        %iota3A = tpu.iota {dimensions = array<i32: 0>} : vector<16xi32>
        %add3A_241 = vector.broadcast %mul3A_240 : i32 to vector<16xi32>
        %add3A_242 = arith.addi %add3A_241, %iota3A : vector<16xi32>
        %iota3A_243 = tpu.iota {dimensions = array<i32: 0>} : vector<16xi32>
        %broadcast_in_dim3A = arith.constant 0.000000e+00 : f32
        %broadcast_in_dim3A_244 = vector.broadcast %broadcast_in_dim3A : f32 to vector<16xf32>
        %scan3A_245 = arith.constant 0 : i32
        %scan3A_246 = arith.constant 16 : i32
        %scan3A_247 = arith.addi %scan3A_245, %scan3A_246 : i32
        %scan3A_248 = arith.constant 2 : i32
        %scan3A_249 = scf.for %scan3A_255 = %scan3A_245 to %scan3A_247 step %scan3A_248 iter_args(%scan3A_256 = %broadcast_in_dim3A_244) -> (vector<16xf32>)  : i32 {
          %mul3A_257 = arith.constant 4 : i32
          %mul3A_258 = arith.muli %scan3A_255, %mul3A_257 : i32
          %add3A_259 = arith.constant 0 : i32
          %add3A_260 = arith.addi %mul3A_258, %add3A_259 : i32
          %add3A_261 = vector.broadcast %add3A_260 : i32 to vector<16xi32>
          %add3A_262 = arith.addi %iota3A_243, %add3A_261 : vector<16xi32>
          %and3A = arith.constant 63 : i32
          %and3A_263 = vector.broadcast %and3A : i32 to vector<16xi32>
          %and3A_264 = arith.andi %add3A_262, %and3A_263 : vector<16xi32>
          %gather3A = tpu.vector_load_idx %arg15[%add3A_242, %and3A_264] : memref<80x64xi32, #tpu.memory_space<vmem>>[vector<16xi32>, vector<16xi32>], vector<16xi32>,
          %gather3A_265 = tpu.vector_load_idx %arg20[%add3A_242, %and3A_264] : memref<80x64xi32, #tpu.memory_space<vmem>>[vector<16xi32>, vector<16xi32>], vector<16xi32>,
          %gather3A_266 = tpu.vector_load_idx %arg25[%add3A_242, %and3A_264] : memref<80x64xi32, #tpu.memory_space<vmem>>[vector<16xi32>, vector<16xi32>], vector<16xi32>,
          %bitcast3A = vector.bitcast %gather3A : vector<16xi32> to vector<32xbf16>
          %bitcast3A_267 = vector.bitcast %gather3A_265 : vector<16xi32> to vector<32xbf16>
          %mul3A_268 = arith.mulf %bitcast3A, %bitcast3A_267 : vector<32xbf16>
          %bitcast3A_269 = vector.bitcast %gather3A_266 : vector<16xi32> to vector<32xbf16>
          %mul3A_270 = arith.mulf %mul3A_268, %bitcast3A_269 : vector<32xbf16>
          %unpack3A = tpu.unpack_subelements %mul3A_270, 0 {pack_format = #tpu.pack_format<interleaved>} : vector<32xbf16> -> vector<16xf32>
          %unpack3A_271 = tpu.unpack_subelements %mul3A_270, 1 {pack_format = #tpu.pack_format<interleaved>} : vector<32xbf16> -> vector<16xf32>
          %add3A_272 = arith.addf %unpack3A, %unpack3A_271 : vector<16xf32>
          %mul3A_273 = arith.constant 4 : i32
          %mul3A_274 = arith.muli %scan3A_255, %mul3A_273 : i32
          %add3A_275 = arith.constant 1 : i32
          %add3A_276 = arith.addi %mul3A_274, %add3A_275 : i32
          %add3A_277 = vector.broadcast %add3A_276 : i32 to vector<16xi32>
          %add3A_278 = arith.addi %iota3A_243, %add3A_277 : vector<16xi32>
          %and3A_279 = arith.constant 63 : i32
          %and3A_280 = vector.broadcast %and3A_279 : i32 to vector<16xi32>
          %and3A_281 = arith.andi %add3A_278, %and3A_280 : vector<16xi32>
          %gather3A_282 = tpu.vector_load_idx %arg15[%add3A_242, %and3A_281] : memref<80x64xi32, #tpu.memory_space<vmem>>[vector<16xi32>, vector<16xi32>], vector<16xi32>,
          %gather3A_283 = tpu.vector_load_idx %arg20[%add3A_242, %and3A_281] : memref<80x64xi32, #tpu.memory_space<vmem>>[vector<16xi32>, vector<16xi32>], vector<16xi32>,
          %gather3A_284 = tpu.vector_load_idx %arg25[%add3A_242, %and3A_281] : memref<80x64xi32, #tpu.memory_space<vmem>>[vector<16xi32>, vector<16xi32>], vector<16xi32>,
          %bitcast3A_285 = vector.bitcast %gather3A_282 : vector<16xi32> to vector<32xbf16>
          %bitcast3A_286 = vector.bitcast %gather3A_283 : vector<16xi32> to vector<32xbf16>
          %mul3A_287 = arith.mulf %bitcast3A_285, %bitcast3A_286 : vector<32xbf16>
          %bitcast3A_288 = vector.bitcast %gather3A_284 : vector<16xi32> to vector<32xbf16>
          %mul3A_289 = arith.mulf %mul3A_287, %bitcast3A_288 : vector<32xbf16>
          %unpack3A_290 = tpu.unpack_subelements %mul3A_289, 0 {pack_format = #tpu.pack_format<interleaved>} : vector<32xbf16> -> vector<16xf32>
          %unpack3A_291 = tpu.unpack_subelements %mul3A_289, 1 {pack_format = #tpu.pack_format<interleaved>} : vector<32xbf16> -> vector<16xf32>
          %add3A_292 = arith.addf %unpack3A_290, %unpack3A_291 : vector<16xf32>
          %mul3A_293 = arith.constant 4 : i32
          %mul3A_294 = arith.muli %scan3A_255, %mul3A_293 : i32
          %add3A_295 = arith.constant 2 : i32
          %add3A_296 = arith.addi %mul3A_294, %add3A_295 : i32
          %add3A_297 = vector.broadcast %add3A_296 : i32 to vector<16xi32>
          %add3A_298 = arith.addi %iota3A_243, %add3A_297 : vector<16xi32>
          %and3A_299 = arith.constant 63 : i32
          %and3A_300 = vector.broadcast %and3A_299 : i32 to vector<16xi32>
          %and3A_301 = arith.andi %add3A_298, %and3A_300 : vector<16xi32>
          %gather3A_302 = tpu.vector_load_idx %arg15[%add3A_242, %and3A_301] : memref<80x64xi32, #tpu.memory_space<vmem>>[vector<16xi32>, vector<16xi32>], vector<16xi32>,
          %gather3A_303 = tpu.vector_load_idx %arg20[%add3A_242, %and3A_301] : memref<80x64xi32, #tpu.memory_space<vmem>>[vector<16xi32>, vector<16xi32>], vector<16xi32>,
          %gather3A_304 = tpu.vector_load_idx %arg25[%add3A_242, %and3A_301] : memref<80x64xi32, #tpu.memory_space<vmem>>[vector<16xi32>, vector<16xi32>], vector<16xi32>,
          %bitcast3A_305 = vector.bitcast %gather3A_302 : vector<16xi32> to vector<32xbf16>
          %bitcast3A_306 = vector.bitcast %gather3A_303 : vector<16xi32> to vector<32xbf16>
          %mul3A_307 = arith.mulf %bitcast3A_305, %bitcast3A_306 : vector<32xbf16>
          %bitcast3A_308 = vector.bitcast %gather3A_304 : vector<16xi32> to vector<32xbf16>
          %mul3A_309 = arith.mulf %mul3A_307, %bitcast3A_308 : vector<32xbf16>
          %unpack3A_310 = tpu.unpack_subelements %mul3A_309, 0 {pack_format = #tpu.pack_format<interleaved>} : vector<32xbf16> -> vector<16xf32>
          %unpack3A_311 = tpu.unpack_subelements %mul3A_309, 1 {pack_format = #tpu.pack_format<interleaved>} : vector<32xbf16> -> vector<16xf32>
          %add3A_312 = arith.addf %unpack3A_310, %unpack3A_311 : vector<16xf32>
          %mul3A_313 = arith.constant 4 : i32
          %mul3A_314 = arith.muli %scan3A_255, %mul3A_313 : i32
          %add3A_315 = arith.constant 3 : i32
          %add3A_316 = arith.addi %mul3A_314, %add3A_315 : i32
          %add3A_317 = vector.broadcast %add3A_316 : i32 to vector<16xi32>
          %add3A_318 = arith.addi %iota3A_243, %add3A_317 : vector<16xi32>
          %and3A_319 = arith.constant 63 : i32
          %and3A_320 = vector.broadcast %and3A_319 : i32 to vector<16xi32>
          %and3A_321 = arith.andi %add3A_318, %and3A_320 : vector<16xi32>
          %gather3A_322 = tpu.vector_load_idx %arg15[%add3A_242, %and3A_321] : memref<80x64xi32, #tpu.memory_space<vmem>>[vector<16xi32>, vector<16xi32>], vector<16xi32>,
          %gather3A_323 = tpu.vector_load_idx %arg20[%add3A_242, %and3A_321] : memref<80x64xi32, #tpu.memory_space<vmem>>[vector<16xi32>, vector<16xi32>], vector<16xi32>,
          %gather3A_324 = tpu.vector_load_idx %arg25[%add3A_242, %and3A_321] : memref<80x64xi32, #tpu.memory_space<vmem>>[vector<16xi32>, vector<16xi32>], vector<16xi32>,
          %bitcast3A_325 = vector.bitcast %gather3A_322 : vector<16xi32> to vector<32xbf16>
          %bitcast3A_326 = vector.bitcast %gather3A_323 : vector<16xi32> to vector<32xbf16>
          %mul3A_327 = arith.mulf %bitcast3A_325, %bitcast3A_326 : vector<32xbf16>
          %bitcast3A_328 = vector.bitcast %gather3A_324 : vector<16xi32> to vector<32xbf16>
          %mul3A_329 = arith.mulf %mul3A_327, %bitcast3A_328 : vector<32xbf16>
          %unpack3A_330 = tpu.unpack_subelements %mul3A_329, 0 {pack_format = #tpu.pack_format<interleaved>} : vector<32xbf16> -> vector<16xf32>
          %unpack3A_331 = tpu.unpack_subelements %mul3A_329, 1 {pack_format = #tpu.pack_format<interleaved>} : vector<32xbf16> -> vector<16xf32>
          %add3A_332 = arith.addf %unpack3A_330, %unpack3A_331 : vector<16xf32>
          %add3A_333 = arith.addf %add3A_272, %add3A_292 : vector<16xf32>
          %add3A_334 = arith.addf %add3A_312, %add3A_332 : vector<16xf32>
          %add3A_335 = arith.addf %add3A_333, %add3A_334 : vector<16xf32>
          %add3A_336 = arith.addf %scan3A_256, %add3A_335 : vector<16xf32>
          %scan3A_337 = arith.constant 1 : i32
          %scan3A_338 = arith.addi %scan3A_255, %scan3A_337 : i32
          %mul3A_339 = arith.constant 4 : i32
          %mul3A_340 = arith.muli %scan3A_338, %mul3A_339 : i32
          %add3A_341 = arith.constant 0 : i32
          %add3A_342 = arith.addi %mul3A_340, %add3A_341 : i32
          %add3A_343 = vector.broadcast %add3A_342 : i32 to vector<16xi32>
          %add3A_344 = arith.addi %iota3A_243, %add3A_343 : vector<16xi32>
          %and3A_345 = arith.constant 63 : i32
          %and3A_346 = vector.broadcast %and3A_345 : i32 to vector<16xi32>
          %and3A_347 = arith.andi %add3A_344, %and3A_346 : vector<16xi32>
          %gather3A_348 = tpu.vector_load_idx %arg15[%add3A_242, %and3A_347] : memref<80x64xi32, #tpu.memory_space<vmem>>[vector<16xi32>, vector<16xi32>], vector<16xi32>,
          %gather3A_349 = tpu.vector_load_idx %arg20[%add3A_242, %and3A_347] : memref<80x64xi32, #tpu.memory_space<vmem>>[vector<16xi32>, vector<16xi32>], vector<16xi32>,
          %gather3A_350 = tpu.vector_load_idx %arg25[%add3A_242, %and3A_347] : memref<80x64xi32, #tpu.memory_space<vmem>>[vector<16xi32>, vector<16xi32>], vector<16xi32>,
          %bitcast3A_351 = vector.bitcast %gather3A_348 : vector<16xi32> to vector<32xbf16>
          %bitcast3A_352 = vector.bitcast %gather3A_349 : vector<16xi32> to vector<32xbf16>
          %mul3A_353 = arith.mulf %bitcast3A_351, %bitcast3A_352 : vector<32xbf16>
          %bitcast3A_354 = vector.bitcast %gather3A_350 : vector<16xi32> to vector<32xbf16>
          %mul3A_355 = arith.mulf %mul3A_353, %bitcast3A_354 : vector<32xbf16>
          %unpack3A_356 = tpu.unpack_subelements %mul3A_355, 0 {pack_format = #tpu.pack_format<interleaved>} : vector<32xbf16> -> vector<16xf32>
          %unpack3A_357 = tpu.unpack_subelements %mul3A_355, 1 {pack_format = #tpu.pack_format<interleaved>} : vector<32xbf16> -> vector<16xf32>
          %add3A_358 = arith.addf %unpack3A_356, %unpack3A_357 : vector<16xf32>
          %mul3A_359 = arith.constant 4 : i32
          %mul3A_360 = arith.muli %scan3A_338, %mul3A_359 : i32
          %add3A_361 = arith.constant 1 : i32
          %add3A_362 = arith.addi %mul3A_360, %add3A_361 : i32
          %add3A_363 = vector.broadcast %add3A_362 : i32 to vector<16xi32>
          %add3A_364 = arith.addi %iota3A_243, %add3A_363 : vector<16xi32>
          %and3A_365 = arith.constant 63 : i32
          %and3A_366 = vector.broadcast %and3A_365 : i32 to vector<16xi32>
          %and3A_367 = arith.andi %add3A_364, %and3A_366 : vector<16xi32>
          %gather3A_368 = tpu.vector_load_idx %arg15[%add3A_242, %and3A_367] : memref<80x64xi32, #tpu.memory_space<vmem>>[vector<16xi32>, vector<16xi32>], vector<16xi32>,
          %gather3A_369 = tpu.vector_load_idx %arg20[%add3A_242, %and3A_367] : memref<80x64xi32, #tpu.memory_space<vmem>>[vector<16xi32>, vector<16xi32>], vector<16xi32>,
          %gather3A_370 = tpu.vector_load_idx %arg25[%add3A_242, %and3A_367] : memref<80x64xi32, #tpu.memory_space<vmem>>[vector<16xi32>, vector<16xi32>], vector<16xi32>,
          %bitcast3A_371 = vector.bitcast %gather3A_368 : vector<16xi32> to vector<32xbf16>
          %bitcast3A_372 = vector.bitcast %gather3A_369 : vector<16xi32> to vector<32xbf16>
          %mul3A_373 = arith.mulf %bitcast3A_371, %bitcast3A_372 : vector<32xbf16>
          %bitcast3A_374 = vector.bitcast %gather3A_370 : vector<16xi32> to vector<32xbf16>
          %mul3A_375 = arith.mulf %mul3A_373, %bitcast3A_374 : vector<32xbf16>
          %unpack3A_376 = tpu.unpack_subelements %mul3A_375, 0 {pack_format = #tpu.pack_format<interleaved>} : vector<32xbf16> -> vector<16xf32>
          %unpack3A_377 = tpu.unpack_subelements %mul3A_375, 1 {pack_format = #tpu.pack_format<interleaved>} : vector<32xbf16> -> vector<16xf32>
          %add3A_378 = arith.addf %unpack3A_376, %unpack3A_377 : vector<16xf32>
          %mul3A_379 = arith.constant 4 : i32
          %mul3A_380 = arith.muli %scan3A_338, %mul3A_379 : i32
          %add3A_381 = arith.constant 2 : i32
          %add3A_382 = arith.addi %mul3A_380, %add3A_381 : i32
          %add3A_383 = vector.broadcast %add3A_382 : i32 to vector<16xi32>
          %add3A_384 = arith.addi %iota3A_243, %add3A_383 : vector<16xi32>
          %and3A_385 = arith.constant 63 : i32
          %and3A_386 = vector.broadcast %and3A_385 : i32 to vector<16xi32>
          %and3A_387 = arith.andi %add3A_384, %and3A_386 : vector<16xi32>
          %gather3A_388 = tpu.vector_load_idx %arg15[%add3A_242, %and3A_387] : memref<80x64xi32, #tpu.memory_space<vmem>>[vector<16xi32>, vector<16xi32>], vector<16xi32>,
          %gather3A_389 = tpu.vector_load_idx %arg20[%add3A_242, %and3A_387] : memref<80x64xi32, #tpu.memory_space<vmem>>[vector<16xi32>, vector<16xi32>], vector<16xi32>,
          %gather3A_390 = tpu.vector_load_idx %arg25[%add3A_242, %and3A_387] : memref<80x64xi32, #tpu.memory_space<vmem>>[vector<16xi32>, vector<16xi32>], vector<16xi32>,
          %bitcast3A_391 = vector.bitcast %gather3A_388 : vector<16xi32> to vector<32xbf16>
          %bitcast3A_392 = vector.bitcast %gather3A_389 : vector<16xi32> to vector<32xbf16>
          %mul3A_393 = arith.mulf %bitcast3A_391, %bitcast3A_392 : vector<32xbf16>
          %bitcast3A_394 = vector.bitcast %gather3A_390 : vector<16xi32> to vector<32xbf16>
          %mul3A_395 = arith.mulf %mul3A_393, %bitcast3A_394 : vector<32xbf16>
          %unpack3A_396 = tpu.unpack_subelements %mul3A_395, 0 {pack_format = #tpu.pack_format<interleaved>} : vector<32xbf16> -> vector<16xf32>
          %unpack3A_397 = tpu.unpack_subelements %mul3A_395, 1 {pack_format = #tpu.pack_format<interleaved>} : vector<32xbf16> -> vector<16xf32>
          %add3A_398 = arith.addf %unpack3A_396, %unpack3A_397 : vector<16xf32>
          %mul3A_399 = arith.constant 4 : i32
          %mul3A_400 = arith.muli %scan3A_338, %mul3A_399 : i32
          %add3A_401 = arith.constant 3 : i32
          %add3A_402 = arith.addi %mul3A_400, %add3A_401 : i32
          %add3A_403 = vector.broadcast %add3A_402 : i32 to vector<16xi32>
          %add3A_404 = arith.addi %iota3A_243, %add3A_403 : vector<16xi32>
          %and3A_405 = arith.constant 63 : i32
          %and3A_406 = vector.broadcast %and3A_405 : i32 to vector<16xi32>
          %and3A_407 = arith.andi %add3A_404, %and3A_406 : vector<16xi32>
          %gather3A_408 = tpu.vector_load_idx %arg15[%add3A_242, %and3A_407] : memref<80x64xi32, #tpu.memory_space<vmem>>[vector<16xi32>, vector<16xi32>], vector<16xi32>,
          %gather3A_409 = tpu.vector_load_idx %arg20[%add3A_242, %and3A_407] : memref<80x64xi32, #tpu.memory_space<vmem>>[vector<16xi32>, vector<16xi32>], vector<16xi32>,
          %gather3A_410 = tpu.vector_load_idx %arg25[%add3A_242, %and3A_407] : memref<80x64xi32, #tpu.memory_space<vmem>>[vector<16xi32>, vector<16xi32>], vector<16xi32>,
          %bitcast3A_411 = vector.bitcast %gather3A_408 : vector<16xi32> to vector<32xbf16>
          %bitcast3A_412 = vector.bitcast %gather3A_409 : vector<16xi32> to vector<32xbf16>
          %mul3A_413 = arith.mulf %bitcast3A_411, %bitcast3A_412 : vector<32xbf16>
          %bitcast3A_414 = vector.bitcast %gather3A_410 : vector<16xi32> to vector<32xbf16>
          %mul3A_415 = arith.mulf %mul3A_413, %bitcast3A_414 : vector<32xbf16>
          %unpack3A_416 = tpu.unpack_subelements %mul3A_415, 0 {pack_format = #tpu.pack_format<interleaved>} : vector<32xbf16> -> vector<16xf32>
          %unpack3A_417 = tpu.unpack_subelements %mul3A_415, 1 {pack_format = #tpu.pack_format<interleaved>} : vector<32xbf16> -> vector<16xf32>
          %add3A_418 = arith.addf %unpack3A_416, %unpack3A_417 : vector<16xf32>
          %add3A_419 = arith.addf %add3A_358, %add3A_378 : vector<16xf32>
          %add3A_420 = arith.addf %add3A_398, %add3A_418 : vector<16xf32>
          %add3A_421 = arith.addf %add3A_419, %add3A_420 : vector<16xf32>
          %add3A_422 = arith.addf %add3A_336, %add3A_421 : vector<16xf32>
          scf.yield %add3A_422 : vector<16xf32>
        }
        %scan3A_250 = arith.constant 16 : i32
        %mul3A_251 = arith.constant 16 : i32
        %mul3A_252 = arith.muli %scan3A_238, %mul3A_251 : i32
        %add3A_253 = arith.addi %mul3A_231, %mul3A_252 : i32
        %swap3A = arith.index_cast %add3A_253 : i32 to index
        %swap3A_254 = tpu.vector_load %arg26[%swap3A] {strides = array<i32>} : memref<10000xf32, #tpu.memory_space<vmem>>, vector<16xf32>,
        tpu.vector_store %arg26[%swap3A], %scan3A_249 {strides = array<i32>} : memref<10000xf32, #tpu.memory_space<vmem>>, vector<16xf32>,
      }
      %scan3A_237 = arith.constant 5 : i32
    }
    %scan3A_66 = arith.constant 25 : i32
    "tpu.region"() ({
      %run_scoped3A = tpu.sem_alloc : memref<!tpu.dma_semaphore, #tpu.memory_space<semaphore_mem>>
      %dma_start3A_67 = tpu.memref_slice %arg7[%mul3A_2] : memref<320000xf32, #tpu.memory_space<hbm>> -> memref<10000xf32, #tpu.memory_space<hbm>>
      %dma_start3A_68 = tpu.memref_slice %arg7[%mul3A_2] : memref<320000xf32, #tpu.memory_space<hbm>> -> memref<10000xf32, #tpu.memory_space<hbm>>
      tpu.enqueue_dma source(%arg26 : memref<10000xf32, #tpu.memory_space<vmem>>) target(%dma_start3A_68 : memref<10000xf32, #tpu.memory_space<hbm>>) target_semaphore(%run_scoped3A : memref<!tpu.dma_semaphore, #tpu.memory_space<semaphore_mem>>)
      %dma_wait3A = tpu.memref_slice %arg7[%mul3A_2] : memref<320000xf32, #tpu.memory_space<hbm>> -> memref<10000xf32, #tpu.memory_space<hbm>>
      %dma_wait3A_69 = tpu.memref_slice %arg7[%mul3A_2] : memref<320000xf32, #tpu.memory_space<hbm>> -> memref<10000xf32, #tpu.memory_space<hbm>>
      tpu.wait_dma2 semaphore(%run_scoped3A : memref<!tpu.dma_semaphore, #tpu.memory_space<semaphore_mem>>) src(%arg26 : memref<10000xf32, #tpu.memory_space<vmem>>) dst(%dma_wait3A_69 : memref<10000xf32, #tpu.memory_space<hbm>>)
      tpu.yield
    }) : () -> ()
    return
  }
}

</mosaic_0001>

<sc_bundles>
// kernel: kernel.3.cloned.1.call-start
scs
__scs_entry_jumppad:
0x0: {  	(pc) =	sbr.rel $0x88, $3  }
0x1: {  	(tag) =	ssettag $0x0;
	lr =	simm.s32 $0x1  }
0x2: {  	[smem:$0x3F9D] =	sst lr;
	_ =	strace $0xD0000000  }
0x3: {  	_ = 	snop  }
0x4: {  	_ = 	snop  }
0x5: {  	_ = 	snop  }
0x6: {  	_ = 	snop  }
0x7: {  	_ = 	snop  }
__scs_overlays_trampoline_lowered:
0x8: {  	[smem:$0x3FAC] =	sst s0  }
0x9: {  	[smem:$0x3FAD] =	sst s1  }
0xa: {  	[smem:$0x3FAE] =	sst s2  }
0xb: {  	[smem:$0x3FAF] =	sst s3  }
0xc: {  	[smem:$0x3FB0] =	sst s4  }
0xd: {  	[smem:$0x3FB1] =	sst s5  }
0xe: {  	[smem:$0x3FB2] =	sst s6  }
0xf: {  	[smem:$0x3FB3] =	sst s7  }
0x10: {  	[smem:$0x3FB4] =	sst s8  }
0x11: {  	[smem:$0x3FB5] =	sst s9;
	s0 =	simm.s32 @!p0 $0x0  }
0x12: {  	s1 =	sld [smem:$0x3F9B];
	s0 =	simm.s32 @p0 $0x1  }
0x13: {  	[smem:$0x3FB6] =	sst s0;
	s0 =	simm.s32 @!p1 $0x0  }
0x14: {  	s2 =	sld [smem:$0x3F9A];
	s0 =	simm.s32 @p1 $0x1  }
0x15: {  	[smem:$0x3FB7] =	sst s0;
	s0 =	simm.s32 @!p2 $0x0  }
0x16: {  	s3 =	sld [smem:$0x3FDB];
	s0 =	simm.s32 @p2 $0x1  }
0x17: {  	s4 =	simm.s32 $0x1BF5;
	[smem:$0x3FB9] =	sst s0  }
0x18: {  	s0 =	sld [smem:$0x3F9C];
	_ =	swait.ge [sflag:s4], $0x0  }
0x19: {  	s7 =	sld [smem:$0x3F9D]  }
0x1a: {  	s8 =	sadd.s32 $0xFFFFE003, lr  }
0x1b: {  	s9 =	sadd.s32 $0xFFFFFEF7, lr;
	s5 =	simm.s32 $0xFFFFFFFF;
	p2 =	slt.u32 s8, $0xFFFFF086  }
0x1c: {  	p1 =	slt.u32 s9, $0xF7A;
	s5 =	simm.s32 @!p2 $0x0  }
0x1d: {  	s5 =	simm.s32 @p1 $0x1;
	p0 =	seq.s32 s7, s2  }
0x1e: {  	s7 =	smul.u32 @!p0 $0xF7A, s2;
	p2 =	seq.s32 @!p0 s5, $0x0  }
0x1f: {  	s9 =	smul.u32 $0xF7A, s1;
	s8 =	simm.s32 @!p0 $0x1BF5;
	p2 =	por !p2, p0  }
0x20: {  	[sflag:s8] =	ssyncset.s32 @!p0 $0xFFFFF086;
	s6 =	sadd.s32 @!p0 s3, s7;
	s7 =	simm.s32 @!p0 $0x108  }
0x21: {  	s3 =	sadd.s32 s3, s9;
	s6 =	sadd.s32 @!p0 $0x88, s6;
	s7 =	simm.s32 @p2 $0x1082  }
0x22: {  	[simem:s7], [sflag:s8] =	dma.local @!p0 [hbm:s6], $0xF7A  }
0x23: {  	s9 =	sor.u32 $0xD0000000, s2;
	s6 =	simm.s32 $0x108;
	_ =	swait.ge @!p0 [sflag:s8], $0x0  }
0x24: {  	s3 =	sadd.s32 $0x88, s3;
	s6 =	simm.s32 @!p1 $0x1082;
	[sflag:s4] =	ssyncset.s32 $0xFFFFF086  }
0x25: {  	[simem:s6], [sflag:s4] =	dma.local [hbm:s3], $0xF7A  }
0x26: {  	[smem:$0x3F9D] =	sst s1;
	(tag) =	ssettag s2;
	_ =	strace s9  }
0x27: {  	s1 =	sld [smem:$0x3FAD]  }
0x28: {  	s2 =	sld [smem:$0x3FAE]  }
0x29: {  	s4 =	sld [smem:$0x3FB0]  }
0x2a: {  	p0 =	seq.s32 s5, $0x0;
	s5 =	sld [smem:$0x3FB1]  }
0x2b: {  	s6 =	sld [smem:$0x3FB2]  }
0x2c: {  	s7 =	sld [smem:$0x3FB3]  }
0x2d: {  	s3 =	simm.s32 $0x108;
	s8 =	sld [smem:$0x3FB4]  }
0x2e: {  	s3 =	simm.s32 @!p0 $0x1082;
	s9 =	sld [smem:$0x3FB5]  }
0x2f: {  	lr =	sadd.s32 s0, s3;
	s0 =	sld [smem:$0x3FAC]  }
0x30: {  	s3 =	sld [smem:$0x3FAF]  }
0x31: {  	[smem:$0x3FB8] =	sst s10  }
0x32: {  	s10 =	sld [smem:$0x3FB6];
	_ =	sdelay $0x3  }
0x33: {  	p0 =	seq.s32 s10, $0x1;
	s10 =	sld [smem:$0x3FB8];
	_ =	sdelay $0x3  }
0x34: {  	[smem:$0x3FB8] =	sst s10  }
0x35: {  	s10 =	sld [smem:$0x3FB7];
	_ =	sdelay $0x3  }
0x36: {  	p1 =	seq.s32 s10, $0x1;
	s10 =	sld [smem:$0x3FB8];
	_ =	sdelay $0x3  }
0x37: {  	[smem:$0x3FB8] =	sst s10  }
0x38: {  	s10 =	sld [smem:$0x3FB9]  }
0x39: {  	_ = 	snop;
	(pc) =	sbr.ind lr, $3  }
0x3a: {  	_ = 	snop  }
0x3b: {  	_ = 	snop  }
0x3c: {  	p2 =	seq.s32 s10, $0x1;
	s10 =	sld [smem:$0x3FB8]  }
0x3d: {  	_ =	shalt  }
0x3e: {  	_ =	shalt  }
0x3f: {  	_ =	shalt  }
0x40: {  	_ =	shalt  }
0x41: {  	_ =	shalt  }
0x42: {  	_ =	shalt  }
0x43: {  	_ =	shalt  }
0x44: {  	_ =	shalt  }
0x45: {  	_ =	shalt  }
0x46: {  	_ =	shalt  }
0x47: {  	_ =	shalt  }
0x48: {  	_ =	shalt  }
0x49: {  	_ =	shalt  }
0x4a: {  	_ =	shalt  }
0x4b: {  	_ =	shalt  }
0x4c: {  	_ =	shalt  }
0x4d: {  	_ =	shalt  }
0x4e: {  	_ =	shalt  }
0x4f: {  	_ =	shalt  }
0x50: {  	_ =	shalt  }
0x51: {  	_ =	shalt  }
0x52: {  	_ =	shalt  }
0x53: {  	_ =	shalt  }
0x54: {  	_ =	shalt  }
0x55: {  	_ =	shalt  }
0x56: {  	_ =	shalt  }
0x57: {  	_ =	shalt  }
0x58: {  	_ =	shalt  }
0x59: {  	_ =	shalt  }
0x5a: {  	_ =	shalt  }
0x5b: {  	_ =	shalt  }
0x5c: {  	_ =	shalt  }
0x5d: {  	_ =	shalt  }
0x5e: {  	_ =	shalt  }
0x5f: {  	_ =	shalt  }
0x60: {  	_ =	shalt  }
0x61: {  	_ =	shalt  }
0x62: {  	_ =	shalt  }
0x63: {  	_ =	shalt  }
0x64: {  	_ =	shalt  }
0x65: {  	_ =	shalt  }
0x66: {  	_ =	shalt  }
0x67: {  	_ =	shalt  }
0x68: {  	_ =	shalt  }
0x69: {  	_ =	shalt  }
0x6a: {  	_ =	shalt  }
0x6b: {  	_ =	shalt  }
0x6c: {  	_ =	shalt  }
0x6d: {  	_ =	shalt  }
0x6e: {  	_ =	shalt  }
0x6f: {  	_ =	shalt  }
0x70: {  	_ =	shalt  }
0x71: {  	_ =	shalt  }
0x72: {  	_ =	shalt  }
0x73: {  	_ =	shalt  }
0x74: {  	_ =	shalt  }
0x75: {  	_ =	shalt  }
0x76: {  	_ =	shalt  }
0x77: {  	_ =	shalt  }
0x78: {  	_ =	shalt  }
0x79: {  	_ =	shalt  }
0x7a: {  	_ =	shalt  }
0x7b: {  	_ =	shalt  }
0x7c: {  	_ =	shalt  }
0x7d: {  	_ =	shalt  }
0x7e: {  	_ =	shalt  }
0x7f: {  	_ =	shalt  }
0x80: {  	_ =	shalt  }
0x81: {  	_ =	shalt  }
0x82: {  	_ =	shalt  }
0x83: {  	_ =	shalt  }
0x84: {  	_ =	shalt  }
0x85: {  	_ =	shalt  }
0x86: {  	_ =	shalt  }
0x87: {  	_ =	shalt  }
.Lfunc_end0:
.L_simem_size_0:
called_computation_lowered:
.L_overlay_start_0:
0x88: {  	s2 =	sld [smem:$0x3FD9]  }
0x89: {  	s3 =	sld [smem:$0x3FFE];
	_ =	sdelay $0x1  }
0x8a: {  	s1 =	srdreg.scid  }
0x8b: {  	s0 =	sand.u32 $0x1, s1  }
0x8c: {  	s17 =	sshll.u32 s0, $0xA;
	s2 =	sadd.s32 s3, s2  }
0x8d: {  	s2 =	sadd.s32 s2, s17  }
0x8e: {  	[smem:$0x3FC4] =	sst s2  }
0x8f: {  	_ = 	snop  }
0x90: {  	s2 =	sld [smem:$0x3FC7]  }
0x91: {  	s18 =	sld [smem:$0x3FD0];
	(tm) =	ssettm $0x1  }
0x92: {  	s4 =	sld [smem:$0x3FFB];
	_ =	sdelay $0x3  }
0x93: {  	_ =	strace s4  }
0x94: {  	s4 =	sld [smem:$0x3FFC];
	_ =	sdelay $0x3  }
0x95: {  	_ =	strace s4  }
0x96: {  	s4 =	sld [smem:$0x3FFD];
	_ =	sdelay $0x3  }
0x97: {  	_ =	strace s4  }
0x98: {  	_ =	strace $0x8FFFFFFF  }
0x99: {  	s19 =	sld [smem:$0x3FDB];
	_ =	sdelay $0x1  }
0x9a: {  	s5 =	simm.s32 $_scs_section_size  }
0x9b: {  	s6 =	simm.s32 $_size__tile_overlayer_lowered;
	s7 =	simm.s32 $_tile_overlayer_lowered  }
0x9c: {  	s22 =	simm.s32 $0x1BFF;
	s21 =	sshll.u32 s7, $0x1;
	s4 =	sadd.s32 s5, s19  }
0x9d: {  	s8 =	simm.s32 $0x0;
	s20 =	sshll.u32 s6, $0x1;
	s6 =	sadd.s32 s21, s4  }
0x9e: {  	[timem:s8], [sflag:s22] =	dma.local [hbm:s6], s20  }
0x9f: {  	_ =	swait.ge [sflag:s22], s20  }
0xa0: {  	s5 =	ssub.s32 $0x0, s20;
	[sflag:s22] =	ssyncset.done $0x0  }
0xa1: {  	[sflag:s22] =	ssyncadd.s32 s5;
	_ =	sdelay $0x1  }
0xa2: {  	s23 =	simm.s32 $0x1B8B  }
0xa3: {  	_ =	swait.ge [sflag:s23], $0x1  }
0xa4: {  	[sflag:s23] =	ssyncset.done $0x0  }
0xa5: {  	s25 =	simm.s32 $0x1B8E;
	s24 =	sld [smem:$0x3FFE];
	[sflag:s23] =	ssyncadd.s32 $0xFFFFFFFF  }
0xa6: {  	s26 =	simm.s32 $execute0_lowered;
	[smem:$0x3FD2] =	sst s25  }
0xa7: {  	s6 =	sshll.u32 s26, $0x1;
	_ =	strace $0x80000046;
	[dreg:$0x1] =	wrdreg $0xFFFFFFFF  }
0xa8: {  	s28 =	simm.s32 $_size_execute0_lowered;
	s4 =	sadd.s32 s4, s6;
	[dreg:$0x0] =	wrdreg $0x0  }
0xa9: {  	s6 =	sshll.u32 s28, $0x1;
	[dreg:$0x2] =	wrdreg s4  }
0xaa: {  	[dreg:$0x3] =	wrdreg s6  }
0xab: {  	[dreg:$0x4] =	wrdreg $0xC0  }
0xac: {  	_ =	task [dreg:s8], $0x5FFFF  }
0xad: {  	[dreg:$0x1] =	wrdreg $0xFFFFFFFF  }
0xae: {  	[dreg:$0x0] =	wrdreg $0x60  }
0xaf: {  	[dreg:$0x2] =	wrdreg s24  }
0xb0: {  	[dreg:$0x3] =	wrdreg s2  }
0xb1: {  	[dreg:$0x4] =	wrdreg s18  }
0xb2: {  	[dreg:$0x5] =	wrdreg $0x9  }
0xb3: {  	_ =	task.clear_ibuf [dreg:s8], $0x6FFFF;
	_ =	strace $0x90000046  }
0xb4: {  	s29 =	simm.s32 $0x9;
	_ =	strace $0x80000048  }
0xb5: {  	_ =	swait.ge [sflag:s29], $0x1  }
0xb6: {  	[sflag:s29] =	ssyncadd.s32 $0xFFFFFFFF  }
0xb7: {  	_ =	strace $0x90000048  }
0xb8: {  	_ =	sfence  }
0xb9: {  	s30 =	sld [smem:$0x0];
	_ =	sdelay $0x2  }
0xba: {  	s31 =	sshll.u32 s1, $0xD;
	s1 =	sshrl.u32 s1, $0x2  }
0xbb: {  	s3 =	sand.u32 $0x4000, s31;
	s1 =	sadd.s32 s1, s30  }
0xbc: {  	s0 =	sor.u32 s3, s0;
	s1 =	sshll.u32 s1, $0x11  }
0xbd: {  	s0 =	sor.u32 s1, s0  }
0xbe: {  	s0 =	sadd.s32 $0x8F2B, s0  }
0xbf: {  	[sflag:s0] =	ssyncadd.remote.s32 $0x1  }
0xc0: {  	_ =	sfence.sel $0xFFFF  }
0xc1: {  	[dreg:$0x0] =	wrdreg $0xFFFFFFFF;
	(pc) =	sbr.abs _section_cstart, $3  }
0xc2: {  	[dreg:$0x1] =	wrdreg $0xFFFFFFFF  }
0xc3: {  	_ =	task.clear_ibuf [dreg:s8], $0x2FFFF;
	_ =	strace $0x9FFFFFFF  }
0xc4: {  	(tm) =	ssettm $0x7FFFFFFF  }
0xc5: {  	_ =	shalt  }
tec
execute0_lowered:
.L_overlay_start_1:
0x0: {  	(tag) =	ssettag $0x1  }
0x1: {  	s1 =	rddreg [dreg:$0x0]  }
0x2: {  	s0 =	rddreg [dreg:$0x1];
	s2 =	srdreg.scid  }
0x3: {  	s4 =	stileid.u32;
	s3 =	rddreg [dreg:$0x2]  }
0x4: {  	s8 =	simm.s32 $0x0;
	s14 =	simm.s32 $0x7530;
	s15 =	simm.s32 $0x13D30  }
0x5: {  	s16 =	simm.s32 $0xD930;
	s17 =	simm.s32 $0x8930;
	s19 =	simm.s32 $0x15130  }
0x6: {  	s21 =	simm.s32 $0xED30;
	s23 =	simm.s32 $0x9D30;
	s28 =	simm.s32 $0x10130  }
0x7: {  	s30 =	simm.s32 $0xB130;
	s18 =	simm.s32 $0x11530;
	s20 =	simm.s32 $0xC530  }
0x8: {  	s22 =	simm.s32 $0x18D30;
	s2 =	sand.u32 $0x1, s2;
	s4 =	sshll.u32 s4, $0x1  }
0x9: {  	s31 =	simm.s32 $0x3;
	s11 =	simm.s32 $0x5;
	s4 =	sor.u32 s2, s4  }
0xa: {  	[smem:$0x7FF] =	sst s8;
	s2 =	ssub.s32 $0x2, s2;
	s5 =	smul.u32 $0x4E2, s4  }
0xb: {  	_ =	strace $0x80000047;
	s6 =	sshrl.u32 s2, $0x1;
	s4 =	sadd.s32 $0x27600, s1  }
0xc: {  	s2 =	ssub.s32 s2, s6;
	s6 =	simm.s32 $0x0;
	s0 =	sadd.s32 s0, s5  }
0xd: {  	s7 =	sadd.s32 s5, s1;
	s26 =	sadd.s32 s3, s5;
	[dreg:$0x6] =	wrdreg s0  }
0xe: {  	s29 =	smax.u32 s2, $0x1;
	s5 =	simm.s32 $0x6;
	[dreg:$0x7] =	wrdreg s26  }
0xf: {  	s2 =	simm.s32 $0x17930;
	s24 =	sadd.s32 $0x1D800, s7;
	[dreg:$0x8] =	wrdreg s29  }
0x10: {  	v0 =	vlaneseq.u32;
	s25 =	sadd.s32 $0x13A00, s7;
	s0 =	simm.s32 $0x4;
	[dreg:$0x4] =	wrdreg s24  }
0x11: {  	v1 =	vmul.u32 $0x40, v0;
	v2 =	vand.u32 $0x7, v0;
	[dreg:$0x5] =	wrdreg s25;
	s25 =	simm.s32 $0x16530;
	s24 =	simm.s32 $0x12930  }
.LBB2_1:
0x12: {  	[dreg:$0x9] =	wrdreg s6  }
0x13: {  	s3 =	rddreg [dreg:$0x4]  }
0x14: {  	[tilespmem:s8], [sflag:$0x6] =	stream.linear.gather [hbm4b:s3+s8], $0x2710, $0x38;
	[tilespmem:$0x1C840] =	vst v63  }
0x15: {  	_ =	swait.ge [sflag:s5], $0x2710  }
0x16: {  	[sflag:s5] =	ssyncset.done $0x0  }
0x17: {  	s26 =	simm.s32 $0x2710;
	s13 =	rddreg [dreg:$0x5];
	[sflag:s5] =	ssyncadd.s32 $0xFFFFD8F0  }
0x18: {  	[tilespmem:s26], [sflag:$0x6] =	stream.linear.gather [hbm4b:s13+s8], $0x2710, $0x38;
	[tilespmem:$0x1C840] =	vst v63  }
0x19: {  	_ =	swait.ge [sflag:s5], $0x2710  }
0x1a: {  	[sflag:s5] =	ssyncset.done $0x0  }
0x1b: {  	s7 =	simm.s32 $0x4E20;
	s29 =	rddreg [dreg:$0x6];
	[sflag:s5] =	ssyncadd.s32 $0xFFFFD8F0  }
0x1c: {  	[tilespmem:s7], [sflag:$0x6] =	stream.linear.gather [hbm4b:s29+s8], $0x2710, $0x38;
	[tilespmem:$0x1C840] =	vst v63  }
0x1d: {  	_ =	swait.ge [sflag:s5], $0x2710  }
0x1e: {  	[sflag:s5] =	ssyncset.done $0x0  }
0x1f: {  	s3 =	simm.s32 $0x50;
	[sflag:s5] =	ssyncadd.s32 $0xFFFFD8F0  }
0x20: {  	[tilespmem:s14], [sflag:$0x1] =	stream.indirect.gather [hbm4b:s1+s3], $0x40, s8, s3, $0xb8;
	[tilespmem:$0x1C840] =	vst v63  }
0x21: {  	_ = 	snop  }
0x22: {  	[tilespmem:s15], [sflag:$0x1] =	stream.indirect.gather [hbm4b:s1+s3], $0x40, s26, s3, $0xb8;
	[tilespmem:$0x1C840] =	vst v63  }
0x23: {  	_ = 	snop  }
0x24: {  	[tilespmem:s16], [sflag:$0x1] =	stream.indirect.gather [hbm4b:s4+s3], $0x40, s7, s3, $0xb8;
	[tilespmem:$0x1C840] =	vst v63  }
0x25: {  	_ = 	snop  }
0x26: {  	[tilespmem:s17], [sflag:$0x2] =	stream.indirect.gather [hbm4b:s1+s3], $0x40, s3, s3, $0xb8;
	[tilespmem:$0x1C840] =	vst v63  }
0x27: {  	s7 =	simm.s32 $0x2760  }
0x28: {  	[tilespmem:s19], [sflag:$0x2] =	stream.indirect.gather [hbm4b:s1+s3], $0x40, s7, s3, $0xb8;
	[tilespmem:$0x1C840] =	vst v63  }
0x29: {  	s8 =	simm.s32 $0x4E70  }
0x2a: {  	[tilespmem:s21], [sflag:$0x2] =	stream.indirect.gather [hbm4b:s4+s3], $0x40, s8, s3, $0xb8;
	[tilespmem:$0x1C840] =	vst v63  }
0x2b: {  	s9 =	simm.s32 $0xA0  }
0x2c: {  	[tilespmem:s23], [sflag:$0x3] =	stream.indirect.gather [hbm4b:s1+s3], $0x40, s9, s3, $0xb8;
	[tilespmem:$0x1C840] =	vst v63  }
0x2d: {  	s10 =	simm.s32 $0x27B0  }
0x2e: {  	[tilespmem:s25], [sflag:$0x3] =	stream.indirect.gather [hbm4b:s1+s3], $0x40, s10, s3, $0xb8;
	[tilespmem:$0x1C840] =	vst v63  }
0x2f: {  	s12 =	simm.s32 $0x4EC0  }
0x30: {  	[tilespmem:s28], [sflag:$0x3] =	stream.indirect.gather [hbm4b:s4+s3], $0x40, s12, s3, $0xb8;
	[tilespmem:$0x1C840] =	vst v63  }
0x31: {  	s13 =	simm.s32 $0xF0  }
0x32: {  	[tilespmem:s30], [sflag:$0x4] =	stream.indirect.gather [hbm4b:s1+s3], $0x40, s13, s3, $0xb8;
	[tilespmem:$0x1C840] =	vst v63  }
0x33: {  	s26 =	simm.s32 $0x2800  }
0x34: {  	[tilespmem:s2], [sflag:$0x4] =	stream.indirect.gather [hbm4b:s1+s3], $0x40, s26, s3, $0xb8;
	[tilespmem:$0x1C840] =	vst v63  }
0x35: {  	s29 =	simm.s32 $0x4F10;
	s5 =	simm.s32 $0x0  }
0x36: {  	[tilespmem:s18], [sflag:$0x4] =	stream.indirect.gather [hbm4b:s4+s3], $0x40, s29, s3, $0xb8;
	[tilespmem:$0x1C840] =	vst v63  }
.LBB2_2:
0x37: {  	s3 =	smul.u32 $0x5, s5;
	_ =	sdelay $0x1  }
0x38: {  	s3 =	sadd.s32 $0x4, s3  }
0x39: {  	[dreg:$0xa] =	wrdreg s3;
	s3 =	smul.u32 $0x50, s3  }
0x3a: {  	s6 =	simm.s32 $0x50  }
0x3b: {  	[tilespmem:s20], [sflag:$0x5] =	stream.indirect.gather [hbm4b:s1+s6], $0x40, s3, s6, $0xb8;
	[tilespmem:$0x1C840] =	vst v63  }
0x3c: {  	s7 =	sadd.s32 $0x2710, s3  }
0x3d: {  	[tilespmem:s22], [sflag:$0x5] =	stream.indirect.gather [hbm4b:s1+s6], $0x40, s7, s6, $0xb8;
	[tilespmem:$0x1C840] =	vst v63  }
0x3e: {  	s26 =	simm.s32 $0x1;
	s3 =	sadd.s32 $0x4E20, s3  }
0x3f: {  	[tilespmem:s24], [sflag:$0x5] =	stream.indirect.gather [hbm4b:s4+s6], $0x40, s3, s6, $0xb8;
	[tilespmem:$0x1C840] =	vst v63  }
0x40: {  	_ =	swait.ge [sflag:s26], $0x1400  }
0x41: {  	[sflag:s26] =	ssyncset.done $0x0  }
0x42: {  	[sflag:s26] =	ssyncadd.s32 $0xFFFFEC00  }
0x43: {  	_ =	swait.ge [sflag:s26], $0x1400  }
0x44: {  	s29 =	smul.u32 $0x640, s5;
	[sflag:s26] =	ssyncset.done $0x0  }
0x45: {  	[sflag:s26] =	ssyncadd.s32 $0xFFFFEC00  }
0x46: {  	s8 =	sshra.s32 s29, $0x2;
	_ =	swait.ge [sflag:s26], $0x1400  }
0x47: {  	s3 =	sadd.s32 $0x1A130, s8;
	[sflag:s26] =	ssyncset.done $0x0  }
0x48: {  	s9 =	simm.s32 $0x0;
	s7 =	simm.s32 $0x0;
	v3 =	vmov s3;
	[sflag:s26] =	ssyncadd.s32 $0xFFFFEC00  }
.LBB2_3:
0x49: {  	s3 =	sshll.u32 s9, $0x4  }
0x4a: {  	s10 =	simm.s32 $0x1;
	v4 =	vmov s3  }
0x4b: {  	v5 =	vadd.s32 s10, v0;
	v4 =	vshll.u32 v4, $0x6  }
0x4c: {  	v5 =	vand.u32 $0x3F, v5;
	v4 =	vor.u32 v1, v4  }
0x4d: {  	s13 =	simm.s32 $0x2;
	v5 =	vor.u32 v4, v5  }
0x4e: {  	v6 =	vadd.s32 s13, v0  }
0x4f: {  	v6 =	vand.u32 $0x3F, v6  }
0x50: {  	s12 =	simm.s32 $0x3;
	v6 =	vor.u32 v4, v6  }
0x51: {  	v8 =	vadd.s32 s12, v0  }
0x52: {  	v8 =	vand.u32 $0x3F, v8;
	v9 =	vld.idx.msk [tilespmem:v5+s15+$0x0], $0xffff  }
0x53: {  	s29 =	simm.s32 $0x5;
	v8 =	vor.u32 v4, v8;
	v10 =	vld.idx.msk [tilespmem:v5+s14+$0x0], $0xffff  }
0x54: {  	s26 =	simm.s32 $0x4;
	v11 =	vadd.s32 s29, v0;
	v12 =	vld.idx.msk [tilespmem:v5+s16+$0x0], $0xffff  }
0x55: {  	v7 =	vadd.s32 s26, v0;
	s12 =	simm.s32 $0x7;
	v5 =	vand.u32 $0x3F, v11;
	v11 =	vld.idx.msk [tilespmem:v6+s15+$0x0], $0xffff  }
0x56: {  	v7 =	vand.u32 $0x3F, v7;
	v22 =	vadd.s32 s12, v0;
	v14 =	vld.idx.msk [tilespmem:v6+s16+$0x0], $0xffff  }
0x57: {  	v22 =	vand.u32 $0x3F, v22;
	v7 =	vor.u32 v4, v7;
	v6 =	vld.idx.msk [tilespmem:v6+s14+$0x0], $0xffff  }
0x58: {  	v22 =	vor.u32 v4, v22;
	v17 =	vld.idx.msk [tilespmem:v8+s15+$0x0], $0xffff  }
0x59: {  	v20 =	vld.idx.msk [tilespmem:v8+s14+$0x0], $0xffff  }
0x5a: {  	v8 =	vld.idx.msk [tilespmem:v8+s16+$0x0], $0xffff  }
0x5b: {  	v13 =	vor.u32 v4, v5  }
0x5c: {  	s6 =	simm.s32 $0x6;
	v15 =	vld.idx.msk [tilespmem:v7+s14+$0x0], $0xffff  }
0x5d: {  	v27 =	vld.idx.msk [tilespmem:v22+s14+$0x0], $0xffff;
	v5 =	vadd.s32 s6, v0  }
0x5e: {  	v5 =	vand.u32 $0x3F, v5;
	v6 =	vmul.bf16 v14, v6;
	v14 =	vld.idx.msk [tilespmem:v7+s16+$0x0], $0xffff  }
0x5f: {  	v16 =	vor.u32 v4, v5;
	v8 =	vmul.bf16 v8, v20;
	v20 =	vld.idx.msk [tilespmem:v22+s15+$0x0], $0xffff  }
0x60: {  	v19 =	vadd.s32 s7, v0;
	s6 =	simm.s32 $0xC;
	v18 =	vld.idx.msk [tilespmem:v13+s14+$0x0], $0xffff  }
0x61: {  	v19 =	vand.u32 $0x38, v19;
	v30 =	vadd.s32 s6, v0;
	v5 =	vor.u32 v2, v4;
	v21 =	vld.idx.msk [tilespmem:v13+s16+$0x0], $0xffff  }
0x62: {  	s13 =	simm.s32 $0x9;
	v19 =	vor.u32 v19, v5;
	v10 =	vmul.bf16 v12, v10;
	v8 =	vmul.bf16 v17, v8;
	v17 =	vld.idx.msk [tilespmem:v7+s15+$0x0], $0xffff  }
0x63: {  	s26 =	simm.s32 $0xA;
	v26 =	vadd.s32 s13, v0;
	v7 =	vand.u32 $0x3F, v30;
	v30 =	vld.idx.msk [tilespmem:v13+s15+$0x0], $0xffff  }
0x64: {  	v11 =	vmul.bf16 v11, v6;
	v9 =	vmul.bf16 v9, v10;
	v10 =	vadd.s32 s26, v0;
	v23 =	vld.idx.msk [tilespmem:v16+s15+$0x0], $0xffff  }
0x65: {  	v26 =	vand.u32 $0x3F, v26;
	v24 =	vld.idx.msk [tilespmem:v16+s16+$0x0], $0xffff;
	v10 =	vand.u32 $0x3F, v10  }
0x66: {  	v16 =	vld.idx.msk [tilespmem:v16+s14+$0x0], $0xffff;
	v25 =	vunpack.i.u.bf16.f32 v11;
	v11 =	vunpack.i.l.bf16.f32 v11;
	v29 =	vor.u32 v4, v10  }
0x67: {  	s29 =	simm.s32 $0xB;
	v12 =	vld.idx.msk [tilespmem:v19+s14+$0x0], $0xffff;
	v25 =	vadd.f32 v11, v25;
	v11 =	vor.u32 v4, v26  }
0x68: {  	v6 =	vimm.f32 $0.0e+00;
	v28 =	vld.idx.msk [tilespmem:v19+s16+$0x0], $0xffff;
	v10 =	vadd.s32 s29, v0  }
0x69: {  	s12 =	simm.s32 $0xD;
	v7 =	vor.u32 v4, v7;
	v26 =	vld.idx.msk [tilespmem:v22+s16+$0x0], $0xffff;
	v22 =	vunpack.i.l.bf16.f32 v9;
	v10 =	vand.u32 $0x3F, v10  }
0x6a: {  	v19 =	vld.idx.msk [tilespmem:v19+s15+$0x0], $0xffff;
	s29 =	simm.s32 $0xF;
	v9 =	vunpack.i.u.bf16.f32 v9;
	v14 =	vmul.bf16 v14, v15;
	v15 =	vadd.s32 s12, v0  }
0x6b: {  	v35 =	vadd.s32 s29, v0;
	v31 =	vor.u32 v4, v10;
	v18 =	vmul.bf16 v21, v18;
	v32 =	vld.idx.msk [tilespmem:v29+s15+$0x0], $0xffff  }
0x6c: {  	v21 =	vunpack.i.u.bf16.f32 v8;
	v13 =	vadd.f32 v22, v9;
	v9 =	vand.u32 $0x3F, v15;
	v10 =	vld.idx.msk [tilespmem:v11+s15+$0x0], $0xffff  }
0x6d: {  	s26 =	simm.s32 $0x8;
	v15 =	vunpack.i.l.bf16.f32 v8;
	v8 =	vor.u32 v4, v9;
	v16 =	vmul.bf16 v24, v16;
	v24 =	vld.idx.msk [tilespmem:v11+s14+$0x0], $0xffff  }
0x6e: {  	v17 =	vmul.bf16 v17, v14;
	v22 =	vmul.bf16 v26, v27;
	v26 =	vld.idx.msk [tilespmem:v11+s16+$0x0], $0xffff;
	v27 =	vadd.s32 s26, v0  }
0x6f: {  	s13 =	simm.s32 $0xE;
	v21 =	vadd.f32 v15, v21;
	v12 =	vmul.bf16 v28, v12;
	v9 =	vand.u32 $0x38, v27;
	v27 =	vld.idx.msk [tilespmem:v29+s16+$0x0], $0xffff  }
0x70: {  	v11 =	vadd.s32 s13, v0;
	v16 =	vmul.bf16 v23, v16;
	v23 =	vunpack.i.u.bf16.f32 v17;
	v29 =	vld.idx.msk [tilespmem:v29+s14+$0x0], $0xffff  }
0x71: {  	v17 =	vunpack.i.l.bf16.f32 v17;
	v28 =	vand.u32 $0x3F, v11;
	v19 =	vmul.bf16 v19, v12;
	v15 =	vld.idx.msk [tilespmem:v31+s15+$0x0], $0xffff  }
0x72: {  	v12 =	vmul.bf16 v30, v18;
	v18 =	vld.idx.msk [tilespmem:v31+s14+$0x0], $0xffff;
	v36 =	vadd.f32 v17, v23;
	v28 =	vor.u32 v4, v28  }
0x73: {  	v11 =	vor.u32 v9, v5;
	v9 =	vld.idx.msk [tilespmem:v7+s14+$0x0], $0xffff;
	v30 =	vunpack.i.u.bf16.f32 v16;
	v20 =	vmul.bf16 v20, v22  }
0x74: {  	v14 =	vld.idx.msk [tilespmem:v8+s14+$0x0], $0xffff;
	v22 =	vunpack.i.u.bf16.f32 v12;
	v33 =	vunpack.i.l.bf16.f32 v12;
	v12 =	vunpack.i.l.bf16.f32 v16  }
0x75: {  	v16 =	vld.idx.msk [tilespmem:v8+s16+$0x0], $0xffff;
	v30 =	vadd.f32 v12, v30;
	v34 =	vunpack.i.u.bf16.f32 v20;
	v23 =	vunpack.i.l.bf16.f32 v20  }
0x76: {  	v20 =	vand.u32 $0x3F, v35;
	v33 =	vadd.f32 v33, v22;
	v22 =	vld.idx.msk [tilespmem:v31+s16+$0x0], $0xffff;
	v27 =	vmul.bf16 v27, v29  }
0x77: {  	v20 =	vor.u32 v4, v20;
	v34 =	vadd.f32 v23, v34;
	v23 =	vadd.f32 v21, v25;
	v12 =	vld.idx.msk [tilespmem:v28+s15+$0x0], $0xffff  }
0x78: {  	v29 =	vunpack.i.l.bf16.f32 v19;
	v17 =	vld.idx.msk [tilespmem:v28+s16+$0x0], $0xffff;
	v32 =	vmul.bf16 v32, v27;
	v27 =	vunpack.i.u.bf16.f32 v19  }
0x79: {  	v25 =	vmul.bf16 v26, v24;
	v24 =	vadd.f32 v33, v36;
	v21 =	vld.idx.msk [tilespmem:v28+s14+$0x0], $0xffff;
	v27 =	vadd.f32 v29, v27  }
0x7a: {  	s10 =	simm.s32 $0x2;
	s12 =	simm.s32 $0x10;
	v28 =	vadd.f32 v34, v30;
	v19 =	vld.idx.msk [tilespmem:v7+s16+$0x0], $0xffff;
	v26 =	vunpack.i.u.bf16.f32 v32;
	v29 =	vunpack.i.l.bf16.f32 v32  }
.LBB2_4:
0x7b: {  	s13 =	sadd.s32 $0x1, s12;
	s6 =	sadd.s32 $0x2, s12;
	s26 =	sadd.s32 $0x3, s12;
	v30 =	vld.idx.msk [tilespmem:v11+s14+$0x0], $0xffff;
	v10 =	vmul.bf16 v10, v25;
	v25 =	vadd.f32 v29, v26;
	v13 =	vadd.f32 v13, v27  }
0x7c: {  	s10 =	sadd.s32 $0x2, s10;
	v26 =	vadd.s32 s13, v0;
	v27 =	vadd.s32 s6, v0;
	v29 =	vld.idx.msk [tilespmem:v20+s14+$0x0], $0xffff;
	v24 =	vadd.f32 v28, v24  }
0x7d: {  	p0 =	slt.u32 s10, $0xE;
	v26 =	vand.u32 $0x3F, v26;
	v27 =	vand.u32 $0x3F, v27;
	v28 =	vld.idx.msk [tilespmem:v11+s16+$0x0], $0xffff;
	v13 =	vadd.f32 v23, v13  }
0x7e: {  	v18 =	vmul.bf16 v22, v18;
	v23 =	vor.u32 v4, v26;
	v26 =	vor.u32 v4, v27;
	v22 =	vld.idx.msk [tilespmem:v20+s16+$0x0], $0xffff  }
0x7f: {  	s6 =	sadd.s32 $0x4, s12;
	v31 =	vunpack.i.l.bf16.f32 v10;
	v27 =	vadd.s32 s26, v0;
	v20 =	vld.idx.msk [tilespmem:v20+s15+$0x0], $0xffff;
	v6 =	vadd.f32 v13, v6  }
0x80: {  	v13 =	vand.u32 $0x3F, v27;
	v27 =	vadd.s32 s6, v0;
	v32 =	vld.idx.msk [tilespmem:v11+s15+$0x0], $0xffff;
	v11 =	vmul.bf16 v15, v18  }
0x81: {  	v33 =	vor.u32 v4, v13;
	v13 =	vunpack.i.u.bf16.f32 v10;
	v15 =	vld.idx.msk [tilespmem:v7+s15+$0x0], $0xffff;
	v6 =	vadd.f32 v24, v6  }
0x82: {  	v14 =	vmul.bf16 v16, v14;
	v16 =	vmul.bf16 v17, v21;
	v7 =	vand.u32 $0x3F, v27;
	v18 =	vld.idx.msk [tilespmem:v8+s15+$0x0], $0xffff  }
0x83: {  	v9 =	vmul.bf16 v19, v9;
	s6 =	sadd.s32 $0x5, s12;
	v7 =	vor.u32 v4, v7;
	v17 =	vunpack.i.u.bf16.f32 v11;
	v10 =	vld.idx.msk [tilespmem:v23+s15+$0x0], $0xffff  }
0x84: {  	v13 =	vadd.f32 v31, v13;
	v8 =	vadd.s32 s6, v0;
	s6 =	sadd.s32 $0x6, s12;
	v21 =	vmul.bf16 v22, v29;
	v19 =	vld.idx.msk [tilespmem:v23+s14+$0x0], $0xffff  }
0x85: {  	v11 =	vunpack.i.l.bf16.f32 v11;
	v8 =	vand.u32 $0x3F, v8;
	v22 =	vadd.s32 s6, v0;
	v24 =	vld.idx.msk [tilespmem:v23+s16+$0x0], $0xffff  }
0x86: {  	v28 =	vmul.bf16 v28, v30;
	v8 =	vor.u32 v4, v8;
	v23 =	vadd.s32 s12, v0;
	v27 =	vld.idx.msk [tilespmem:v26+s15+$0x0], $0xffff  }
0x87: {  	v30 =	vadd.f32 v11, v17;
	v22 =	vand.u32 $0x3F, v22;
	v23 =	vand.u32 $0x38, v23;
	v29 =	vld.idx.msk [tilespmem:v26+s16+$0x0], $0xffff  }
0x88: {  	v12 =	vmul.bf16 v12, v16;
	v11 =	vor.u32 v23, v5;
	v23 =	vmul.bf16 v15, v9;
	v17 =	vld.idx.msk [tilespmem:v26+s14+$0x0], $0xffff  }
0x89: {  	v31 =	vor.u32 v4, v22;
	v16 =	vmul.bf16 v18, v14;
	v26 =	vmul.bf16 v32, v28;
	v9 =	vld.idx.msk [tilespmem:v7+s14+$0x0], $0xffff  }
0x8a: {  	v20 =	vmul.bf16 v20, v21;
	v28 =	vunpack.i.u.bf16.f32 v12;
	v22 =	vunpack.i.u.bf16.f32 v23;
	v15 =	vld.idx.msk [tilespmem:v33+s15+$0x0], $0xffff  }
0x8b: {  	v12 =	vunpack.i.l.bf16.f32 v12;
	v21 =	vunpack.i.u.bf16.f32 v16;
	v32 =	vunpack.i.l.bf16.f32 v16;
	v14 =	vld.idx.msk [tilespmem:v8+s14+$0x0], $0xffff  }
0x8c: {  	s6 =	sadd.s32 $0x7, s12;
	v34 =	vunpack.i.u.bf16.f32 v20;
	v23 =	vunpack.i.l.bf16.f32 v23;
	v28 =	vadd.f32 v12, v28;
	v18 =	vld.idx.msk [tilespmem:v33+s14+$0x0], $0xffff  }
0x8d: {  	v35 =	vadd.s32 s6, v0;
	v36 =	vadd.f32 v23, v22;
	v22 =	vunpack.i.l.bf16.f32 v20;
	v16 =	vld.idx.msk [tilespmem:v8+s16+$0x0], $0xffff  }
.Ltmp0:
0x8e: {  	v20 =	vand.u32 $0x3F, v35;
	v23 =	vmul.bf16 v29, v17;
	v29 =	vunpack.i.l.bf16.f32 v26;
	v12 =	vld.idx.msk [tilespmem:v31+s15+$0x0], $0xffff;
	(pc) =	sbr.rel @p0 .LBB2_4-.Ltmp0, $4  }
0x8f: {  	v21 =	vadd.f32 v32, v21;
	v20 =	vor.u32 v4, v20;
	v32 =	vadd.f32 v22, v34;
	v17 =	vld.idx.msk [tilespmem:v31+s16+$0x0], $0xffff  }
0x90: {  	v26 =	vunpack.i.u.bf16.f32 v26;
	v34 =	vmul.bf16 v27, v23;
	v23 =	vadd.f32 v30, v25;
	v22 =	vld.idx.msk [tilespmem:v33+s16+$0x0], $0xffff  }
0x91: {  	v25 =	vmul.bf16 v24, v19;
	v27 =	vadd.f32 v29, v26;
	v24 =	vadd.f32 v21, v36;
	v19 =	vld.idx.msk [tilespmem:v7+s16+$0x0], $0xffff  }
0x92: {  	s12 =	sadd.s32 $0x8, s12;
	v28 =	vadd.f32 v32, v28;
	v26 =	vunpack.i.u.bf16.f32 v34;
	v29 =	vunpack.i.l.bf16.f32 v34;
	v21 =	vld.idx.msk [tilespmem:v31+s14+$0x0], $0xffff  }
0x93: {  	_ =	sdelay $0x3  }
0x94: {  	v4 =	vld.idx.msk [tilespmem:v11+s14+$0x0], $0xffff  }
0x95: {  	v5 =	vld.idx.msk [tilespmem:v20+s14+$0x0], $0xffff  }
0x96: {  	v47 =	vld.idx.msk [tilespmem:v11+s16+$0x0], $0xffff  }
0x97: {  	v48 =	vld.idx.msk [tilespmem:v20+s16+$0x0], $0xffff  }
0x98: {  	v13 =	vadd.f32 v13, v27;
	v7 =	vld.idx.msk [tilespmem:v7+s15+$0x0], $0xffff  }
0x99: {  	v10 =	vmul.bf16 v10, v25;
	v49 =	vadd.f32 v29, v26;
	v8 =	vld.idx.msk [tilespmem:v8+s15+$0x0], $0xffff;
	v14 =	vmul.bf16 v16, v14  }
0x9a: {  	v52 =	vld.idx.msk [tilespmem:v11+s15+$0x0], $0xffff;
	v50 =	vadd.f32 v28, v24;
	v13 =	vadd.f32 v23, v13;
	v18 =	vmul.bf16 v22, v18  }
0x9b: {  	v54 =	vld.idx.msk [tilespmem:v20+s15+$0x0], $0xffff;
	v51 =	vunpack.i.l.bf16.f32 v10;
	v10 =	vunpack.i.u.bf16.f32 v10;
	v9 =	vmul.bf16 v19, v9  }
0x9c: {  	v10 =	vadd.f32 v51, v10;
	v53 =	vmul.bf16 v15, v18;
	v55 =	vmul.bf16 v17, v21  }
0x9d: {  	v6 =	vadd.f32 v13, v6;
	v4 =	vmul.bf16 v47, v4;
	v7 =	vmul.bf16 v7, v9  }
0x9e: {  	v5 =	vmul.bf16 v48, v5;
	v56 =	vunpack.i.u.bf16.f32 v53;
	v13 =	vunpack.i.l.bf16.f32 v53  }
0x9f: {  	v8 =	vmul.bf16 v8, v14;
	v57 =	vmul.bf16 v12, v55;
	v58 =	vadd.f32 v13, v56  }
0xa0: {  	v4 =	vmul.bf16 v52, v4;
	v59 =	vunpack.i.u.bf16.f32 v7;
	v5 =	vmul.bf16 v54, v5  }
0xa1: {  	v14 =	vunpack.i.u.bf16.f32 v8;
	v8 =	vunpack.i.l.bf16.f32 v8;
	v7 =	vunpack.i.l.bf16.f32 v7  }
0xa2: {  	v60 =	vunpack.i.u.bf16.f32 v57;
	v9 =	vunpack.i.l.bf16.f32 v57;
	v7 =	vadd.f32 v7, v59  }
0xa3: {  	v8 =	vadd.f32 v8, v14;
	v62 =	vunpack.i.l.bf16.f32 v4;
	v4 =	vunpack.i.u.bf16.f32 v4  }
0xa4: {  	v9 =	vadd.f32 v9, v60;
	v4 =	vadd.f32 v62, v4  }
0xa5: {  	v61 =	vunpack.i.u.bf16.f32 v5;
	v5 =	vunpack.i.l.bf16.f32 v5;
	v63 =	vadd.f32 v58, v49  }
0xa6: {  	v5 =	vadd.f32 v5, v61;
	v4 =	vadd.f32 v10, v4  }
0xa7: {  	v6 =	vadd.f32 v50, v6;
	v7 =	vadd.f32 v8, v7  }
0xa8: {  	s9 =	sadd.s32 $0x1, s9;
	v5 =	vadd.f32 v5, v9;
	v4 =	vadd.f32 v63, v4  }
0xa9: {  	p0 =	sne.s32 s9, $0x5  }
.Ltmp1:
0xaa: {  	v5 =	vadd.f32 v5, v7;
	v4 =	vadd.f32 v4, v6;
	(pc) =	sbr.rel @p0 .LBB2_3-.Ltmp1, $3  }
0xab: {  	_ = 	snop  }
0xac: {  	v4 =	vadd.f32 v5, v4;
	_ =	sdelay $0x1  }
0xad: {  	[tilespmem:v3+s3+$0x0 ss:$0x1] =	vst.idx.msk $0xffff, v4  }
0xae: {  	p0 =	seq.s32 s5, $0x18  }
0xaf: {  	s7 =	smul.u32 @!p0 $0x190, s5;
	_ =	sdelay $0x1  }
0xb0: {  	s6 =	simm.s32 @!p0 $0x50;
	s9 =	simm.s32 @!p0 $0x7530;
	s3 =	sadd.s32 @!p0 $0x190, s7  }
0xb1: {  	[tilespmem:s9], [sflag:$0x1] =	stream.indirect.gather @!p0 [hbm4b:s1+s6], $0x40, s3, s6, $0xb8;
	[tilespmem:$0x1C840] =	vst v63  }
0xb2: {  	s3 =	sadd.s32 @!p0 $0x28A0, s7;
	s9 =	simm.s32 @!p0 $0x13D30  }
0xb3: {  	[tilespmem:s9], [sflag:$0x1] =	stream.indirect.gather @!p0 [hbm4b:s1+s6], $0x40, s3, s6, $0xb8;
	[tilespmem:$0x1C840] =	vst v63  }
0xb4: {  	s26 =	simm.s32 $0x2;
	s3 =	sadd.s32 @!p0 $0x4FB0, s7;
	s9 =	simm.s32 @!p0 $0xD930  }
0xb5: {  	[tilespmem:s9], [sflag:$0x1] =	stream.indirect.gather @!p0 [hbm4b:s4+s6], $0x40, s3, s6, $0xb8;
	[tilespmem:$0x1C840] =	vst v63  }
0xb6: {  	_ =	swait.ge [sflag:s26], $0x1400  }
0xb7: {  	[sflag:s26] =	ssyncset.done $0x0  }
0xb8: {  	[sflag:s26] =	ssyncadd.s32 $0xFFFFEC00  }
0xb9: {  	_ =	swait.ge [sflag:s26], $0x1400  }
0xba: {  	[sflag:s26] =	ssyncset.done $0x0  }
0xbb: {  	[sflag:s26] =	ssyncadd.s32 $0xFFFFEC00  }
0xbc: {  	_ =	swait.ge [sflag:s26], $0x1400  }
0xbd: {  	s29 =	sadd.s32 $0x1A180, s8;
	[sflag:s26] =	ssyncset.done $0x0  }
0xbe: {  	v3 =	vmov s29;
	s9 =	simm.s32 $0x0;
	s3 =	simm.s32 $0x0;
	[sflag:s26] =	ssyncadd.s32 $0xFFFFEC00  }
.LBB2_7:
0xbf: {  	s10 =	sshll.u32 s3, $0x4  }
0xc0: {  	s6 =	simm.s32 $0x1;
	v4 =	vmov s10  }
0xc1: {  	v5 =	vadd.s32 s6, v0;
	v4 =	vshll.u32 v4, $0x6  }
0xc2: {  	v5 =	vand.u32 $0x3F, v5;
	v4 =	vor.u32 v1, v4  }
0xc3: {  	s26 =	simm.s32 $0x2;
	v5 =	vor.u32 v4, v5  }
0xc4: {  	v6 =	vadd.s32 s26, v0  }
0xc5: {  	v6 =	vand.u32 $0x3F, v6  }
0xc6: {  	s12 =	simm.s32 $0x3;
	v6 =	vor.u32 v4, v6  }
0xc7: {  	v8 =	vadd.s32 s12, v0  }
0xc8: {  	v8 =	vand.u32 $0x3F, v8;
	v9 =	vld.idx.msk [tilespmem:v5+s19+$0x0], $0xffff  }
0xc9: {  	s13 =	simm.s32 $0x5;
	v8 =	vor.u32 v4, v8;
	v10 =	vld.idx.msk [tilespmem:v5+s17+$0x0], $0xffff  }
0xca: {  	s29 =	simm.s32 $0x4;
	v11 =	vadd.s32 s13, v0;
	v12 =	vld.idx.msk [tilespmem:v5+s21+$0x0], $0xffff  }
0xcb: {  	v7 =	vadd.s32 s29, v0;
	s29 =	simm.s32 $0x7;
	v5 =	vand.u32 $0x3F, v11;
	v11 =	vld.idx.msk [tilespmem:v6+s19+$0x0], $0xffff  }
0xcc: {  	v7 =	vand.u32 $0x3F, v7;
	v22 =	vadd.s32 s29, v0;
	v14 =	vld.idx.msk [tilespmem:v6+s21+$0x0], $0xffff  }
0xcd: {  	v22 =	vand.u32 $0x3F, v22;
	v7 =	vor.u32 v4, v7;
	v6 =	vld.idx.msk [tilespmem:v6+s17+$0x0], $0xffff  }
0xce: {  	v22 =	vor.u32 v4, v22;
	v17 =	vld.idx.msk [tilespmem:v8+s19+$0x0], $0xffff  }
0xcf: {  	v20 =	vld.idx.msk [tilespmem:v8+s17+$0x0], $0xffff  }
0xd0: {  	v8 =	vld.idx.msk [tilespmem:v8+s21+$0x0], $0xffff  }
0xd1: {  	v13 =	vor.u32 v4, v5  }
0xd2: {  	s26 =	simm.s32 $0x6;
	v15 =	vld.idx.msk [tilespmem:v7+s17+$0x0], $0xffff  }
0xd3: {  	v27 =	vld.idx.msk [tilespmem:v22+s17+$0x0], $0xffff;
	v5 =	vadd.s32 s26, v0  }
0xd4: {  	v5 =	vand.u32 $0x3F, v5;
	v6 =	vmul.bf16 v14, v6;
	v14 =	vld.idx.msk [tilespmem:v7+s21+$0x0], $0xffff  }
0xd5: {  	v16 =	vor.u32 v4, v5;
	v8 =	vmul.bf16 v8, v20;
	v20 =	vld.idx.msk [tilespmem:v22+s19+$0x0], $0xffff  }
0xd6: {  	v19 =	vadd.s32 s9, v0;
	s29 =	simm.s32 $0xC;
	v18 =	vld.idx.msk [tilespmem:v13+s17+$0x0], $0xffff  }
0xd7: {  	v19 =	vand.u32 $0x38, v19;
	v30 =	vadd.s32 s29, v0;
	v5 =	vor.u32 v2, v4;
	v21 =	vld.idx.msk [tilespmem:v13+s21+$0x0], $0xffff  }
0xd8: {  	s12 =	simm.s32 $0x9;
	v19 =	vor.u32 v19, v5;
	v10 =	vmul.bf16 v12, v10;
	v8 =	vmul.bf16 v17, v8;
	v17 =	vld.idx.msk [tilespmem:v7+s19+$0x0], $0xffff  }
0xd9: {  	s13 =	simm.s32 $0xA;
	v26 =	vadd.s32 s12, v0;
	v7 =	vand.u32 $0x3F, v30;
	v30 =	vld.idx.msk [tilespmem:v13+s19+$0x0], $0xffff  }
0xda: {  	v11 =	vmul.bf16 v11, v6;
	v9 =	vmul.bf16 v9, v10;
	v10 =	vadd.s32 s13, v0;
	v23 =	vld.idx.msk [tilespmem:v16+s19+$0x0], $0xffff  }
0xdb: {  	v26 =	vand.u32 $0x3F, v26;
	v24 =	vld.idx.msk [tilespmem:v16+s21+$0x0], $0xffff;
	v10 =	vand.u32 $0x3F, v10  }
0xdc: {  	v16 =	vld.idx.msk [tilespmem:v16+s17+$0x0], $0xffff;
	v25 =	vunpack.i.u.bf16.f32 v11;
	v11 =	vunpack.i.l.bf16.f32 v11;
	v29 =	vor.u32 v4, v10  }
0xdd: {  	s29 =	simm.s32 $0xF;
	v12 =	vld.idx.msk [tilespmem:v19+s17+$0x0], $0xffff;
	v25 =	vadd.f32 v11, v25;
	v11 =	vor.u32 v4, v26  }
0xde: {  	v35 =	vadd.s32 s29, v0;
	s26 =	simm.s32 $0xB;
	v6 =	vimm.f32 $0.0e+00;
	v28 =	vld.idx.msk [tilespmem:v19+s21+$0x0], $0xffff  }
0xdf: {  	v7 =	vor.u32 v4, v7;
	v10 =	vadd.s32 s26, v0;
	v26 =	vld.idx.msk [tilespmem:v22+s21+$0x0], $0xffff;
	v22 =	vunpack.i.l.bf16.f32 v9  }
0xe0: {  	s12 =	simm.s32 $0xD;
	v19 =	vld.idx.msk [tilespmem:v19+s19+$0x0], $0xffff;
	v10 =	vand.u32 $0x3F, v10;
	v9 =	vunpack.i.u.bf16.f32 v9;
	v14 =	vmul.bf16 v14, v15  }
0xe1: {  	v15 =	vadd.s32 s12, v0;
	v31 =	vor.u32 v4, v10;
	v18 =	vmul.bf16 v21, v18;
	v32 =	vld.idx.msk [tilespmem:v29+s19+$0x0], $0xffff  }
0xe2: {  	v21 =	vunpack.i.u.bf16.f32 v8;
	v13 =	vadd.f32 v22, v9;
	v9 =	vand.u32 $0x3F, v15;
	v10 =	vld.idx.msk [tilespmem:v11+s19+$0x0], $0xffff  }
0xe3: {  	s26 =	simm.s32 $0x8;
	v15 =	vunpack.i.l.bf16.f32 v8;
	v8 =	vor.u32 v4, v9;
	v16 =	vmul.bf16 v24, v16;
	v24 =	vld.idx.msk [tilespmem:v11+s17+$0x0], $0xffff  }
0xe4: {  	v17 =	vmul.bf16 v17, v14;
	v22 =	vmul.bf16 v26, v27;
	v26 =	vld.idx.msk [tilespmem:v11+s21+$0x0], $0xffff;
	v27 =	vadd.s32 s26, v0  }
0xe5: {  	s13 =	simm.s32 $0xE;
	v21 =	vadd.f32 v15, v21;
	v12 =	vmul.bf16 v28, v12;
	v9 =	vand.u32 $0x38, v27;
	v27 =	vld.idx.msk [tilespmem:v29+s21+$0x0], $0xffff  }
0xe6: {  	v11 =	vadd.s32 s13, v0;
	v16 =	vmul.bf16 v23, v16;
	v23 =	vunpack.i.u.bf16.f32 v17;
	v29 =	vld.idx.msk [tilespmem:v29+s17+$0x0], $0xffff  }
0xe7: {  	v17 =	vunpack.i.l.bf16.f32 v17;
	v28 =	vand.u32 $0x3F, v11;
	v19 =	vmul.bf16 v19, v12;
	v15 =	vld.idx.msk [tilespmem:v31+s19+$0x0], $0xffff  }
0xe8: {  	v12 =	vmul.bf16 v30, v18;
	v18 =	vld.idx.msk [tilespmem:v31+s17+$0x0], $0xffff;
	v36 =	vadd.f32 v17, v23;
	v28 =	vor.u32 v4, v28  }
0xe9: {  	v11 =	vor.u32 v9, v5;
	v9 =	vld.idx.msk [tilespmem:v7+s17+$0x0], $0xffff;
	v30 =	vunpack.i.u.bf16.f32 v16;
	v20 =	vmul.bf16 v20, v22  }
0xea: {  	v14 =	vld.idx.msk [tilespmem:v8+s17+$0x0], $0xffff;
	v22 =	vunpack.i.u.bf16.f32 v12;
	v33 =	vunpack.i.l.bf16.f32 v12;
	v12 =	vunpack.i.l.bf16.f32 v16  }
0xeb: {  	v16 =	vld.idx.msk [tilespmem:v8+s21+$0x0], $0xffff;
	v30 =	vadd.f32 v12, v30;
	v34 =	vunpack.i.u.bf16.f32 v20;
	v23 =	vunpack.i.l.bf16.f32 v20  }
0xec: {  	v20 =	vand.u32 $0x3F, v35;
	v33 =	vadd.f32 v33, v22;
	v22 =	vld.idx.msk [tilespmem:v31+s21+$0x0], $0xffff;
	v27 =	vmul.bf16 v27, v29  }
0xed: {  	v20 =	vor.u32 v4, v20;
	v34 =	vadd.f32 v23, v34;
	v23 =	vadd.f32 v21, v25;
	v12 =	vld.idx.msk [tilespmem:v28+s19+$0x0], $0xffff  }
0xee: {  	v29 =	vunpack.i.l.bf16.f32 v19;
	v17 =	vld.idx.msk [tilespmem:v28+s21+$0x0], $0xffff;
	v32 =	vmul.bf16 v32, v27;
	v27 =	vunpack.i.u.bf16.f32 v19  }
0xef: {  	v25 =	vmul.bf16 v26, v24;
	v24 =	vadd.f32 v33, v36;
	v21 =	vld.idx.msk [tilespmem:v28+s17+$0x0], $0xffff;
	v27 =	vadd.f32 v29, v27  }
0xf0: {  	s12 =	simm.s32 $0x2;
	s13 =	simm.s32 $0x10;
	v28 =	vadd.f32 v34, v30;
	v19 =	vld.idx.msk [tilespmem:v7+s21+$0x0], $0xffff;
	v26 =	vunpack.i.u.bf16.f32 v32;
	v29 =	vunpack.i.l.bf16.f32 v32  }
.LBB2_8:
0xf1: {  	s6 =	sadd.s32 $0x1, s13;
	s26 =	sadd.s32 $0x2, s13;
	s29 =	sadd.s32 $0x3, s13;
	v30 =	vld.idx.msk [tilespmem:v11+s17+$0x0], $0xffff;
	v10 =	vmul.bf16 v10, v25;
	v25 =	vadd.f32 v29, v26;
	v13 =	vadd.f32 v13, v27  }
0xf2: {  	s12 =	sadd.s32 $0x2, s12;
	v26 =	vadd.s32 s6, v0;
	v27 =	vadd.s32 s26, v0;
	v29 =	vld.idx.msk [tilespmem:v20+s17+$0x0], $0xffff;
	v24 =	vadd.f32 v28, v24  }
0xf3: {  	p1 =	slt.u32 s12, $0xE;
	v26 =	vand.u32 $0x3F, v26;
	v27 =	vand.u32 $0x3F, v27;
	v28 =	vld.idx.msk [tilespmem:v11+s21+$0x0], $0xffff;
	v13 =	vadd.f32 v23, v13  }
0xf4: {  	v18 =	vmul.bf16 v22, v18;
	v23 =	vor.u32 v4, v26;
	v26 =	vor.u32 v4, v27;
	v22 =	vld.idx.msk [tilespmem:v20+s21+$0x0], $0xffff  }
0xf5: {  	s6 =	sadd.s32 $0x4, s13;
	v31 =	vunpack.i.l.bf16.f32 v10;
	v27 =	vadd.s32 s29, v0;
	v20 =	vld.idx.msk [tilespmem:v20+s19+$0x0], $0xffff;
	v6 =	vadd.f32 v13, v6  }
0xf6: {  	v13 =	vand.u32 $0x3F, v27;
	v27 =	vadd.s32 s6, v0;
	v32 =	vld.idx.msk [tilespmem:v11+s19+$0x0], $0xffff;
	v11 =	vmul.bf16 v15, v18  }
0xf7: {  	v33 =	vor.u32 v4, v13;
	v13 =	vunpack.i.u.bf16.f32 v10;
	v15 =	vld.idx.msk [tilespmem:v7+s19+$0x0], $0xffff;
	v6 =	vadd.f32 v24, v6  }
0xf8: {  	v14 =	vmul.bf16 v16, v14;
	v16 =	vmul.bf16 v17, v21;
	v7 =	vand.u32 $0x3F, v27;
	v18 =	vld.idx.msk [tilespmem:v8+s19+$0x0], $0xffff  }
0xf9: {  	v9 =	vmul.bf16 v19, v9;
	s6 =	sadd.s32 $0x5, s13;
	v7 =	vor.u32 v4, v7;
	v17 =	vunpack.i.u.bf16.f32 v11;
	v10 =	vld.idx.msk [tilespmem:v23+s19+$0x0], $0xffff  }
0xfa: {  	v13 =	vadd.f32 v31, v13;
	v8 =	vadd.s32 s6, v0;
	s6 =	sadd.s32 $0x6, s13;
	v21 =	vmul.bf16 v22, v29;
	v19 =	vld.idx.msk [tilespmem:v23+s17+$0x0], $0xffff  }
0xfb: {  	v11 =	vunpack.i.l.bf16.f32 v11;
	v8 =	vand.u32 $0x3F, v8;
	v22 =	vadd.s32 s6, v0;
	v24 =	vld.idx.msk [tilespmem:v23+s21+$0x0], $0xffff  }
0xfc: {  	v28 =	vmul.bf16 v28, v30;
	v8 =	vor.u32 v4, v8;
	v23 =	vadd.s32 s13, v0;
	v27 =	vld.idx.msk [tilespmem:v26+s19+$0x0], $0xffff  }
0xfd: {  	v30 =	vadd.f32 v11, v17;
	v22 =	vand.u32 $0x3F, v22;
	v23 =	vand.u32 $0x38, v23;
	v29 =	vld.idx.msk [tilespmem:v26+s21+$0x0], $0xffff  }
0xfe: {  	v12 =	vmul.bf16 v12, v16;
	v11 =	vor.u32 v23, v5;
	v23 =	vmul.bf16 v15, v9;
	v17 =	vld.idx.msk [tilespmem:v26+s17+$0x0], $0xffff  }
0xff: {  	v31 =	vor.u32 v4, v22;
	v16 =	vmul.bf16 v18, v14;
	v26 =	vmul.bf16 v32, v28;
	v9 =	vld.idx.msk [tilespmem:v7+s17+$0x0], $0xffff  }
0x100: {  	v20 =	vmul.bf16 v20, v21;
	v28 =	vunpack.i.u.bf16.f32 v12;
	v22 =	vunpack.i.u.bf16.f32 v23;
	v15 =	vld.idx.msk [tilespmem:v33+s19+$0x0], $0xffff  }
0x101: {  	v12 =	vunpack.i.l.bf16.f32 v12;
	v21 =	vunpack.i.u.bf16.f32 v16;
	v32 =	vunpack.i.l.bf16.f32 v16;
	v14 =	vld.idx.msk [tilespmem:v8+s17+$0x0], $0xffff  }
0x102: {  	s6 =	sadd.s32 $0x7, s13;
	v34 =	vunpack.i.u.bf16.f32 v20;
	v23 =	vunpack.i.l.bf16.f32 v23;
	v28 =	vadd.f32 v12, v28;
	v18 =	vld.idx.msk [tilespmem:v33+s17+$0x0], $0xffff  }
0x103: {  	v35 =	vadd.s32 s6, v0;
	v36 =	vadd.f32 v23, v22;
	v22 =	vunpack.i.l.bf16.f32 v20;
	v16 =	vld.idx.msk [tilespmem:v8+s21+$0x0], $0xffff  }
.Ltmp2:
0x104: {  	v20 =	vand.u32 $0x3F, v35;
	v23 =	vmul.bf16 v29, v17;
	v29 =	vunpack.i.l.bf16.f32 v26;
	v12 =	vld.idx.msk [tilespmem:v31+s19+$0x0], $0xffff;
	(pc) =	sbr.rel @p1 .LBB2_8-.Ltmp2, $4  }
0x105: {  	v21 =	vadd.f32 v32, v21;
	v20 =	vor.u32 v4, v20;
	v32 =	vadd.f32 v22, v34;
	v17 =	vld.idx.msk [tilespmem:v31+s21+$0x0], $0xffff  }
0x106: {  	v26 =	vunpack.i.u.bf16.f32 v26;
	v34 =	vmul.bf16 v27, v23;
	v23 =	vadd.f32 v30, v25;
	v22 =	vld.idx.msk [tilespmem:v33+s21+$0x0], $0xffff  }
0x107: {  	v25 =	vmul.bf16 v24, v19;
	v27 =	vadd.f32 v29, v26;
	v24 =	vadd.f32 v21, v36;
	v19 =	vld.idx.msk [tilespmem:v7+s21+$0x0], $0xffff  }
0x108: {  	s13 =	sadd.s32 $0x8, s13;
	v28 =	vadd.f32 v32, v28;
	v26 =	vunpack.i.u.bf16.f32 v34;
	v29 =	vunpack.i.l.bf16.f32 v34;
	v21 =	vld.idx.msk [tilespmem:v31+s17+$0x0], $0xffff  }
0x109: {  	_ =	sdelay $0x3  }
0x10a: {  	v4 =	vld.idx.msk [tilespmem:v11+s17+$0x0], $0xffff  }
0x10b: {  	v5 =	vld.idx.msk [tilespmem:v20+s17+$0x0], $0xffff  }
0x10c: {  	v47 =	vld.idx.msk [tilespmem:v11+s21+$0x0], $0xffff  }
0x10d: {  	v48 =	vld.idx.msk [tilespmem:v20+s21+$0x0], $0xffff  }
0x10e: {  	v13 =	vadd.f32 v13, v27;
	v7 =	vld.idx.msk [tilespmem:v7+s19+$0x0], $0xffff  }
0x10f: {  	v10 =	vmul.bf16 v10, v25;
	v49 =	vadd.f32 v29, v26;
	v8 =	vld.idx.msk [tilespmem:v8+s19+$0x0], $0xffff;
	v14 =	vmul.bf16 v16, v14  }
0x110: {  	v52 =	vld.idx.msk [tilespmem:v11+s19+$0x0], $0xffff;
	v50 =	vadd.f32 v28, v24;
	v13 =	vadd.f32 v23, v13;
	v18 =	vmul.bf16 v22, v18  }
0x111: {  	v54 =	vld.idx.msk [tilespmem:v20+s19+$0x0], $0xffff;
	v51 =	vunpack.i.l.bf16.f32 v10;
	v10 =	vunpack.i.u.bf16.f32 v10;
	v9 =	vmul.bf16 v19, v9  }
0x112: {  	v10 =	vadd.f32 v51, v10;
	v53 =	vmul.bf16 v15, v18;
	v55 =	vmul.bf16 v17, v21  }
0x113: {  	v6 =	vadd.f32 v13, v6;
	v4 =	vmul.bf16 v47, v4;
	v7 =	vmul.bf16 v7, v9  }
0x114: {  	v5 =	vmul.bf16 v48, v5;
	v56 =	vunpack.i.u.bf16.f32 v53;
	v13 =	vunpack.i.l.bf16.f32 v53  }
0x115: {  	v8 =	vmul.bf16 v8, v14;
	v57 =	vmul.bf16 v12, v55;
	v58 =	vadd.f32 v13, v56  }
0x116: {  	v4 =	vmul.bf16 v52, v4;
	v59 =	vunpack.i.u.bf16.f32 v7;
	v5 =	vmul.bf16 v54, v5  }
0x117: {  	v14 =	vunpack.i.u.bf16.f32 v8;
	v8 =	vunpack.i.l.bf16.f32 v8;
	v7 =	vunpack.i.l.bf16.f32 v7  }
0x118: {  	v60 =	vunpack.i.u.bf16.f32 v57;
	v9 =	vunpack.i.l.bf16.f32 v57;
	v7 =	vadd.f32 v7, v59  }
0x119: {  	v8 =	vadd.f32 v8, v14;
	v62 =	vunpack.i.l.bf16.f32 v4;
	v4 =	vunpack.i.u.bf16.f32 v4  }
0x11a: {  	v9 =	vadd.f32 v9, v60;
	v4 =	vadd.f32 v62, v4  }
0x11b: {  	v61 =	vunpack.i.u.bf16.f32 v5;
	v5 =	vunpack.i.l.bf16.f32 v5;
	v63 =	vadd.f32 v58, v49  }
0x11c: {  	v5 =	vadd.f32 v5, v61;
	v4 =	vadd.f32 v10, v4  }
0x11d: {  	v6 =	vadd.f32 v50, v6;
	v7 =	vadd.f32 v8, v7  }
0x11e: {  	s3 =	sadd.s32 $0x1, s3;
	v5 =	vadd.f32 v5, v9;
	v4 =	vadd.f32 v63, v4  }
0x11f: {  	p1 =	sne.s32 s3, $0x5  }
.Ltmp3:
0x120: {  	v5 =	vadd.f32 v5, v7;
	v4 =	vadd.f32 v4, v6;
	(pc) =	sbr.rel @p1 .LBB2_7-.Ltmp3, $3  }
0x121: {  	_ = 	snop  }
0x122: {  	v4 =	vadd.f32 v5, v4;
	_ =	sdelay $0x1  }
0x123: {  	[tilespmem:v3+s10+$0x0 ss:$0x1] =	vst.idx.msk $0xffff, v4  }
0x124: {  	s3 =	sadd.s32 @!p0 $0x1E0, s7;
	s6 =	simm.s32 @!p0 $0x50;
	s9 =	simm.s32 @!p0 $0x8930  }
0x125: {  	[tilespmem:s9], [sflag:$0x2] =	stream.indirect.gather @!p0 [hbm4b:s1+s6], $0x40, s3, s6, $0xb8;
	[tilespmem:$0x1C840] =	vst v63  }
0x126: {  	s3 =	sadd.s32 @!p0 $0x28F0, s7;
	s9 =	simm.s32 @!p0 $0x15130  }
0x127: {  	[tilespmem:s9], [sflag:$0x2] =	stream.indirect.gather @!p0 [hbm4b:s1+s6], $0x40, s3, s6, $0xb8;
	[tilespmem:$0x1C840] =	vst v63  }
0x128: {  	s3 =	sadd.s32 @!p0 $0x5000, s7;
	s9 =	simm.s32 @!p0 $0xED30  }
0x129: {  	[tilespmem:s9], [sflag:$0x2] =	stream.indirect.gather @!p0 [hbm4b:s4+s6], $0x40, s3, s6, $0xb8;
	[tilespmem:$0x1C840] =	vst v63  }
0x12a: {  	_ =	swait.ge [sflag:s31], $0x1400  }
0x12b: {  	[sflag:s31] =	ssyncset.done $0x0  }
0x12c: {  	[sflag:s31] =	ssyncadd.s32 $0xFFFFEC00  }
0x12d: {  	_ =	swait.ge [sflag:s31], $0x1400  }
0x12e: {  	[sflag:s31] =	ssyncset.done $0x0  }
0x12f: {  	[sflag:s31] =	ssyncadd.s32 $0xFFFFEC00  }
0x130: {  	_ =	swait.ge [sflag:s31], $0x1400  }
0x131: {  	s29 =	sadd.s32 $0x1A1D0, s8;
	[sflag:s31] =	ssyncset.done $0x0  }
0x132: {  	v3 =	vmov s29;
	s9 =	simm.s32 $0x0;
	s3 =	simm.s32 $0x0;
	[sflag:s31] =	ssyncadd.s32 $0xFFFFEC00  }
.LBB2_11:
0x133: {  	s10 =	sshll.u32 s3, $0x4  }
0x134: {  	s6 =	simm.s32 $0x1;
	v4 =	vmov s10  }
0x135: {  	v5 =	vadd.s32 s6, v0;
	v4 =	vshll.u32 v4, $0x6  }
0x136: {  	v5 =	vand.u32 $0x3F, v5;
	v4 =	vor.u32 v1, v4  }
0x137: {  	s26 =	simm.s32 $0x2;
	v5 =	vor.u32 v4, v5  }
0x138: {  	v6 =	vadd.s32 s26, v0  }
0x139: {  	v6 =	vand.u32 $0x3F, v6  }
0x13a: {  	s12 =	simm.s32 $0x3;
	v6 =	vor.u32 v4, v6  }
0x13b: {  	v8 =	vadd.s32 s12, v0  }
0x13c: {  	v8 =	vand.u32 $0x3F, v8;
	v9 =	vld.idx.msk [tilespmem:v5+s25+$0x0], $0xffff  }
0x13d: {  	s13 =	simm.s32 $0x5;
	v8 =	vor.u32 v4, v8;
	v10 =	vld.idx.msk [tilespmem:v5+s23+$0x0], $0xffff  }
0x13e: {  	s29 =	simm.s32 $0x4;
	v11 =	vadd.s32 s13, v0;
	v12 =	vld.idx.msk [tilespmem:v5+s28+$0x0], $0xffff  }
0x13f: {  	v7 =	vadd.s32 s29, v0;
	s29 =	simm.s32 $0x7;
	v5 =	vand.u32 $0x3F, v11;
	v11 =	vld.idx.msk [tilespmem:v6+s25+$0x0], $0xffff  }
0x140: {  	v7 =	vand.u32 $0x3F, v7;
	v22 =	vadd.s32 s29, v0;
	v14 =	vld.idx.msk [tilespmem:v6+s28+$0x0], $0xffff  }
0x141: {  	v22 =	vand.u32 $0x3F, v22;
	v7 =	vor.u32 v4, v7;
	v6 =	vld.idx.msk [tilespmem:v6+s23+$0x0], $0xffff  }
0x142: {  	v22 =	vor.u32 v4, v22;
	v17 =	vld.idx.msk [tilespmem:v8+s25+$0x0], $0xffff  }
0x143: {  	v20 =	vld.idx.msk [tilespmem:v8+s23+$0x0], $0xffff  }
0x144: {  	v8 =	vld.idx.msk [tilespmem:v8+s28+$0x0], $0xffff  }
0x145: {  	v13 =	vor.u32 v4, v5  }
0x146: {  	s26 =	simm.s32 $0x6;
	v15 =	vld.idx.msk [tilespmem:v7+s23+$0x0], $0xffff  }
0x147: {  	v27 =	vld.idx.msk [tilespmem:v22+s23+$0x0], $0xffff;
	v5 =	vadd.s32 s26, v0  }
0x148: {  	v5 =	vand.u32 $0x3F, v5;
	v6 =	vmul.bf16 v14, v6;
	v14 =	vld.idx.msk [tilespmem:v7+s28+$0x0], $0xffff  }
0x149: {  	v16 =	vor.u32 v4, v5;
	v8 =	vmul.bf16 v8, v20;
	v20 =	vld.idx.msk [tilespmem:v22+s25+$0x0], $0xffff  }
0x14a: {  	v19 =	vadd.s32 s9, v0;
	s29 =	simm.s32 $0xC;
	v18 =	vld.idx.msk [tilespmem:v13+s23+$0x0], $0xffff  }
0x14b: {  	v19 =	vand.u32 $0x38, v19;
	v30 =	vadd.s32 s29, v0;
	v5 =	vor.u32 v2, v4;
	v21 =	vld.idx.msk [tilespmem:v13+s28+$0x0], $0xffff  }
0x14c: {  	s12 =	simm.s32 $0x9;
	v19 =	vor.u32 v19, v5;
	v10 =	vmul.bf16 v12, v10;
	v8 =	vmul.bf16 v17, v8;
	v17 =	vld.idx.msk [tilespmem:v7+s25+$0x0], $0xffff  }
0x14d: {  	s13 =	simm.s32 $0xA;
	v26 =	vadd.s32 s12, v0;
	v7 =	vand.u32 $0x3F, v30;
	v30 =	vld.idx.msk [tilespmem:v13+s25+$0x0], $0xffff  }
0x14e: {  	v11 =	vmul.bf16 v11, v6;
	v9 =	vmul.bf16 v9, v10;
	v10 =	vadd.s32 s13, v0;
	v23 =	vld.idx.msk [tilespmem:v16+s25+$0x0], $0xffff  }
0x14f: {  	v26 =	vand.u32 $0x3F, v26;
	v24 =	vld.idx.msk [tilespmem:v16+s28+$0x0], $0xffff;
	v10 =	vand.u32 $0x3F, v10  }
0x150: {  	v16 =	vld.idx.msk [tilespmem:v16+s23+$0x0], $0xffff;
	v25 =	vunpack.i.u.bf16.f32 v11;
	v11 =	vunpack.i.l.bf16.f32 v11;
	v29 =	vor.u32 v4, v10  }
0x151: {  	s29 =	simm.s32 $0xF;
	v12 =	vld.idx.msk [tilespmem:v19+s23+$0x0], $0xffff;
	v25 =	vadd.f32 v11, v25;
	v11 =	vor.u32 v4, v26  }
0x152: {  	v35 =	vadd.s32 s29, v0;
	s26 =	simm.s32 $0xB;
	v6 =	vimm.f32 $0.0e+00;
	v28 =	vld.idx.msk [tilespmem:v19+s28+$0x0], $0xffff  }
0x153: {  	v7 =	vor.u32 v4, v7;
	v10 =	vadd.s32 s26, v0;
	v26 =	vld.idx.msk [tilespmem:v22+s28+$0x0], $0xffff;
	v22 =	vunpack.i.l.bf16.f32 v9  }
0x154: {  	s12 =	simm.s32 $0xD;
	v19 =	vld.idx.msk [tilespmem:v19+s25+$0x0], $0xffff;
	v10 =	vand.u32 $0x3F, v10;
	v9 =	vunpack.i.u.bf16.f32 v9;
	v14 =	vmul.bf16 v14, v15  }
0x155: {  	v15 =	vadd.s32 s12, v0;
	v31 =	vor.u32 v4, v10;
	v18 =	vmul.bf16 v21, v18;
	v32 =	vld.idx.msk [tilespmem:v29+s25+$0x0], $0xffff  }
0x156: {  	v21 =	vunpack.i.u.bf16.f32 v8;
	v13 =	vadd.f32 v22, v9;
	v9 =	vand.u32 $0x3F, v15;
	v10 =	vld.idx.msk [tilespmem:v11+s25+$0x0], $0xffff  }
0x157: {  	s26 =	simm.s32 $0x8;
	v15 =	vunpack.i.l.bf16.f32 v8;
	v8 =	vor.u32 v4, v9;
	v16 =	vmul.bf16 v24, v16;
	v24 =	vld.idx.msk [tilespmem:v11+s23+$0x0], $0xffff  }
0x158: {  	v17 =	vmul.bf16 v17, v14;
	v22 =	vmul.bf16 v26, v27;
	v26 =	vld.idx.msk [tilespmem:v11+s28+$0x0], $0xffff;
	v27 =	vadd.s32 s26, v0  }
0x159: {  	s13 =	simm.s32 $0xE;
	v21 =	vadd.f32 v15, v21;
	v12 =	vmul.bf16 v28, v12;
	v9 =	vand.u32 $0x38, v27;
	v27 =	vld.idx.msk [tilespmem:v29+s28+$0x0], $0xffff  }
0x15a: {  	v11 =	vadd.s32 s13, v0;
	v16 =	vmul.bf16 v23, v16;
	v23 =	vunpack.i.u.bf16.f32 v17;
	v29 =	vld.idx.msk [tilespmem:v29+s23+$0x0], $0xffff  }
0x15b: {  	v17 =	vunpack.i.l.bf16.f32 v17;
	v28 =	vand.u32 $0x3F, v11;
	v19 =	vmul.bf16 v19, v12;
	v15 =	vld.idx.msk [tilespmem:v31+s25+$0x0], $0xffff  }
0x15c: {  	v12 =	vmul.bf16 v30, v18;
	v18 =	vld.idx.msk [tilespmem:v31+s23+$0x0], $0xffff;
	v36 =	vadd.f32 v17, v23;
	v28 =	vor.u32 v4, v28  }
0x15d: {  	v11 =	vor.u32 v9, v5;
	v9 =	vld.idx.msk [tilespmem:v7+s23+$0x0], $0xffff;
	v30 =	vunpack.i.u.bf16.f32 v16;
	v20 =	vmul.bf16 v20, v22  }
0x15e: {  	v14 =	vld.idx.msk [tilespmem:v8+s23+$0x0], $0xffff;
	v22 =	vunpack.i.u.bf16.f32 v12;
	v33 =	vunpack.i.l.bf16.f32 v12;
	v12 =	vunpack.i.l.bf16.f32 v16  }
0x15f: {  	v16 =	vld.idx.msk [tilespmem:v8+s28+$0x0], $0xffff;
	v30 =	vadd.f32 v12, v30;
	v34 =	vunpack.i.u.bf16.f32 v20;
	v23 =	vunpack.i.l.bf16.f32 v20  }
0x160: {  	v20 =	vand.u32 $0x3F, v35;
	v33 =	vadd.f32 v33, v22;
	v22 =	vld.idx.msk [tilespmem:v31+s28+$0x0], $0xffff;
	v27 =	vmul.bf16 v27, v29  }
0x161: {  	v20 =	vor.u32 v4, v20;
	v34 =	vadd.f32 v23, v34;
	v23 =	vadd.f32 v21, v25;
	v12 =	vld.idx.msk [tilespmem:v28+s25+$0x0], $0xffff  }
0x162: {  	v29 =	vunpack.i.l.bf16.f32 v19;
	v17 =	vld.idx.msk [tilespmem:v28+s28+$0x0], $0xffff;
	v32 =	vmul.bf16 v32, v27;
	v27 =	vunpack.i.u.bf16.f32 v19  }
0x163: {  	v25 =	vmul.bf16 v26, v24;
	v24 =	vadd.f32 v33, v36;
	v21 =	vld.idx.msk [tilespmem:v28+s23+$0x0], $0xffff;
	v27 =	vadd.f32 v29, v27  }
0x164: {  	s12 =	simm.s32 $0x2;
	s13 =	simm.s32 $0x10;
	v28 =	vadd.f32 v34, v30;
	v19 =	vld.idx.msk [tilespmem:v7+s28+$0x0], $0xffff;
	v26 =	vunpack.i.u.bf16.f32 v32;
	v29 =	vunpack.i.l.bf16.f32 v32  }
.LBB2_12:
0x165: {  	s6 =	sadd.s32 $0x1, s13;
	s26 =	sadd.s32 $0x2, s13;
	s29 =	sadd.s32 $0x3, s13;
	v30 =	vld.idx.msk [tilespmem:v11+s23+$0x0], $0xffff;
	v10 =	vmul.bf16 v10, v25;
	v25 =	vadd.f32 v29, v26;
	v13 =	vadd.f32 v13, v27  }
0x166: {  	s12 =	sadd.s32 $0x2, s12;
	v26 =	vadd.s32 s6, v0;
	v27 =	vadd.s32 s26, v0;
	v29 =	vld.idx.msk [tilespmem:v20+s23+$0x0], $0xffff;
	v24 =	vadd.f32 v28, v24  }
0x167: {  	p1 =	slt.u32 s12, $0xE;
	v26 =	vand.u32 $0x3F, v26;
	v27 =	vand.u32 $0x3F, v27;
	v28 =	vld.idx.msk [tilespmem:v11+s28+$0x0], $0xffff;
	v13 =	vadd.f32 v23, v13  }
0x168: {  	v18 =	vmul.bf16 v22, v18;
	v23 =	vor.u32 v4, v26;
	v26 =	vor.u32 v4, v27;
	v22 =	vld.idx.msk [tilespmem:v20+s28+$0x0], $0xffff  }
0x169: {  	s6 =	sadd.s32 $0x4, s13;
	v31 =	vunpack.i.l.bf16.f32 v10;
	v27 =	vadd.s32 s29, v0;
	v20 =	vld.idx.msk [tilespmem:v20+s25+$0x0], $0xffff;
	v6 =	vadd.f32 v13, v6  }
0x16a: {  	v13 =	vand.u32 $0x3F, v27;
	v27 =	vadd.s32 s6, v0;
	v32 =	vld.idx.msk [tilespmem:v11+s25+$0x0], $0xffff;
	v11 =	vmul.bf16 v15, v18  }
0x16b: {  	v33 =	vor.u32 v4, v13;
	v13 =	vunpack.i.u.bf16.f32 v10;
	v15 =	vld.idx.msk [tilespmem:v7+s25+$0x0], $0xffff;
	v6 =	vadd.f32 v24, v6  }
0x16c: {  	v14 =	vmul.bf16 v16, v14;
	v16 =	vmul.bf16 v17, v21;
	v7 =	vand.u32 $0x3F, v27;
	v18 =	vld.idx.msk [tilespmem:v8+s25+$0x0], $0xffff  }
0x16d: {  	v9 =	vmul.bf16 v19, v9;
	s6 =	sadd.s32 $0x5, s13;
	v7 =	vor.u32 v4, v7;
	v17 =	vunpack.i.u.bf16.f32 v11;
	v10 =	vld.idx.msk [tilespmem:v23+s25+$0x0], $0xffff  }
0x16e: {  	v13 =	vadd.f32 v31, v13;
	v8 =	vadd.s32 s6, v0;
	s6 =	sadd.s32 $0x6, s13;
	v21 =	vmul.bf16 v22, v29;
	v19 =	vld.idx.msk [tilespmem:v23+s23+$0x0], $0xffff  }
0x16f: {  	v11 =	vunpack.i.l.bf16.f32 v11;
	v8 =	vand.u32 $0x3F, v8;
	v22 =	vadd.s32 s6, v0;
	v24 =	vld.idx.msk [tilespmem:v23+s28+$0x0], $0xffff  }
0x170: {  	v28 =	vmul.bf16 v28, v30;
	v8 =	vor.u32 v4, v8;
	v23 =	vadd.s32 s13, v0;
	v27 =	vld.idx.msk [tilespmem:v26+s25+$0x0], $0xffff  }
0x171: {  	v30 =	vadd.f32 v11, v17;
	v22 =	vand.u32 $0x3F, v22;
	v23 =	vand.u32 $0x38, v23;
	v29 =	vld.idx.msk [tilespmem:v26+s28+$0x0], $0xffff  }
0x172: {  	v12 =	vmul.bf16 v12, v16;
	v11 =	vor.u32 v23, v5;
	v23 =	vmul.bf16 v15, v9;
	v17 =	vld.idx.msk [tilespmem:v26+s23+$0x0], $0xffff  }
0x173: {  	v31 =	vor.u32 v4, v22;
	v16 =	vmul.bf16 v18, v14;
	v26 =	vmul.bf16 v32, v28;
	v9 =	vld.idx.msk [tilespmem:v7+s23+$0x0], $0xffff  }
0x174: {  	v20 =	vmul.bf16 v20, v21;
	v28 =	vunpack.i.u.bf16.f32 v12;
	v22 =	vunpack.i.u.bf16.f32 v23;
	v15 =	vld.idx.msk [tilespmem:v33+s25+$0x0], $0xffff  }
0x175: {  	v12 =	vunpack.i.l.bf16.f32 v12;
	v21 =	vunpack.i.u.bf16.f32 v16;
	v32 =	vunpack.i.l.bf16.f32 v16;
	v14 =	vld.idx.msk [tilespmem:v8+s23+$0x0], $0xffff  }
0x176: {  	s6 =	sadd.s32 $0x7, s13;
	v34 =	vunpack.i.u.bf16.f32 v20;
	v23 =	vunpack.i.l.bf16.f32 v23;
	v28 =	vadd.f32 v12, v28;
	v18 =	vld.idx.msk [tilespmem:v33+s23+$0x0], $0xffff  }
0x177: {  	v35 =	vadd.s32 s6, v0;
	v36 =	vadd.f32 v23, v22;
	v22 =	vunpack.i.l.bf16.f32 v20;
	v16 =	vld.idx.msk [tilespmem:v8+s28+$0x0], $0xffff  }
.Ltmp4:
0x178: {  	v20 =	vand.u32 $0x3F, v35;
	v23 =	vmul.bf16 v29, v17;
	v29 =	vunpack.i.l.bf16.f32 v26;
	v12 =	vld.idx.msk [tilespmem:v31+s25+$0x0], $0xffff;
	(pc) =	sbr.rel @p1 .LBB2_12-.Ltmp4, $4  }
0x179: {  	v21 =	vadd.f32 v32, v21;
	v20 =	vor.u32 v4, v20;
	v32 =	vadd.f32 v22, v34;
	v17 =	vld.idx.msk [tilespmem:v31+s28+$0x0], $0xffff  }
0x17a: {  	v26 =	vunpack.i.u.bf16.f32 v26;
	v34 =	vmul.bf16 v27, v23;
	v23 =	vadd.f32 v30, v25;
	v22 =	vld.idx.msk [tilespmem:v33+s28+$0x0], $0xffff  }
0x17b: {  	v25 =	vmul.bf16 v24, v19;
	v27 =	vadd.f32 v29, v26;
	v24 =	vadd.f32 v21, v36;
	v19 =	vld.idx.msk [tilespmem:v7+s28+$0x0], $0xffff  }
0x17c: {  	s13 =	sadd.s32 $0x8, s13;
	v28 =	vadd.f32 v32, v28;
	v26 =	vunpack.i.u.bf16.f32 v34;
	v29 =	vunpack.i.l.bf16.f32 v34;
	v21 =	vld.idx.msk [tilespmem:v31+s23+$0x0], $0xffff  }
0x17d: {  	_ =	sdelay $0x3  }
0x17e: {  	v4 =	vld.idx.msk [tilespmem:v11+s23+$0x0], $0xffff  }
0x17f: {  	v5 =	vld.idx.msk [tilespmem:v20+s23+$0x0], $0xffff  }
0x180: {  	v47 =	vld.idx.msk [tilespmem:v11+s28+$0x0], $0xffff  }
0x181: {  	v48 =	vld.idx.msk [tilespmem:v20+s28+$0x0], $0xffff  }
0x182: {  	v13 =	vadd.f32 v13, v27;
	v7 =	vld.idx.msk [tilespmem:v7+s25+$0x0], $0xffff  }
0x183: {  	v10 =	vmul.bf16 v10, v25;
	v49 =	vadd.f32 v29, v26;
	v8 =	vld.idx.msk [tilespmem:v8+s25+$0x0], $0xffff;
	v14 =	vmul.bf16 v16, v14  }
0x184: {  	v52 =	vld.idx.msk [tilespmem:v11+s25+$0x0], $0xffff;
	v50 =	vadd.f32 v28, v24;
	v13 =	vadd.f32 v23, v13;
	v18 =	vmul.bf16 v22, v18  }
0x185: {  	v54 =	vld.idx.msk [tilespmem:v20+s25+$0x0], $0xffff;
	v51 =	vunpack.i.l.bf16.f32 v10;
	v10 =	vunpack.i.u.bf16.f32 v10;
	v9 =	vmul.bf16 v19, v9  }
0x186: {  	v10 =	vadd.f32 v51, v10;
	v53 =	vmul.bf16 v15, v18;
	v55 =	vmul.bf16 v17, v21  }
0x187: {  	v6 =	vadd.f32 v13, v6;
	v4 =	vmul.bf16 v47, v4;
	v7 =	vmul.bf16 v7, v9  }
0x188: {  	v5 =	vmul.bf16 v48, v5;
	v56 =	vunpack.i.u.bf16.f32 v53;
	v13 =	vunpack.i.l.bf16.f32 v53  }
0x189: {  	v8 =	vmul.bf16 v8, v14;
	v57 =	vmul.bf16 v12, v55;
	v58 =	vadd.f32 v13, v56  }
0x18a: {  	v4 =	vmul.bf16 v52, v4;
	v59 =	vunpack.i.u.bf16.f32 v7;
	v5 =	vmul.bf16 v54, v5  }
0x18b: {  	v14 =	vunpack.i.u.bf16.f32 v8;
	v8 =	vunpack.i.l.bf16.f32 v8;
	v7 =	vunpack.i.l.bf16.f32 v7  }
0x18c: {  	v60 =	vunpack.i.u.bf16.f32 v57;
	v9 =	vunpack.i.l.bf16.f32 v57;
	v7 =	vadd.f32 v7, v59  }
0x18d: {  	v8 =	vadd.f32 v8, v14;
	v62 =	vunpack.i.l.bf16.f32 v4;
	v4 =	vunpack.i.u.bf16.f32 v4  }
0x18e: {  	v9 =	vadd.f32 v9, v60;
	v4 =	vadd.f32 v62, v4  }
0x18f: {  	v61 =	vunpack.i.u.bf16.f32 v5;
	v5 =	vunpack.i.l.bf16.f32 v5;
	v63 =	vadd.f32 v58, v49  }
0x190: {  	v5 =	vadd.f32 v5, v61;
	v4 =	vadd.f32 v10, v4  }
0x191: {  	v6 =	vadd.f32 v50, v6;
	v7 =	vadd.f32 v8, v7  }
0x192: {  	s3 =	sadd.s32 $0x1, s3;
	v5 =	vadd.f32 v5, v9;
	v4 =	vadd.f32 v63, v4  }
0x193: {  	p1 =	sne.s32 s3, $0x5  }
.Ltmp5:
0x194: {  	v5 =	vadd.f32 v5, v7;
	v4 =	vadd.f32 v4, v6;
	(pc) =	sbr.rel @p1 .LBB2_11-.Ltmp5, $3  }
0x195: {  	_ = 	snop  }
0x196: {  	v4 =	vadd.f32 v5, v4;
	_ =	sdelay $0x1  }
0x197: {  	[tilespmem:v3+s10+$0x0 ss:$0x1] =	vst.idx.msk $0xffff, v4  }
0x198: {  	s3 =	sadd.s32 @!p0 $0x230, s7;
	s6 =	simm.s32 @!p0 $0x50;
	s9 =	simm.s32 @!p0 $0x9D30  }
0x199: {  	[tilespmem:s9], [sflag:$0x3] =	stream.indirect.gather @!p0 [hbm4b:s1+s6], $0x40, s3, s6, $0xb8;
	[tilespmem:$0x1C840] =	vst v63  }
0x19a: {  	s3 =	sadd.s32 @!p0 $0x2940, s7;
	s9 =	simm.s32 @!p0 $0x16530  }
0x19b: {  	[tilespmem:s9], [sflag:$0x3] =	stream.indirect.gather @!p0 [hbm4b:s1+s6], $0x40, s3, s6, $0xb8;
	[tilespmem:$0x1C840] =	vst v63  }
0x19c: {  	s3 =	sadd.s32 @!p0 $0x5050, s7;
	s9 =	simm.s32 @!p0 $0x10130  }
0x19d: {  	[tilespmem:s9], [sflag:$0x3] =	stream.indirect.gather @!p0 [hbm4b:s4+s6], $0x40, s3, s6, $0xb8;
	[tilespmem:$0x1C840] =	vst v63  }
0x19e: {  	_ =	swait.ge [sflag:s0], $0x1400  }
0x19f: {  	[sflag:s0] =	ssyncset.done $0x0  }
0x1a0: {  	[sflag:s0] =	ssyncadd.s32 $0xFFFFEC00  }
0x1a1: {  	_ =	swait.ge [sflag:s0], $0x1400  }
0x1a2: {  	[sflag:s0] =	ssyncset.done $0x0  }
0x1a3: {  	[sflag:s0] =	ssyncadd.s32 $0xFFFFEC00  }
0x1a4: {  	_ =	swait.ge [sflag:s0], $0x1400  }
0x1a5: {  	s29 =	sadd.s32 $0x1A220, s8;
	[sflag:s0] =	ssyncset.done $0x0  }
0x1a6: {  	s8 =	simm.s32 $0x0;
	v3 =	vmov s29;
	s3 =	simm.s32 $0x0;
	[sflag:s0] =	ssyncadd.s32 $0xFFFFEC00  }
.LBB2_15:
0x1a7: {  	s9 =	sshll.u32 s3, $0x4  }
0x1a8: {  	s6 =	simm.s32 $0x1;
	v4 =	vmov s9  }
0x1a9: {  	v5 =	vadd.s32 s6, v0;
	v4 =	vshll.u32 v4, $0x6  }
0x1aa: {  	v5 =	vand.u32 $0x3F, v5;
	v4 =	vor.u32 v1, v4  }
0x1ab: {  	s13 =	simm.s32 $0x2;
	v5 =	vor.u32 v4, v5  }
0x1ac: {  	v6 =	vadd.s32 s13, v0  }
0x1ad: {  	v6 =	vand.u32 $0x3F, v6  }
0x1ae: {  	s10 =	simm.s32 $0x3;
	v6 =	vor.u32 v4, v6  }
0x1af: {  	v8 =	vadd.s32 s10, v0  }
0x1b0: {  	v8 =	vand.u32 $0x3F, v8;
	v9 =	vld.idx.msk [tilespmem:v5+s2+$0x0], $0xffff  }
0x1b1: {  	s29 =	simm.s32 $0x5;
	v8 =	vor.u32 v4, v8;
	v10 =	vld.idx.msk [tilespmem:v5+s30+$0x0], $0xffff  }
0x1b2: {  	s26 =	simm.s32 $0x4;
	v11 =	vadd.s32 s29, v0;
	v12 =	vld.idx.msk [tilespmem:v5+s18+$0x0], $0xffff  }
0x1b3: {  	s12 =	simm.s32 $0x7;
	v7 =	vadd.s32 s26, v0;
	v5 =	vand.u32 $0x3F, v11;
	v11 =	vld.idx.msk [tilespmem:v6+s2+$0x0], $0xffff  }
0x1b4: {  	v22 =	vadd.s32 s12, v0;
	v7 =	vand.u32 $0x3F, v7;
	v14 =	vld.idx.msk [tilespmem:v6+s18+$0x0], $0xffff  }
0x1b5: {  	v22 =	vand.u32 $0x3F, v22;
	v7 =	vor.u32 v4, v7;
	v6 =	vld.idx.msk [tilespmem:v6+s30+$0x0], $0xffff  }
0x1b6: {  	v22 =	vor.u32 v4, v22;
	v17 =	vld.idx.msk [tilespmem:v8+s2+$0x0], $0xffff  }
0x1b7: {  	v20 =	vld.idx.msk [tilespmem:v8+s30+$0x0], $0xffff  }
0x1b8: {  	v8 =	vld.idx.msk [tilespmem:v8+s18+$0x0], $0xffff  }
0x1b9: {  	v13 =	vor.u32 v4, v5  }
0x1ba: {  	s10 =	simm.s32 $0x6;
	v15 =	vld.idx.msk [tilespmem:v7+s30+$0x0], $0xffff  }
0x1bb: {  	v27 =	vld.idx.msk [tilespmem:v22+s30+$0x0], $0xffff;
	v5 =	vadd.s32 s10, v0  }
0x1bc: {  	v5 =	vand.u32 $0x3F, v5;
	v6 =	vmul.bf16 v14, v6;
	v14 =	vld.idx.msk [tilespmem:v7+s18+$0x0], $0xffff  }
0x1bd: {  	v16 =	vor.u32 v4, v5;
	v8 =	vmul.bf16 v8, v20;
	v20 =	vld.idx.msk [tilespmem:v22+s2+$0x0], $0xffff  }
0x1be: {  	v19 =	vadd.s32 s8, v0;
	s10 =	simm.s32 $0xC;
	v18 =	vld.idx.msk [tilespmem:v13+s30+$0x0], $0xffff  }
0x1bf: {  	v19 =	vand.u32 $0x38, v19;
	v30 =	vadd.s32 s10, v0;
	v5 =	vor.u32 v2, v4;
	v21 =	vld.idx.msk [tilespmem:v13+s18+$0x0], $0xffff  }
0x1c0: {  	s13 =	simm.s32 $0x9;
	v19 =	vor.u32 v19, v5;
	v10 =	vmul.bf16 v12, v10;
	v8 =	vmul.bf16 v17, v8;
	v17 =	vld.idx.msk [tilespmem:v7+s2+$0x0], $0xffff  }
0x1c1: {  	s26 =	simm.s32 $0xA;
	v26 =	vadd.s32 s13, v0;
	v7 =	vand.u32 $0x3F, v30;
	v30 =	vld.idx.msk [tilespmem:v13+s2+$0x0], $0xffff  }
0x1c2: {  	v11 =	vmul.bf16 v11, v6;
	v9 =	vmul.bf16 v9, v10;
	v10 =	vadd.s32 s26, v0;
	v23 =	vld.idx.msk [tilespmem:v16+s2+$0x0], $0xffff  }
0x1c3: {  	v26 =	vand.u32 $0x3F, v26;
	v24 =	vld.idx.msk [tilespmem:v16+s18+$0x0], $0xffff;
	v10 =	vand.u32 $0x3F, v10  }
0x1c4: {  	v16 =	vld.idx.msk [tilespmem:v16+s30+$0x0], $0xffff;
	v25 =	vunpack.i.u.bf16.f32 v11;
	v11 =	vunpack.i.l.bf16.f32 v11;
	v29 =	vor.u32 v4, v10  }
0x1c5: {  	s29 =	simm.s32 $0xB;
	v12 =	vld.idx.msk [tilespmem:v19+s30+$0x0], $0xffff;
	v25 =	vadd.f32 v11, v25;
	v11 =	vor.u32 v4, v26  }
0x1c6: {  	v6 =	vimm.f32 $0.0e+00;
	v28 =	vld.idx.msk [tilespmem:v19+s18+$0x0], $0xffff;
	v10 =	vadd.s32 s29, v0  }
0x1c7: {  	s12 =	simm.s32 $0xD;
	v7 =	vor.u32 v4, v7;
	v26 =	vld.idx.msk [tilespmem:v22+s18+$0x0], $0xffff;
	v22 =	vunpack.i.l.bf16.f32 v9;
	v10 =	vand.u32 $0x3F, v10  }
0x1c8: {  	v19 =	vld.idx.msk [tilespmem:v19+s2+$0x0], $0xffff;
	s29 =	simm.s32 $0xF;
	v9 =	vunpack.i.u.bf16.f32 v9;
	v14 =	vmul.bf16 v14, v15;
	v15 =	vadd.s32 s12, v0  }
0x1c9: {  	v35 =	vadd.s32 s29, v0;
	v31 =	vor.u32 v4, v10;
	v18 =	vmul.bf16 v21, v18;
	v32 =	vld.idx.msk [tilespmem:v29+s2+$0x0], $0xffff  }
0x1ca: {  	v21 =	vunpack.i.u.bf16.f32 v8;
	v13 =	vadd.f32 v22, v9;
	v9 =	vand.u32 $0x3F, v15;
	v10 =	vld.idx.msk [tilespmem:v11+s2+$0x0], $0xffff  }
0x1cb: {  	s26 =	simm.s32 $0x8;
	v15 =	vunpack.i.l.bf16.f32 v8;
	v8 =	vor.u32 v4, v9;
	v16 =	vmul.bf16 v24, v16;
	v24 =	vld.idx.msk [tilespmem:v11+s30+$0x0], $0xffff  }
0x1cc: {  	v17 =	vmul.bf16 v17, v14;
	v22 =	vmul.bf16 v26, v27;
	v26 =	vld.idx.msk [tilespmem:v11+s18+$0x0], $0xffff;
	v27 =	vadd.s32 s26, v0  }
0x1cd: {  	s13 =	simm.s32 $0xE;
	v21 =	vadd.f32 v15, v21;
	v12 =	vmul.bf16 v28, v12;
	v9 =	vand.u32 $0x38, v27;
	v27 =	vld.idx.msk [tilespmem:v29+s18+$0x0], $0xffff  }
0x1ce: {  	v11 =	vadd.s32 s13, v0;
	v16 =	vmul.bf16 v23, v16;
	v23 =	vunpack.i.u.bf16.f32 v17;
	v29 =	vld.idx.msk [tilespmem:v29+s30+$0x0], $0xffff  }
0x1cf: {  	v17 =	vunpack.i.l.bf16.f32 v17;
	v28 =	vand.u32 $0x3F, v11;
	v19 =	vmul.bf16 v19, v12;
	v15 =	vld.idx.msk [tilespmem:v31+s2+$0x0], $0xffff  }
0x1d0: {  	v12 =	vmul.bf16 v30, v18;
	v18 =	vld.idx.msk [tilespmem:v31+s30+$0x0], $0xffff;
	v36 =	vadd.f32 v17, v23;
	v28 =	vor.u32 v4, v28  }
0x1d1: {  	v11 =	vor.u32 v9, v5;
	v9 =	vld.idx.msk [tilespmem:v7+s30+$0x0], $0xffff;
	v30 =	vunpack.i.u.bf16.f32 v16;
	v20 =	vmul.bf16 v20, v22  }
0x1d2: {  	v14 =	vld.idx.msk [tilespmem:v8+s30+$0x0], $0xffff;
	v22 =	vunpack.i.u.bf16.f32 v12;
	v33 =	vunpack.i.l.bf16.f32 v12;
	v12 =	vunpack.i.l.bf16.f32 v16  }
0x1d3: {  	v16 =	vld.idx.msk [tilespmem:v8+s18+$0x0], $0xffff;
	v30 =	vadd.f32 v12, v30;
	v34 =	vunpack.i.u.bf16.f32 v20;
	v23 =	vunpack.i.l.bf16.f32 v20  }
0x1d4: {  	v20 =	vand.u32 $0x3F, v35;
	v33 =	vadd.f32 v33, v22;
	v22 =	vld.idx.msk [tilespmem:v31+s18+$0x0], $0xffff;
	v27 =	vmul.bf16 v27, v29  }
0x1d5: {  	v20 =	vor.u32 v4, v20;
	v34 =	vadd.f32 v23, v34;
	v23 =	vadd.f32 v21, v25;
	v12 =	vld.idx.msk [tilespmem:v28+s2+$0x0], $0xffff  }
0x1d6: {  	v29 =	vunpack.i.l.bf16.f32 v19;
	v17 =	vld.idx.msk [tilespmem:v28+s18+$0x0], $0xffff;
	v32 =	vmul.bf16 v32, v27;
	v27 =	vunpack.i.u.bf16.f32 v19  }
0x1d7: {  	v25 =	vmul.bf16 v26, v24;
	v24 =	vadd.f32 v33, v36;
	v21 =	vld.idx.msk [tilespmem:v28+s30+$0x0], $0xffff;
	v27 =	vadd.f32 v29, v27  }
0x1d8: {  	s10 =	simm.s32 $0x2;
	s12 =	simm.s32 $0x10;
	v28 =	vadd.f32 v34, v30;
	v19 =	vld.idx.msk [tilespmem:v7+s18+$0x0], $0xffff;
	v26 =	vunpack.i.u.bf16.f32 v32;
	v29 =	vunpack.i.l.bf16.f32 v32  }
.LBB2_16:
0x1d9: {  	s6 =	sadd.s32 $0x1, s12;
	s13 =	sadd.s32 $0x2, s12;
	s26 =	sadd.s32 $0x3, s12;
	v30 =	vld.idx.msk [tilespmem:v11+s30+$0x0], $0xffff;
	v10 =	vmul.bf16 v10, v25;
	v25 =	vadd.f32 v29, v26;
	v13 =	vadd.f32 v13, v27  }
0x1da: {  	s10 =	sadd.s32 $0x2, s10;
	v26 =	vadd.s32 s6, v0;
	v27 =	vadd.s32 s13, v0;
	v29 =	vld.idx.msk [tilespmem:v20+s30+$0x0], $0xffff;
	v24 =	vadd.f32 v28, v24  }
0x1db: {  	p1 =	slt.u32 s10, $0xE;
	v26 =	vand.u32 $0x3F, v26;
	v27 =	vand.u32 $0x3F, v27;
	v28 =	vld.idx.msk [tilespmem:v11+s18+$0x0], $0xffff;
	v13 =	vadd.f32 v23, v13  }
0x1dc: {  	v18 =	vmul.bf16 v22, v18;
	v23 =	vor.u32 v4, v26;
	v26 =	vor.u32 v4, v27;
	v22 =	vld.idx.msk [tilespmem:v20+s18+$0x0], $0xffff  }
0x1dd: {  	s6 =	sadd.s32 $0x4, s12;
	v31 =	vunpack.i.l.bf16.f32 v10;
	v27 =	vadd.s32 s26, v0;
	v20 =	vld.idx.msk [tilespmem:v20+s2+$0x0], $0xffff;
	v6 =	vadd.f32 v13, v6  }
0x1de: {  	v13 =	vand.u32 $0x3F, v27;
	v27 =	vadd.s32 s6, v0;
	v32 =	vld.idx.msk [tilespmem:v11+s2+$0x0], $0xffff;
	v11 =	vmul.bf16 v15, v18  }
0x1df: {  	v33 =	vor.u32 v4, v13;
	v13 =	vunpack.i.u.bf16.f32 v10;
	v15 =	vld.idx.msk [tilespmem:v7+s2+$0x0], $0xffff;
	v6 =	vadd.f32 v24, v6  }
0x1e0: {  	v14 =	vmul.bf16 v16, v14;
	v16 =	vmul.bf16 v17, v21;
	v7 =	vand.u32 $0x3F, v27;
	v18 =	vld.idx.msk [tilespmem:v8+s2+$0x0], $0xffff  }
0x1e1: {  	v9 =	vmul.bf16 v19, v9;
	s6 =	sadd.s32 $0x5, s12;
	v7 =	vor.u32 v4, v7;
	v17 =	vunpack.i.u.bf16.f32 v11;
	v10 =	vld.idx.msk [tilespmem:v23+s2+$0x0], $0xffff  }
0x1e2: {  	v13 =	vadd.f32 v31, v13;
	v8 =	vadd.s32 s6, v0;
	s6 =	sadd.s32 $0x6, s12;
	v21 =	vmul.bf16 v22, v29;
	v19 =	vld.idx.msk [tilespmem:v23+s30+$0x0], $0xffff  }
0x1e3: {  	v11 =	vunpack.i.l.bf16.f32 v11;
	v8 =	vand.u32 $0x3F, v8;
	v22 =	vadd.s32 s6, v0;
	v24 =	vld.idx.msk [tilespmem:v23+s18+$0x0], $0xffff  }
0x1e4: {  	v28 =	vmul.bf16 v28, v30;
	v8 =	vor.u32 v4, v8;
	v23 =	vadd.s32 s12, v0;
	v27 =	vld.idx.msk [tilespmem:v26+s2+$0x0], $0xffff  }
0x1e5: {  	v30 =	vadd.f32 v11, v17;
	v22 =	vand.u32 $0x3F, v22;
	v23 =	vand.u32 $0x38, v23;
	v29 =	vld.idx.msk [tilespmem:v26+s18+$0x0], $0xffff  }
0x1e6: {  	v12 =	vmul.bf16 v12, v16;
	v11 =	vor.u32 v23, v5;
	v23 =	vmul.bf16 v15, v9;
	v17 =	vld.idx.msk [tilespmem:v26+s30+$0x0], $0xffff  }
0x1e7: {  	v31 =	vor.u32 v4, v22;
	v16 =	vmul.bf16 v18, v14;
	v26 =	vmul.bf16 v32, v28;
	v9 =	vld.idx.msk [tilespmem:v7+s30+$0x0], $0xffff  }
0x1e8: {  	v20 =	vmul.bf16 v20, v21;
	v28 =	vunpack.i.u.bf16.f32 v12;
	v22 =	vunpack.i.u.bf16.f32 v23;
	v15 =	vld.idx.msk [tilespmem:v33+s2+$0x0], $0xffff  }
0x1e9: {  	v12 =	vunpack.i.l.bf16.f32 v12;
	v21 =	vunpack.i.u.bf16.f32 v16;
	v32 =	vunpack.i.l.bf16.f32 v16;
	v14 =	vld.idx.msk [tilespmem:v8+s30+$0x0], $0xffff  }
0x1ea: {  	s6 =	sadd.s32 $0x7, s12;
	v34 =	vunpack.i.u.bf16.f32 v20;
	v23 =	vunpack.i.l.bf16.f32 v23;
	v28 =	vadd.f32 v12, v28;
	v18 =	vld.idx.msk [tilespmem:v33+s30+$0x0], $0xffff  }
0x1eb: {  	v35 =	vadd.s32 s6, v0;
	v36 =	vadd.f32 v23, v22;
	v22 =	vunpack.i.l.bf16.f32 v20;
	v16 =	vld.idx.msk [tilespmem:v8+s18+$0x0], $0xffff  }
.Ltmp6:
0x1ec: {  	v20 =	vand.u32 $0x3F, v35;
	v23 =	vmul.bf16 v29, v17;
	v29 =	vunpack.i.l.bf16.f32 v26;
	v12 =	vld.idx.msk [tilespmem:v31+s2+$0x0], $0xffff;
	(pc) =	sbr.rel @p1 .LBB2_16-.Ltmp6, $4  }
0x1ed: {  	v21 =	vadd.f32 v32, v21;
	v20 =	vor.u32 v4, v20;
	v32 =	vadd.f32 v22, v34;
	v17 =	vld.idx.msk [tilespmem:v31+s18+$0x0], $0xffff  }
0x1ee: {  	v26 =	vunpack.i.u.bf16.f32 v26;
	v34 =	vmul.bf16 v27, v23;
	v23 =	vadd.f32 v30, v25;
	v22 =	vld.idx.msk [tilespmem:v33+s18+$0x0], $0xffff  }
0x1ef: {  	v25 =	vmul.bf16 v24, v19;
	v27 =	vadd.f32 v29, v26;
	v24 =	vadd.f32 v21, v36;
	v19 =	vld.idx.msk [tilespmem:v7+s18+$0x0], $0xffff  }
0x1f0: {  	s12 =	sadd.s32 $0x8, s12;
	v28 =	vadd.f32 v32, v28;
	v26 =	vunpack.i.u.bf16.f32 v34;
	v29 =	vunpack.i.l.bf16.f32 v34;
	v21 =	vld.idx.msk [tilespmem:v31+s30+$0x0], $0xffff  }
0x1f1: {  	_ =	sdelay $0x3  }
0x1f2: {  	v4 =	vld.idx.msk [tilespmem:v11+s30+$0x0], $0xffff  }
0x1f3: {  	v5 =	vld.idx.msk [tilespmem:v20+s30+$0x0], $0xffff  }
0x1f4: {  	v47 =	vld.idx.msk [tilespmem:v11+s18+$0x0], $0xffff  }
0x1f5: {  	v48 =	vld.idx.msk [tilespmem:v20+s18+$0x0], $0xffff  }
0x1f6: {  	v13 =	vadd.f32 v13, v27;
	v7 =	vld.idx.msk [tilespmem:v7+s2+$0x0], $0xffff  }
0x1f7: {  	v10 =	vmul.bf16 v10, v25;
	v49 =	vadd.f32 v29, v26;
	v8 =	vld.idx.msk [tilespmem:v8+s2+$0x0], $0xffff;
	v14 =	vmul.bf16 v16, v14  }
0x1f8: {  	v52 =	vld.idx.msk [tilespmem:v11+s2+$0x0], $0xffff;
	v50 =	vadd.f32 v28, v24;
	v13 =	vadd.f32 v23, v13;
	v18 =	vmul.bf16 v22, v18  }
0x1f9: {  	v54 =	vld.idx.msk [tilespmem:v20+s2+$0x0], $0xffff;
	v51 =	vunpack.i.l.bf16.f32 v10;
	v10 =	vunpack.i.u.bf16.f32 v10;
	v9 =	vmul.bf16 v19, v9  }
0x1fa: {  	v10 =	vadd.f32 v51, v10;
	v53 =	vmul.bf16 v15, v18;
	v55 =	vmul.bf16 v17, v21  }
0x1fb: {  	v6 =	vadd.f32 v13, v6;
	v4 =	vmul.bf16 v47, v4;
	v7 =	vmul.bf16 v7, v9  }
0x1fc: {  	v5 =	vmul.bf16 v48, v5;
	v56 =	vunpack.i.u.bf16.f32 v53;
	v13 =	vunpack.i.l.bf16.f32 v53  }
0x1fd: {  	v8 =	vmul.bf16 v8, v14;
	v57 =	vmul.bf16 v12, v55;
	v58 =	vadd.f32 v13, v56  }
0x1fe: {  	v4 =	vmul.bf16 v52, v4;
	v59 =	vunpack.i.u.bf16.f32 v7;
	v5 =	vmul.bf16 v54, v5  }
0x1ff: {  	v14 =	vunpack.i.u.bf16.f32 v8;
	v8 =	vunpack.i.l.bf16.f32 v8;
	v7 =	vunpack.i.l.bf16.f32 v7  }
0x200: {  	v60 =	vunpack.i.u.bf16.f32 v57;
	v9 =	vunpack.i.l.bf16.f32 v57;
	v7 =	vadd.f32 v7, v59  }
0x201: {  	v8 =	vadd.f32 v8, v14;
	v62 =	vunpack.i.l.bf16.f32 v4;
	v4 =	vunpack.i.u.bf16.f32 v4  }
0x202: {  	v9 =	vadd.f32 v9, v60;
	v4 =	vadd.f32 v62, v4  }
0x203: {  	v61 =	vunpack.i.u.bf16.f32 v5;
	v5 =	vunpack.i.l.bf16.f32 v5;
	v63 =	vadd.f32 v58, v49  }
0x204: {  	v5 =	vadd.f32 v5, v61;
	v4 =	vadd.f32 v10, v4  }
0x205: {  	v6 =	vadd.f32 v50, v6;
	v7 =	vadd.f32 v8, v7  }
0x206: {  	s3 =	sadd.s32 $0x1, s3;
	v5 =	vadd.f32 v5, v9;
	v4 =	vadd.f32 v63, v4  }
0x207: {  	p1 =	sne.s32 s3, $0x5  }
.Ltmp7:
0x208: {  	v5 =	vadd.f32 v5, v7;
	v4 =	vadd.f32 v4, v6;
	(pc) =	sbr.rel @p1 .LBB2_15-.Ltmp7, $3  }
0x209: {  	_ = 	snop  }
0x20a: {  	v4 =	vadd.f32 v5, v4;
	_ =	sdelay $0x1  }
0x20b: {  	[tilespmem:v3+s9+$0x0 ss:$0x1] =	vst.idx.msk $0xffff, v4  }
0x20c: {  	s3 =	sadd.s32 @!p0 $0x280, s7;
	s6 =	simm.s32 @!p0 $0x50;
	s8 =	simm.s32 @!p0 $0xB130  }
0x20d: {  	[tilespmem:s8], [sflag:$0x4] =	stream.indirect.gather @!p0 [hbm4b:s1+s6], $0x40, s3, s6, $0xb8;
	[tilespmem:$0x1C840] =	vst v63  }
0x20e: {  	s3 =	sadd.s32 @!p0 $0x2990, s7;
	s8 =	simm.s32 @!p0 $0x17930  }
0x20f: {  	[tilespmem:s8], [sflag:$0x4] =	stream.indirect.gather @!p0 [hbm4b:s1+s6], $0x40, s3, s6, $0xb8;
	[tilespmem:$0x1C840] =	vst v63  }
0x210: {  	s3 =	sadd.s32 @!p0 $0x50A0, s7;
	s7 =	simm.s32 @!p0 $0x11530  }
0x211: {  	[tilespmem:s7], [sflag:$0x4] =	stream.indirect.gather @!p0 [hbm4b:s4+s6], $0x40, s3, s6, $0xb8;
	[tilespmem:$0x1C840] =	vst v63  }
0x212: {  	_ =	swait.ge [sflag:s11], $0x1400  }
0x213: {  	[sflag:s11] =	ssyncset.done $0x0  }
0x214: {  	[sflag:s11] =	ssyncadd.s32 $0xFFFFEC00  }
0x215: {  	_ =	swait.ge [sflag:s11], $0x1400  }
0x216: {  	s29 =	rddreg [dreg:$0xa]  }
0x217: {  	[sflag:s11] =	ssyncset.done $0x0;
	s3 =	smul.u32 $0x140, s29  }
0x218: {  	[sflag:s11] =	ssyncadd.s32 $0xFFFFEC00  }
0x219: {  	_ =	swait.ge [sflag:s11], $0x1400;
	s3 =	sshra.s32 s3, $0x2  }
0x21a: {  	[sflag:s11] =	ssyncset.done $0x0;
	s3 =	sadd.s32 $0x1A130, s3  }
0x21b: {  	s6 =	simm.s32 $0x0;
	[sflag:s11] =	ssyncadd.s32 $0xFFFFEC00;
	v3 =	vmov s3;
	s3 =	simm.s32 $0x0  }
.LBB2_19:
0x21c: {  	s7 =	sshll.u32 s3, $0x4  }
0x21d: {  	s8 =	simm.s32 $0x1;
	v4 =	vmov s7  }
0x21e: {  	v5 =	vadd.s32 s8, v0;
	v4 =	vshll.u32 v4, $0x6  }
0x21f: {  	v5 =	vand.u32 $0x3F, v5;
	v4 =	vor.u32 v1, v4  }
0x220: {  	s26 =	simm.s32 $0x2;
	v5 =	vor.u32 v4, v5  }
0x221: {  	v6 =	vadd.s32 s26, v0  }
0x222: {  	v6 =	vand.u32 $0x3F, v6  }
0x223: {  	s9 =	simm.s32 $0x3;
	v6 =	vor.u32 v4, v6  }
0x224: {  	v8 =	vadd.s32 s9, v0  }
0x225: {  	v8 =	vand.u32 $0x3F, v8;
	v9 =	vld.idx.msk [tilespmem:v5+s22+$0x0], $0xffff  }
0x226: {  	s10 =	simm.s32 $0x5;
	v8 =	vor.u32 v4, v8;
	v10 =	vld.idx.msk [tilespmem:v5+s20+$0x0], $0xffff  }
0x227: {  	s29 =	simm.s32 $0x4;
	v11 =	vadd.s32 s10, v0;
	v12 =	vld.idx.msk [tilespmem:v5+s24+$0x0], $0xffff  }
0x228: {  	s13 =	simm.s32 $0x7;
	v7 =	vadd.s32 s29, v0;
	v5 =	vand.u32 $0x3F, v11;
	v11 =	vld.idx.msk [tilespmem:v6+s22+$0x0], $0xffff  }
0x229: {  	v22 =	vadd.s32 s13, v0;
	v7 =	vand.u32 $0x3F, v7;
	v14 =	vld.idx.msk [tilespmem:v6+s24+$0x0], $0xffff  }
0x22a: {  	v22 =	vand.u32 $0x3F, v22;
	v7 =	vor.u32 v4, v7;
	v6 =	vld.idx.msk [tilespmem:v6+s20+$0x0], $0xffff  }
0x22b: {  	v22 =	vor.u32 v4, v22;
	v17 =	vld.idx.msk [tilespmem:v8+s22+$0x0], $0xffff  }
0x22c: {  	v20 =	vld.idx.msk [tilespmem:v8+s20+$0x0], $0xffff  }
0x22d: {  	v8 =	vld.idx.msk [tilespmem:v8+s24+$0x0], $0xffff  }
0x22e: {  	v13 =	vor.u32 v4, v5  }
0x22f: {  	s12 =	simm.s32 $0x6;
	v15 =	vld.idx.msk [tilespmem:v7+s20+$0x0], $0xffff  }
0x230: {  	v27 =	vld.idx.msk [tilespmem:v22+s20+$0x0], $0xffff;
	v5 =	vadd.s32 s12, v0  }
0x231: {  	v5 =	vand.u32 $0x3F, v5;
	v6 =	vmul.bf16 v14, v6;
	v14 =	vld.idx.msk [tilespmem:v7+s24+$0x0], $0xffff  }
0x232: {  	v16 =	vor.u32 v4, v5;
	v8 =	vmul.bf16 v8, v20;
	v20 =	vld.idx.msk [tilespmem:v22+s22+$0x0], $0xffff  }
0x233: {  	v19 =	vadd.s32 s6, v0;
	s10 =	simm.s32 $0xC;
	v18 =	vld.idx.msk [tilespmem:v13+s20+$0x0], $0xffff  }
0x234: {  	v19 =	vand.u32 $0x38, v19;
	v30 =	vadd.s32 s10, v0;
	v5 =	vor.u32 v2, v4;
	v21 =	vld.idx.msk [tilespmem:v13+s24+$0x0], $0xffff  }
0x235: {  	s26 =	simm.s32 $0x9;
	v19 =	vor.u32 v19, v5;
	v10 =	vmul.bf16 v12, v10;
	v8 =	vmul.bf16 v17, v8;
	v17 =	vld.idx.msk [tilespmem:v7+s22+$0x0], $0xffff  }
0x236: {  	s29 =	simm.s32 $0xA;
	v26 =	vadd.s32 s26, v0;
	v7 =	vand.u32 $0x3F, v30;
	v30 =	vld.idx.msk [tilespmem:v13+s22+$0x0], $0xffff  }
0x237: {  	v11 =	vmul.bf16 v11, v6;
	v9 =	vmul.bf16 v9, v10;
	v10 =	vadd.s32 s29, v0;
	v23 =	vld.idx.msk [tilespmem:v16+s22+$0x0], $0xffff  }
0x238: {  	v26 =	vand.u32 $0x3F, v26;
	v24 =	vld.idx.msk [tilespmem:v16+s24+$0x0], $0xffff;
	v10 =	vand.u32 $0x3F, v10  }
0x239: {  	v16 =	vld.idx.msk [tilespmem:v16+s20+$0x0], $0xffff;
	v25 =	vunpack.i.u.bf16.f32 v11;
	v11 =	vunpack.i.l.bf16.f32 v11;
	v29 =	vor.u32 v4, v10  }
0x23a: {  	v12 =	vld.idx.msk [tilespmem:v19+s20+$0x0], $0xffff;
	v25 =	vadd.f32 v11, v25;
	v11 =	vor.u32 v4, v26  }
0x23b: {  	s9 =	simm.s32 $0xB;
	v6 =	vimm.f32 $0.0e+00;
	s29 =	simm.s32 $0xF;
	v7 =	vor.u32 v4, v7;
	v28 =	vld.idx.msk [tilespmem:v19+s24+$0x0], $0xffff  }
0x23c: {  	v35 =	vadd.s32 s29, v0;
	v10 =	vadd.s32 s9, v0;
	v26 =	vld.idx.msk [tilespmem:v22+s24+$0x0], $0xffff;
	v22 =	vunpack.i.l.bf16.f32 v9  }
0x23d: {  	s12 =	simm.s32 $0xD;
	v19 =	vld.idx.msk [tilespmem:v19+s22+$0x0], $0xffff;
	v10 =	vand.u32 $0x3F, v10;
	v9 =	vunpack.i.u.bf16.f32 v9;
	v14 =	vmul.bf16 v14, v15  }
0x23e: {  	v15 =	vadd.s32 s12, v0;
	v31 =	vor.u32 v4, v10;
	v18 =	vmul.bf16 v21, v18;
	v32 =	vld.idx.msk [tilespmem:v29+s22+$0x0], $0xffff  }
0x23f: {  	v21 =	vunpack.i.u.bf16.f32 v8;
	v13 =	vadd.f32 v22, v9;
	v9 =	vand.u32 $0x3F, v15;
	v10 =	vld.idx.msk [tilespmem:v11+s22+$0x0], $0xffff  }
0x240: {  	s26 =	simm.s32 $0x8;
	v15 =	vunpack.i.l.bf16.f32 v8;
	v8 =	vor.u32 v4, v9;
	v16 =	vmul.bf16 v24, v16;
	v24 =	vld.idx.msk [tilespmem:v11+s20+$0x0], $0xffff  }
0x241: {  	v17 =	vmul.bf16 v17, v14;
	v22 =	vmul.bf16 v26, v27;
	v26 =	vld.idx.msk [tilespmem:v11+s24+$0x0], $0xffff;
	v27 =	vadd.s32 s26, v0  }
0x242: {  	s13 =	simm.s32 $0xE;
	v21 =	vadd.f32 v15, v21;
	v12 =	vmul.bf16 v28, v12;
	v9 =	vand.u32 $0x38, v27;
	v27 =	vld.idx.msk [tilespmem:v29+s24+$0x0], $0xffff  }
0x243: {  	v11 =	vadd.s32 s13, v0;
	v16 =	vmul.bf16 v23, v16;
	v23 =	vunpack.i.u.bf16.f32 v17;
	v29 =	vld.idx.msk [tilespmem:v29+s20+$0x0], $0xffff  }
0x244: {  	v17 =	vunpack.i.l.bf16.f32 v17;
	v28 =	vand.u32 $0x3F, v11;
	v19 =	vmul.bf16 v19, v12;
	v15 =	vld.idx.msk [tilespmem:v31+s22+$0x0], $0xffff  }
0x245: {  	v12 =	vmul.bf16 v30, v18;
	v18 =	vld.idx.msk [tilespmem:v31+s20+$0x0], $0xffff;
	v36 =	vadd.f32 v17, v23;
	v28 =	vor.u32 v4, v28  }
0x246: {  	v11 =	vor.u32 v9, v5;
	v9 =	vld.idx.msk [tilespmem:v7+s20+$0x0], $0xffff;
	v30 =	vunpack.i.u.bf16.f32 v16;
	v20 =	vmul.bf16 v20, v22  }
0x247: {  	v14 =	vld.idx.msk [tilespmem:v8+s20+$0x0], $0xffff;
	v22 =	vunpack.i.u.bf16.f32 v12;
	v33 =	vunpack.i.l.bf16.f32 v12;
	v12 =	vunpack.i.l.bf16.f32 v16  }
0x248: {  	v16 =	vld.idx.msk [tilespmem:v8+s24+$0x0], $0xffff;
	v30 =	vadd.f32 v12, v30;
	v34 =	vunpack.i.u.bf16.f32 v20;
	v23 =	vunpack.i.l.bf16.f32 v20  }
0x249: {  	v20 =	vand.u32 $0x3F, v35;
	v33 =	vadd.f32 v33, v22;
	v22 =	vld.idx.msk [tilespmem:v31+s24+$0x0], $0xffff;
	v27 =	vmul.bf16 v27, v29  }
0x24a: {  	v20 =	vor.u32 v4, v20;
	v34 =	vadd.f32 v23, v34;
	v23 =	vadd.f32 v21, v25;
	v12 =	vld.idx.msk [tilespmem:v28+s22+$0x0], $0xffff  }
0x24b: {  	v29 =	vunpack.i.l.bf16.f32 v19;
	v17 =	vld.idx.msk [tilespmem:v28+s24+$0x0], $0xffff;
	v32 =	vmul.bf16 v32, v27;
	v27 =	vunpack.i.u.bf16.f32 v19  }
0x24c: {  	v25 =	vmul.bf16 v26, v24;
	v24 =	vadd.f32 v33, v36;
	v21 =	vld.idx.msk [tilespmem:v28+s20+$0x0], $0xffff;
	v27 =	vadd.f32 v29, v27  }
0x24d: {  	s8 =	simm.s32 $0x2;
	s9 =	simm.s32 $0x10;
	v28 =	vadd.f32 v34, v30;
	v19 =	vld.idx.msk [tilespmem:v7+s24+$0x0], $0xffff;
	v26 =	vunpack.i.u.bf16.f32 v32;
	v29 =	vunpack.i.l.bf16.f32 v32  }
.LBB2_20:
0x24e: {  	s10 =	sadd.s32 $0x1, s9;
	s12 =	sadd.s32 $0x2, s9;
	s13 =	sadd.s32 $0x3, s9;
	v30 =	vld.idx.msk [tilespmem:v11+s20+$0x0], $0xffff;
	v10 =	vmul.bf16 v10, v25;
	v25 =	vadd.f32 v29, v26;
	v13 =	vadd.f32 v13, v27  }
0x24f: {  	s8 =	sadd.s32 $0x2, s8;
	v26 =	vadd.s32 s10, v0;
	v27 =	vadd.s32 s12, v0;
	v29 =	vld.idx.msk [tilespmem:v20+s20+$0x0], $0xffff;
	v24 =	vadd.f32 v28, v24  }
0x250: {  	p0 =	slt.u32 s8, $0xE;
	v26 =	vand.u32 $0x3F, v26;
	v27 =	vand.u32 $0x3F, v27;
	v28 =	vld.idx.msk [tilespmem:v11+s24+$0x0], $0xffff;
	v13 =	vadd.f32 v23, v13  }
0x251: {  	v18 =	vmul.bf16 v22, v18;
	v23 =	vor.u32 v4, v26;
	v26 =	vor.u32 v4, v27;
	v22 =	vld.idx.msk [tilespmem:v20+s24+$0x0], $0xffff  }
0x252: {  	s10 =	sadd.s32 $0x4, s9;
	v31 =	vunpack.i.l.bf16.f32 v10;
	v27 =	vadd.s32 s13, v0;
	v20 =	vld.idx.msk [tilespmem:v20+s22+$0x0], $0xffff;
	v6 =	vadd.f32 v13, v6  }
0x253: {  	v13 =	vand.u32 $0x3F, v27;
	v27 =	vadd.s32 s10, v0;
	v32 =	vld.idx.msk [tilespmem:v11+s22+$0x0], $0xffff;
	v11 =	vmul.bf16 v15, v18  }
0x254: {  	v33 =	vor.u32 v4, v13;
	v13 =	vunpack.i.u.bf16.f32 v10;
	v15 =	vld.idx.msk [tilespmem:v7+s22+$0x0], $0xffff;
	v6 =	vadd.f32 v24, v6  }
0x255: {  	v14 =	vmul.bf16 v16, v14;
	v16 =	vmul.bf16 v17, v21;
	v7 =	vand.u32 $0x3F, v27;
	v18 =	vld.idx.msk [tilespmem:v8+s22+$0x0], $0xffff  }
0x256: {  	v9 =	vmul.bf16 v19, v9;
	s10 =	sadd.s32 $0x5, s9;
	v7 =	vor.u32 v4, v7;
	v17 =	vunpack.i.u.bf16.f32 v11;
	v10 =	vld.idx.msk [tilespmem:v23+s22+$0x0], $0xffff  }
0x257: {  	v13 =	vadd.f32 v31, v13;
	v8 =	vadd.s32 s10, v0;
	s10 =	sadd.s32 $0x6, s9;
	v21 =	vmul.bf16 v22, v29;
	v19 =	vld.idx.msk [tilespmem:v23+s20+$0x0], $0xffff  }
0x258: {  	v11 =	vunpack.i.l.bf16.f32 v11;
	v8 =	vand.u32 $0x3F, v8;
	v22 =	vadd.s32 s10, v0;
	v24 =	vld.idx.msk [tilespmem:v23+s24+$0x0], $0xffff  }
0x259: {  	v28 =	vmul.bf16 v28, v30;
	v8 =	vor.u32 v4, v8;
	v23 =	vadd.s32 s9, v0;
	v27 =	vld.idx.msk [tilespmem:v26+s22+$0x0], $0xffff  }
0x25a: {  	v30 =	vadd.f32 v11, v17;
	v22 =	vand.u32 $0x3F, v22;
	v23 =	vand.u32 $0x38, v23;
	v29 =	vld.idx.msk [tilespmem:v26+s24+$0x0], $0xffff  }
0x25b: {  	v12 =	vmul.bf16 v12, v16;
	v11 =	vor.u32 v23, v5;
	v23 =	vmul.bf16 v15, v9;
	v17 =	vld.idx.msk [tilespmem:v26+s20+$0x0], $0xffff  }
0x25c: {  	v31 =	vor.u32 v4, v22;
	v16 =	vmul.bf16 v18, v14;
	v26 =	vmul.bf16 v32, v28;
	v9 =	vld.idx.msk [tilespmem:v7+s20+$0x0], $0xffff  }
0x25d: {  	v20 =	vmul.bf16 v20, v21;
	v28 =	vunpack.i.u.bf16.f32 v12;
	v22 =	vunpack.i.u.bf16.f32 v23;
	v15 =	vld.idx.msk [tilespmem:v33+s22+$0x0], $0xffff  }
0x25e: {  	v12 =	vunpack.i.l.bf16.f32 v12;
	v21 =	vunpack.i.u.bf16.f32 v16;
	v32 =	vunpack.i.l.bf16.f32 v16;
	v14 =	vld.idx.msk [tilespmem:v8+s20+$0x0], $0xffff  }
0x25f: {  	s10 =	sadd.s32 $0x7, s9;
	v34 =	vunpack.i.u.bf16.f32 v20;
	v23 =	vunpack.i.l.bf16.f32 v23;
	v28 =	vadd.f32 v12, v28;
	v18 =	vld.idx.msk [tilespmem:v33+s20+$0x0], $0xffff  }
0x260: {  	v35 =	vadd.s32 s10, v0;
	v36 =	vadd.f32 v23, v22;
	v22 =	vunpack.i.l.bf16.f32 v20;
	v16 =	vld.idx.msk [tilespmem:v8+s24+$0x0], $0xffff  }
.Ltmp8:
0x261: {  	v20 =	vand.u32 $0x3F, v35;
	v23 =	vmul.bf16 v29, v17;
	v29 =	vunpack.i.l.bf16.f32 v26;
	v12 =	vld.idx.msk [tilespmem:v31+s22+$0x0], $0xffff;
	(pc) =	sbr.rel @p0 .LBB2_20-.Ltmp8, $4  }
0x262: {  	v21 =	vadd.f32 v32, v21;
	v20 =	vor.u32 v4, v20;
	v32 =	vadd.f32 v22, v34;
	v17 =	vld.idx.msk [tilespmem:v31+s24+$0x0], $0xffff  }
0x263: {  	v26 =	vunpack.i.u.bf16.f32 v26;
	v34 =	vmul.bf16 v27, v23;
	v23 =	vadd.f32 v30, v25;
	v22 =	vld.idx.msk [tilespmem:v33+s24+$0x0], $0xffff  }
0x264: {  	v25 =	vmul.bf16 v24, v19;
	v27 =	vadd.f32 v29, v26;
	v24 =	vadd.f32 v21, v36;
	v19 =	vld.idx.msk [tilespmem:v7+s24+$0x0], $0xffff  }
0x265: {  	s9 =	sadd.s32 $0x8, s9;
	v28 =	vadd.f32 v32, v28;
	v26 =	vunpack.i.u.bf16.f32 v34;
	v29 =	vunpack.i.l.bf16.f32 v34;
	v21 =	vld.idx.msk [tilespmem:v31+s20+$0x0], $0xffff  }
0x266: {  	_ =	sdelay $0x3  }
0x267: {  	v4 =	vld.idx.msk [tilespmem:v11+s20+$0x0], $0xffff  }
0x268: {  	v5 =	vld.idx.msk [tilespmem:v20+s20+$0x0], $0xffff  }
0x269: {  	v47 =	vld.idx.msk [tilespmem:v11+s24+$0x0], $0xffff  }
0x26a: {  	v48 =	vld.idx.msk [tilespmem:v20+s24+$0x0], $0xffff  }
0x26b: {  	v13 =	vadd.f32 v13, v27;
	v7 =	vld.idx.msk [tilespmem:v7+s22+$0x0], $0xffff  }
0x26c: {  	v10 =	vmul.bf16 v10, v25;
	v49 =	vadd.f32 v29, v26;
	v8 =	vld.idx.msk [tilespmem:v8+s22+$0x0], $0xffff;
	v14 =	vmul.bf16 v16, v14  }
0x26d: {  	v52 =	vld.idx.msk [tilespmem:v11+s22+$0x0], $0xffff;
	v50 =	vadd.f32 v28, v24;
	v13 =	vadd.f32 v23, v13;
	v18 =	vmul.bf16 v22, v18  }
0x26e: {  	v54 =	vld.idx.msk [tilespmem:v20+s22+$0x0], $0xffff;
	v51 =	vunpack.i.l.bf16.f32 v10;
	v10 =	vunpack.i.u.bf16.f32 v10;
	v9 =	vmul.bf16 v19, v9  }
0x26f: {  	v10 =	vadd.f32 v51, v10;
	v53 =	vmul.bf16 v15, v18;
	v55 =	vmul.bf16 v17, v21  }
0x270: {  	v6 =	vadd.f32 v13, v6;
	v4 =	vmul.bf16 v47, v4;
	v7 =	vmul.bf16 v7, v9  }
0x271: {  	v5 =	vmul.bf16 v48, v5;
	v56 =	vunpack.i.u.bf16.f32 v53;
	v13 =	vunpack.i.l.bf16.f32 v53  }
0x272: {  	v8 =	vmul.bf16 v8, v14;
	v57 =	vmul.bf16 v12, v55;
	v58 =	vadd.f32 v13, v56  }
0x273: {  	v4 =	vmul.bf16 v52, v4;
	v59 =	vunpack.i.u.bf16.f32 v7;
	v5 =	vmul.bf16 v54, v5  }
0x274: {  	v14 =	vunpack.i.u.bf16.f32 v8;
	v8 =	vunpack.i.l.bf16.f32 v8;
	v7 =	vunpack.i.l.bf16.f32 v7  }
0x275: {  	v60 =	vunpack.i.u.bf16.f32 v57;
	v9 =	vunpack.i.l.bf16.f32 v57;
	v7 =	vadd.f32 v7, v59  }
0x276: {  	v8 =	vadd.f32 v8, v14;
	v62 =	vunpack.i.l.bf16.f32 v4;
	v4 =	vunpack.i.u.bf16.f32 v4  }
0x277: {  	v9 =	vadd.f32 v9, v60;
	v4 =	vadd.f32 v62, v4  }
0x278: {  	v61 =	vunpack.i.u.bf16.f32 v5;
	v5 =	vunpack.i.l.bf16.f32 v5;
	v63 =	vadd.f32 v58, v49  }
0x279: {  	v5 =	vadd.f32 v5, v61;
	v4 =	vadd.f32 v10, v4  }
0x27a: {  	v6 =	vadd.f32 v50, v6;
	v7 =	vadd.f32 v8, v7  }
0x27b: {  	s3 =	sadd.s32 $0x1, s3;
	v5 =	vadd.f32 v5, v9;
	v4 =	vadd.f32 v63, v4  }
0x27c: {  	p0 =	sne.s32 s3, $0x5  }
.Ltmp9:
0x27d: {  	v5 =	vadd.f32 v5, v7;
	v4 =	vadd.f32 v4, v6;
	(pc) =	sbr.rel @p0 .LBB2_19-.Ltmp9, $3  }
0x27e: {  	_ = 	snop  }
0x27f: {  	v4 =	vadd.f32 v5, v4;
	_ =	sdelay $0x1  }
0x280: {  	[tilespmem:v3+s7+$0x0 ss:$0x1] =	vst.idx.msk $0xffff, v4  }
0x281: {  	s5 =	sadd.s32 $0x1, s5  }
0x282: {  	p0 =	sne.s32 s5, $0x19  }
.Ltmp10:
0x283: {  	_ = 	snop;
	(pc) =	sbr.rel @p0 .LBB2_2-.Ltmp10, $1  }
0x284: {  	_ =	sdelay $0x3  }
0x285: {  	s8 =	simm.s32 $0x0;
	s3 =	rddreg [dreg:$0x7];
	s5 =	simm.s32 $0x1A130  }
0x286: {  	[hbm4b:s3+s8] =	stream.linear.scatter [tilespmem:s5], [sflag:$0x6], $0x2710, $0x38;
	[tilespmem:$0x1C840] =	vst v63  }
0x287: {  	s5 =	simm.s32 $0x6  }
0x288: {  	_ =	swait.ge [sflag:s5], $0x2710  }
0x289: {  	s6 =	rddreg [dreg:$0x9]  }
0x28a: {  	s29 =	rddreg [dreg:$0x8];
	s6 =	sadd.s32 $0x1, s6  }
0x28b: {  	p0 =	sne.s32 s6, s29  }
.Ltmp11:
0x28c: {  	_ = 	snop;
	(pc) =	sbr.rel @p0 .LBB2_1-.Ltmp11, $3  }
0x28d: {  	_ =	sdelay $0x1  }
0x28e: {  	[sflag:s5] =	ssyncset.done $0x0  }
0x28f: {  	[sflag:s5] =	ssyncadd.s32 $0xFFFFD8F0  }
0x290: {  	_ =	sfence.sel $0x180000  }
0x291: {  	[bflag:$0x0] =	sbarrier.arrive $0xFFFF  }
0x292: {  	_ =	strace $0x90000047  }
0x293: {  	s0 =	stileid.u32;
	[bflag:$0x2] =	sbarrier.arrive $0xFFFF  }
0x294: {  	p0 =	sne.s32 s0, $0x0;
	s0 =	rddreg [dreg:$0x3]  }
0x295: {  	s0 =	sadd.s32 @!p0 $0x100000, s0  }
0x296: {  	[sflag:s0] =	ssyncadd.tile.s32 @!p0 $0x1;
	_ =	shalt  }
.Lfunc_end2:
_tile_overlayer_lowered:
.L_overlay_start_2:
0x297: {  	(tag) =	ssettag $0x2  }
0x298: {  	s0 =	rddreg [dreg:$0x0];
	s2 =	stileid.u32  }
0x299: {  	s1 =	rddreg [dreg:$0x1];
	p0 =	sne.s32 s2, $0x0  }
0x29a: {  	s3 =	rddreg [dreg:$0x2];
	[bflag:$0x3] =	sbarrier.arrive $0xFFFF;
	s2 =	simm.s32 @!p0 $0x1C06  }
0x29b: {  	[timem:s3], [sflag:s2] =	dma.local @!p0 [hbm:s0], s1  }
0x29c: {  	s0 =	simm.s32 @!p0 $0x6  }
0x29d: {  	_ =	swait.ge @!p0 [sflag:s0], s1  }
0x29e: {  	s1 =	ssub.s32 @!p0 $0x0, s1;
	[sflag:s0] =	ssyncset.done @!p0 $0x0  }
0x29f: {  	[sflag:s0] =	ssyncadd.s32 @!p0 s1  }
0x2a0: {  	[bflag:$0x3] =	sbarrier.arrive $0xFFFF  }
0x2a1: {  	_ =	shalt  }

</sc_bundles>
